<compile_context>
chip_gen: v7x
topology: tpu7x:2x2x1
jax: 0.10.2.dev20260603
libtpu: 0.0.44.dev20260713+nightly
codegen_flags: <defaults>
</compile_context>

<pallas_src>
import functools

import jax
import jax.numpy as jnp
from jax import lax
from jax.experimental import pallas as pl
from jax.experimental.pallas import tpu as pltpu
from jax.experimental.pallas import tpu_sc as plsc

_NC = 2
_NS = 16
_NW = _NC * _NS
_K = 64
_NBUF = 4
_NSEC = 8
_GPS = 5
_SEC = _NBUF * _GPS
_CPW = _NSEC * _SEC
_EPW = _CPW * _K


def _make_sc_agg(N, D):
    ZTILES = 10
    RPT = N // ZTILES

    mesh = plsc.VectorSubcoreMesh(core_axis_name="c", subcore_axis_name="s")

    @functools.partial(
        pl.kernel,
        out_type=jax.ShapeDtypeStruct((_NC, N, D), jnp.float32),
        mesh=mesh,
        scratch_types=[
            pltpu.VMEM_SHARED((N, D), jnp.float32),
            pltpu.VMEM((_EPW,), jnp.int32),
            pltpu.VMEM((2, _SEC, _K), jnp.int32),
        ]
        + [pltpu.VMEM((_K, D), jnp.float32)] * _NBUF
        + [pltpu.SemaphoreType.DMA] * (2 * _NBUF + 1),
    )
    def agg(h_hbm, src_hbm, dst_hbm, zeros_hbm, out_hbm,
            acc, src_v, dst_v, *bufs_and_sems):
        rows = bufs_and_sems[:_NBUF]
        gsem = bufs_and_sems[_NBUF:2 * _NBUF]
        ssem = bufs_and_sems[2 * _NBUF:3 * _NBUF]
        isem = bufs_and_sems[3 * _NBUF]
        c = lax.axis_index("c")
        s = lax.axis_index("s")
        wid = s * _NC + c

        @pl.when(s < ZTILES)
        def _zero():
            base = pl.multiple_of(s * RPT, 8)
            pltpu.sync_copy(zeros_hbm, acc.at[pl.ds(base, RPT)])

        pltpu.sync_copy(src_hbm.at[wid], src_v)
        pltpu.sync_copy(dst_hbm.at[wid, 0], dst_v.at[0])
        plsc.subcore_barrier()

        def _src_slice(j):
            return src_v.at[pl.ds(pl.multiple_of(j * _K, 8), _K)]

        def g_start(j, b):
            pltpu.async_copy(h_hbm.at[_src_slice(j)], rows[b], gsem[b])

        def g_wait(j, b):
            pltpu.make_async_copy(h_hbm.at[_src_slice(j)], rows[b],
                                  gsem[b]).wait()

        def s_start(dref, b):
            pltpu.async_copy(rows[b], acc.at[dref], ssem[b], add=True)

        def s_wait(dref, b):
            pltpu.make_async_copy(rows[b], acc.at[dref], ssem[b]).wait()

        for b in range(_NBUF):
            g_start(b, b)

        def body(g, carry):
            sec = lax.div(g, _GPS)
            i = lax.rem(g, _GPS)
            par = lax.rem(sec, 2)
            j = g * _NBUF

            @pl.when(jnp.logical_and(i == 0, sec > 0))
            def _wait_section():
                pltpu.make_async_copy(dst_hbm.at[wid, sec], dst_v.at[par],
                                      isem).wait()

            @pl.when(jnp.logical_and(i == 0, sec < _NSEC - 1))
            def _prefetch_section():
                pltpu.async_copy(dst_hbm.at[wid, sec + 1],
                                 dst_v.at[1 - par], isem)

            for b in range(_NBUF):
                g_wait(j + b, b)
                s_start(dst_v.at[par, i * _NBUF + b], b)
            for b in range(_NBUF):
                jb = j + b

                @pl.when(jb + _NBUF < _CPW)
                def _refill(jb=jb, b=b, par=par, i=i):
                    s_wait(dst_v.at[par, i * _NBUF + b], b)
                    g_start(jb + _NBUF, b)

            return carry

        lax.fori_loop(0, _NSEC * _GPS, body, 0)

        for b in range(_NBUF):
            s_wait(dst_v.at[(_NSEC - 1) % 2, _SEC - _NBUF + b], b)
        plsc.subcore_barrier()

        @pl.when(s < ZTILES)
        def _writeback():
            base = pl.multiple_of(s * RPT, 8)
            pltpu.sync_copy(acc.at[pl.ds(base, RPT)],
                            out_hbm.at[c, pl.ds(base, RPT)])

    return agg


def _dense_body(G, scale_ref, batch_ref, h_ref, p0_ref, p1_ref,
                w1_ref, b1_ref, g1_ref, bb1_ref,
                w2_ref, b2_ref, g2_ref, bb2_ref,
                h_out_ref, pool_ref):
    n = p0_ref.shape[0]
    y = h_ref[pl.ds(0, n)] * scale_ref[0, 0] + (p0_ref[...] + p1_ref[...])
    z = jnp.dot(y, w1_ref[...], preferred_element_type=jnp.float32) + b1_ref[...]
    mu = jnp.mean(z, axis=0, keepdims=True)
    var = jnp.mean(jnp.square(z - mu), axis=0, keepdims=True)
    z = g1_ref[...] * (z - mu) / jnp.sqrt(var + 1e-5) + bb1_ref[...]
    z = jnp.maximum(z, 0.0)
    z = jnp.dot(z, w2_ref[...], preferred_element_type=jnp.float32) + b2_ref[...]
    mu2 = jnp.mean(z, axis=0, keepdims=True)
    var2 = jnp.mean(jnp.square(z - mu2), axis=0, keepdims=True)
    h2 = g2_ref[...] * (z - mu2) / jnp.sqrt(var2 + 1e-5) + bb2_ref[...]
    h2 = jnp.maximum(h2, 0.0)
    h_out_ref[pl.ds(0, n)] = h2
    h_out_ref[pl.ds(n, 8)] = jnp.zeros((8, h2.shape[1]), jnp.float32)
    oh = (batch_ref[...] == lax.broadcasted_iota(jnp.int32, (G, n), 0))
    pool_ref[...] = jnp.dot(oh.astype(jnp.float32), h2,
                            preferred_element_type=jnp.float32)


def _dense_layer(G, scale, batch2, h, p0, p1, prm):
    n = p0.shape[0]
    hdim = prm["W1"].shape[1]
    return pl.pallas_call(
        functools.partial(_dense_body, G),
        out_shape=[
            jax.ShapeDtypeStruct((n + 8, hdim), jnp.float32),
            jax.ShapeDtypeStruct((G, hdim), jnp.float32),
        ],
        in_specs=[pl.BlockSpec(memory_space=pltpu.SMEM)]
        + [pl.BlockSpec(memory_space=pltpu.VMEM)] * 12,
    )(scale, batch2, h, p0, p1,
      prm["W1"], prm["b1"].reshape(1, -1), prm["bn1_g"].reshape(1, -1),
      prm["bn1_b"].reshape(1, -1),
      prm["W2"], prm["b2"].reshape(1, -1), prm["bn_g"].reshape(1, -1),
      prm["bn_b"].reshape(1, -1))


def kernel(x, edge_index, batch, params):
    N, D = x.shape
    E = edge_index.shape[1]
    G = 64

    ei = edge_index.astype(jnp.int32)
    rpw = E // _NW
    ppw = _EPW - rpw
    pad_src = jnp.broadcast_to(
        N + (jnp.arange(ppw, dtype=jnp.int32) % 8), (_NW, ppw))
    pad_dst = (jnp.arange(_NW, dtype=jnp.int32)[:, None] * ppw
               + jnp.arange(ppw, dtype=jnp.int32)[None, :])
    src = jnp.concatenate([ei[0].reshape(_NW, rpw), pad_src], axis=1)
    dst = jnp.concatenate([ei[1].reshape(_NW, rpw), pad_dst], axis=1)
    src = src.reshape(_NW, _EPW)
    dst = dst.reshape(_NW, _NSEC, _SEC, _K)
    zeros = jnp.zeros((N // 10, D), jnp.float32)
    batch2 = batch.astype(jnp.int32).reshape(1, N)

    sc_agg = _make_sc_agg(N, D)

    h = jnp.concatenate([x, jnp.zeros((8, D), jnp.float32)], axis=0)
    reps, pools = [], []
    for prm in params:
        parts = sc_agg(h, src, dst, zeros)
        scale = jnp.reshape(1.0 + prm["eps"], (1, 1))
        h, pooled = _dense_layer(G, scale, batch2, h, parts[0], parts[1], prm)
        reps.append(h[:N])
        pools.append(pooled)

    graph_rep = jnp.concatenate(pools, axis=1)
    node_rep = jnp.concatenate(reps, axis=1)
    return (graph_rep, node_rep)

# --- scband reference (transcript-rebuilt; emitter-appended) ---
"""Pipeline reference for scband-encoder-46136538694065 (READ-ONLY COPY).

The authoritative reference and input builder live on the scoring server;
editing this copy changes nothing except your own understanding.
"""

import jax, jax.numpy as jnp
import numpy as np

N = 10000
E = 320000
D = 128
H = 128
G = 64
L = 3


def setup_inputs(seed: int = 0) -> dict:
    key = jax.random.key(seed)
    ks = jax.random.split(key, 16)
    x = jax.random.normal(ks[0], (N, D), dtype=jnp.float32)
    edge_index = jax.random.randint(ks[1], (2, E), 0, N, dtype=jnp.int64) if jax.config.jax_enable_x64 else jax.random.randint(ks[1], (2, E), 0, N, dtype=jnp.int32)
    batch = jnp.sort(jax.random.randint(ks[2], (N,), 0, G, dtype=jnp.int32))
    params = []
    kidx = 3
    for i in range(L):
        din = D if i == 0 else H
        s1 = 1.0 / np.sqrt(din)
        s2 = 1.0 / np.sqrt(H)
        p = {
            "eps": jnp.zeros((), jnp.float32),
            "W1": jax.random.uniform(ks[kidx], (din, H), jnp.float32, -s1, s1),
            "b1": jnp.zeros((H,), jnp.float32),
            "bn1_g": jnp.ones((H,), jnp.float32),
            "bn1_b": jnp.zeros((H,), jnp.float32),
            "W2": jax.random.uniform(ks[kidx + 1], (H, H), jnp.float32, -s2, s2),
            "b2": jnp.zeros((H,), jnp.float32),
            "bn_g": jnp.ones((H,), jnp.float32),
            "bn_b": jnp.zeros((H,), jnp.float32),
        }
        kidx += 2
        params.append(p)
    return {"x": x, "edge_index": edge_index, "batch": batch, "params": params}


def _bn(h, g, b):
    mu = jnp.mean(h, axis=0)
    var = jnp.var(h, axis=0)
    return g * (h - mu) / jnp.sqrt(var + 1e-5) + b


def _forward(x, params, edge_index, batch):
    src = edge_index[0]
    dst = edge_index[1]
    layer_rep = []
    h = x
    for p in params:
        # GIN aggregation: sum of neighbor features (scatter-add over dst)
        agg = jnp.zeros((h.shape[0], h.shape[1]), h.dtype).at[dst].add(h[src])
        z = (1.0 + p["eps"]) * h + agg
        # MLP: Linear -> BatchNorm -> ReLU -> Linear
        z = z @ p["W1"] + p["b1"]
        z = jax.nn.relu(_bn(z, p["bn1_g"], p["bn1_b"]))
        z = z @ p["W2"] + p["b2"]
        # outer BatchNorm + ReLU (Encoder level)
        h = jax.nn.relu(_bn(z, p["bn_g"], p["bn_b"]))
        layer_rep.append(h)
    pooled_rep = [jax.ops.segment_sum(r, batch, num_segments=G) for r in layer_rep]
    node_rep = jnp.concatenate(layer_rep, axis=1)
    graph_rep = jnp.concatenate(pooled_rep, axis=1)
    return (graph_rep, node_rep)


def reference(x, edge_index, batch, params):
    return _forward(x, params, edge_index, batch)

if __name__ == "__main__":
    import jax
    _d = setup_inputs()
    print(jax.jit(kernel)(*tuple(_d.values())))

</pallas_src>

<mosaic_0001>
#map = affine_map<(d0, d1) -> (0, 0)>
#map1 = affine_map<(d0, d1) -> (0, 0, 0, 0)>
#map2 = affine_map<(d0, d1) -> (0, 0, 0)>
module attributes {stable_mosaic.version = 14 : i64} {
  func.func @agg(%arg0: i32, %arg1: i32, %arg2: memref<10008x128xf32, #tpu.memory_space<hbm>>, %arg3: memref<32x10240xi32, #tpu.memory_space<hbm>>, %arg4: memref<32x8x20x64xi32, #tpu.memory_space<hbm>>, %arg5: memref<1000x128xf32, #tpu.memory_space<hbm>>, %arg6: memref<2x10000x128xf32, #tpu.memory_space<hbm>>, %arg7: memref<10000x128xf32, #tpu.memory_space<vmem_shared>>, %arg8: memref<10240xi32, #tpu.memory_space<vmem>>, %arg9: memref<2x20x64xi32, #tpu.memory_space<vmem>>, %arg10: memref<64x128xf32, #tpu.memory_space<vmem>>, %arg11: memref<64x128xf32, #tpu.memory_space<vmem>>, %arg12: memref<64x128xf32, #tpu.memory_space<vmem>>, %arg13: memref<64x128xf32, #tpu.memory_space<vmem>>, %arg14: memref<!tpu.dma_semaphore, #tpu.memory_space<semaphore_mem>>, %arg15: memref<!tpu.dma_semaphore, #tpu.memory_space<semaphore_mem>>, %arg16: memref<!tpu.dma_semaphore, #tpu.memory_space<semaphore_mem>>, %arg17: memref<!tpu.dma_semaphore, #tpu.memory_space<semaphore_mem>>, %arg18: memref<!tpu.dma_semaphore, #tpu.memory_space<semaphore_mem>>, %arg19: memref<!tpu.dma_semaphore, #tpu.memory_space<semaphore_mem>>, %arg20: memref<!tpu.dma_semaphore, #tpu.memory_space<semaphore_mem>>, %arg21: memref<!tpu.dma_semaphore, #tpu.memory_space<semaphore_mem>>, %arg22: memref<!tpu.dma_semaphore, #tpu.memory_space<semaphore_mem>>) attributes {dimension_semantics = [#tpu.dimension_semantics<core_parallel>, #tpu.dimension_semantics<subcore_parallel>], iteration_bounds = array<i64: 2, 16>, scalar_prefetch = 0 : i64, scratch_operands = 16 : i64, tpu.core_type = #tpu.core_type<sc_vector_subcore>, window_params = [{transform_indices = #map}, {transform_indices = #map}, {transform_indices = #map1}, {transform_indices = #map}, {transform_indices = #map2}]} {
    %mul3A = arith.constant 2 : i32
    %mul3A_0 = arith.muli %arg1, %mul3A : i32
    %add3A = arith.addi %mul3A_0, %arg0 : i32
    %lt3A = arith.constant 10 : i32
    %lt3A_1 = arith.cmpi slt, %arg1, %lt3A : i32
    %convert_element_type3A = arith.extui %lt3A_1 : i1 to i32
    %cond3A = arith.constant 0 : i32
    %cond3A_2 = arith.cmpi ne, %convert_element_type3A, %cond3A : i32
    scf.if %cond3A_2 {
      %mul3A_68 = arith.constant 1000 : i32
      %mul3A_69 = arith.muli %arg1, %mul3A_68 : i32
      %multiple_of3A_70 = tpu.assume_multiple %mul3A_69, 8 : i32
      "tpu.region"() ({
        %run_scoped3A_71 = tpu.sem_alloc : memref<!tpu.dma_semaphore, #tpu.memory_space<semaphore_mem>>
        %dma_start3A_72 = arith.constant 0 : i32
        %dma_start3A_73 = tpu.memref_slice %arg7[%multiple_of3A_70, %dma_start3A_72] : memref<10000x128xf32, #tpu.memory_space<vmem_shared>> -> memref<1000x128xf32, #tpu.memory_space<vmem_shared>>
        tpu.enqueue_dma source(%arg5 : memref<1000x128xf32, #tpu.memory_space<hbm>>) target(%dma_start3A_73 : memref<1000x128xf32, #tpu.memory_space<vmem_shared>>) target_semaphore(%run_scoped3A_71 : memref<!tpu.dma_semaphore, #tpu.memory_space<semaphore_mem>>)
        %dma_wait3A_74 = arith.constant 0 : i32
        %dma_wait3A_75 = tpu.memref_slice %arg7[%multiple_of3A_70, %dma_wait3A_74] : memref<10000x128xf32, #tpu.memory_space<vmem_shared>> -> memref<1000x128xf32, #tpu.memory_space<vmem_shared>>
        tpu.wait_dma2 semaphore(%run_scoped3A_71 : memref<!tpu.dma_semaphore, #tpu.memory_space<semaphore_mem>>) src(%arg5 : memref<1000x128xf32, #tpu.memory_space<hbm>>) dst(%dma_wait3A_75 : memref<1000x128xf32, #tpu.memory_space<vmem_shared>>)
        tpu.yield
      }) : () -> ()
    } else {
    }
    "tpu.region"() ({
      %run_scoped3A_68 = tpu.sem_alloc : memref<!tpu.dma_semaphore, #tpu.memory_space<semaphore_mem>>
      %dma_start3A_69 = arith.constant 0 : i32
      %dma_start3A_70 = tpu.memref_slice %arg3[%add3A, %dma_start3A_69] : memref<32x10240xi32, #tpu.memory_space<hbm>> -> memref<1x10240xi32, #tpu.memory_space<hbm>>
      %dma_start3A_71 = tpu.memref_squeeze %dma_start3A_70 : memref<1x10240xi32, #tpu.memory_space<hbm>> -> memref<10240xi32, #tpu.memory_space<hbm>>
      %dma_start3A_72 = arith.constant 0 : i32
      %dma_start3A_73 = tpu.memref_slice %arg3[%add3A, %dma_start3A_72] : memref<32x10240xi32, #tpu.memory_space<hbm>> -> memref<1x10240xi32, #tpu.memory_space<hbm>>
      %dma_start3A_74 = tpu.memref_squeeze %dma_start3A_73 : memref<1x10240xi32, #tpu.memory_space<hbm>> -> memref<10240xi32, #tpu.memory_space<hbm>>
      tpu.enqueue_dma source(%dma_start3A_74 : memref<10240xi32, #tpu.memory_space<hbm>>) target(%arg8 : memref<10240xi32, #tpu.memory_space<vmem>>) target_semaphore(%run_scoped3A_68 : memref<!tpu.dma_semaphore, #tpu.memory_space<semaphore_mem>>)
      %dma_wait3A_75 = arith.constant 0 : i32
      %dma_wait3A_76 = tpu.memref_slice %arg3[%add3A, %dma_wait3A_75] : memref<32x10240xi32, #tpu.memory_space<hbm>> -> memref<1x10240xi32, #tpu.memory_space<hbm>>
      %dma_wait3A_77 = tpu.memref_squeeze %dma_wait3A_76 : memref<1x10240xi32, #tpu.memory_space<hbm>> -> memref<10240xi32, #tpu.memory_space<hbm>>
      %dma_wait3A_78 = arith.constant 0 : i32
      %dma_wait3A_79 = tpu.memref_slice %arg3[%add3A, %dma_wait3A_78] : memref<32x10240xi32, #tpu.memory_space<hbm>> -> memref<1x10240xi32, #tpu.memory_space<hbm>>
      %dma_wait3A_80 = tpu.memref_squeeze %dma_wait3A_79 : memref<1x10240xi32, #tpu.memory_space<hbm>> -> memref<10240xi32, #tpu.memory_space<hbm>>
      tpu.wait_dma2 semaphore(%run_scoped3A_68 : memref<!tpu.dma_semaphore, #tpu.memory_space<semaphore_mem>>) src(%dma_wait3A_80 : memref<10240xi32, #tpu.memory_space<hbm>>) dst(%arg8 : memref<10240xi32, #tpu.memory_space<vmem>>)
      tpu.yield
    }) : () -> ()
    %run_scoped3A = arith.constant 0 : i32
    %run_scoped3A_3 = arith.constant 0 : i32
    "tpu.region"() ({
      %run_scoped3A_68 = tpu.sem_alloc : memref<!tpu.dma_semaphore, #tpu.memory_space<semaphore_mem>>
      %dma_start3A_69 = arith.constant 0 : i32
      %dma_start3A_70 = arith.constant 0 : i32
      %dma_start3A_71 = tpu.memref_slice %arg9[%run_scoped3A_3, %dma_start3A_69, %dma_start3A_70] : memref<2x20x64xi32, #tpu.memory_space<vmem>> -> memref<1x20x64xi32, #tpu.memory_space<vmem>>
      %dma_start3A_72 = tpu.memref_squeeze %dma_start3A_71 : memref<1x20x64xi32, #tpu.memory_space<vmem>> -> memref<20x64xi32, #tpu.memory_space<vmem>>
      %dma_start3A_73 = arith.constant 0 : i32
      %dma_start3A_74 = arith.constant 0 : i32
      %dma_start3A_75 = tpu.memref_slice %arg4[%add3A, %run_scoped3A, %dma_start3A_73, %dma_start3A_74] : memref<32x8x20x64xi32, #tpu.memory_space<hbm>> -> memref<1x1x20x64xi32, #tpu.memory_space<hbm>>
      %dma_start3A_76 = tpu.memref_squeeze %dma_start3A_75 : memref<1x1x20x64xi32, #tpu.memory_space<hbm>> -> memref<20x64xi32, #tpu.memory_space<hbm>>
      %dma_start3A_77 = arith.constant 0 : i32
      %dma_start3A_78 = arith.constant 0 : i32
      %dma_start3A_79 = tpu.memref_slice %arg9[%run_scoped3A_3, %dma_start3A_77, %dma_start3A_78] : memref<2x20x64xi32, #tpu.memory_space<vmem>> -> memref<1x20x64xi32, #tpu.memory_space<vmem>>
      %dma_start3A_80 = tpu.memref_squeeze %dma_start3A_79 : memref<1x20x64xi32, #tpu.memory_space<vmem>> -> memref<20x64xi32, #tpu.memory_space<vmem>>
      %dma_start3A_81 = arith.constant 0 : i32
      %dma_start3A_82 = arith.constant 0 : i32
      %dma_start3A_83 = tpu.memref_slice %arg4[%add3A, %run_scoped3A, %dma_start3A_81, %dma_start3A_82] : memref<32x8x20x64xi32, #tpu.memory_space<hbm>> -> memref<1x1x20x64xi32, #tpu.memory_space<hbm>>
      %dma_start3A_84 = tpu.memref_squeeze %dma_start3A_83 : memref<1x1x20x64xi32, #tpu.memory_space<hbm>> -> memref<20x64xi32, #tpu.memory_space<hbm>>
      tpu.enqueue_dma source(%dma_start3A_84 : memref<20x64xi32, #tpu.memory_space<hbm>>) target(%dma_start3A_80 : memref<20x64xi32, #tpu.memory_space<vmem>>) target_semaphore(%run_scoped3A_68 : memref<!tpu.dma_semaphore, #tpu.memory_space<semaphore_mem>>)
      %dma_wait3A_85 = arith.constant 0 : i32
      %dma_wait3A_86 = arith.constant 0 : i32
      %dma_wait3A_87 = tpu.memref_slice %arg9[%run_scoped3A_3, %dma_wait3A_85, %dma_wait3A_86] : memref<2x20x64xi32, #tpu.memory_space<vmem>> -> memref<1x20x64xi32, #tpu.memory_space<vmem>>
      %dma_wait3A_88 = tpu.memref_squeeze %dma_wait3A_87 : memref<1x20x64xi32, #tpu.memory_space<vmem>> -> memref<20x64xi32, #tpu.memory_space<vmem>>
      %dma_wait3A_89 = arith.constant 0 : i32
      %dma_wait3A_90 = arith.constant 0 : i32
      %dma_wait3A_91 = tpu.memref_slice %arg4[%add3A, %run_scoped3A, %dma_wait3A_89, %dma_wait3A_90] : memref<32x8x20x64xi32, #tpu.memory_space<hbm>> -> memref<1x1x20x64xi32, #tpu.memory_space<hbm>>
      %dma_wait3A_92 = tpu.memref_squeeze %dma_wait3A_91 : memref<1x1x20x64xi32, #tpu.memory_space<hbm>> -> memref<20x64xi32, #tpu.memory_space<hbm>>
      %dma_wait3A_93 = arith.constant 0 : i32
      %dma_wait3A_94 = arith.constant 0 : i32
      %dma_wait3A_95 = tpu.memref_slice %arg9[%run_scoped3A_3, %dma_wait3A_93, %dma_wait3A_94] : memref<2x20x64xi32, #tpu.memory_space<vmem>> -> memref<1x20x64xi32, #tpu.memory_space<vmem>>
      %dma_wait3A_96 = tpu.memref_squeeze %dma_wait3A_95 : memref<1x20x64xi32, #tpu.memory_space<vmem>> -> memref<20x64xi32, #tpu.memory_space<vmem>>
      %dma_wait3A_97 = arith.constant 0 : i32
      %dma_wait3A_98 = arith.constant 0 : i32
      %dma_wait3A_99 = tpu.memref_slice %arg4[%add3A, %run_scoped3A, %dma_wait3A_97, %dma_wait3A_98] : memref<32x8x20x64xi32, #tpu.memory_space<hbm>> -> memref<1x1x20x64xi32, #tpu.memory_space<hbm>>
      %dma_wait3A_100 = tpu.memref_squeeze %dma_wait3A_99 : memref<1x1x20x64xi32, #tpu.memory_space<hbm>> -> memref<20x64xi32, #tpu.memory_space<hbm>>
      tpu.wait_dma2 semaphore(%run_scoped3A_68 : memref<!tpu.dma_semaphore, #tpu.memory_space<semaphore_mem>>) src(%dma_wait3A_100 : memref<20x64xi32, #tpu.memory_space<hbm>>) dst(%dma_wait3A_96 : memref<20x64xi32, #tpu.memory_space<vmem>>)
      tpu.yield
    }) : () -> ()
    %barrier3A = arith.constant 0 : index
    tpu.barrier barrier_id(%barrier3A)
    %multiple_of3A = arith.constant 0 : i32
    %multiple_of3A_4 = tpu.assume_multiple %multiple_of3A, 8 : i32
    %dma_start3A = tpu.memref_slice %arg8[%multiple_of3A_4] : memref<10240xi32, #tpu.memory_space<vmem>> -> memref<64xi32, #tpu.memory_space<vmem>>
    %dma_start3A_5 = arith.constant 0 : i32
    %dma_start3A_6 = arith.constant 0 : i32
    %dma_start3A_7 = tpu.memref_slice %arg2[%dma_start3A_5, %dma_start3A_6] : memref<10008x128xf32, #tpu.memory_space<hbm>> -> memref<10008x128xf32, #tpu.memory_space<hbm>>
    tpu.enqueue_indirect_dma source(%dma_start3A_7 : memref<10008x128xf32, #tpu.memory_space<hbm>>) target(%arg10 : memref<64x128xf32, #tpu.memory_space<vmem>>) offsets(%dma_start3A : memref<64xi32, #tpu.memory_space<vmem>>) semaphore(%arg14 : memref<!tpu.dma_semaphore, #tpu.memory_space<semaphore_mem>>)
    %multiple_of3A_8 = arith.constant 64 : i32
    %multiple_of3A_9 = tpu.assume_multiple %multiple_of3A_8, 8 : i32
    %dma_start3A_10 = tpu.memref_slice %arg8[%multiple_of3A_9] : memref<10240xi32, #tpu.memory_space<vmem>> -> memref<64xi32, #tpu.memory_space<vmem>>
    %dma_start3A_11 = arith.constant 0 : i32
    %dma_start3A_12 = arith.constant 0 : i32
    %dma_start3A_13 = tpu.memref_slice %arg2[%dma_start3A_11, %dma_start3A_12] : memref<10008x128xf32, #tpu.memory_space<hbm>> -> memref<10008x128xf32, #tpu.memory_space<hbm>>
    tpu.enqueue_indirect_dma source(%dma_start3A_13 : memref<10008x128xf32, #tpu.memory_space<hbm>>) target(%arg11 : memref<64x128xf32, #tpu.memory_space<vmem>>) offsets(%dma_start3A_10 : memref<64xi32, #tpu.memory_space<vmem>>) semaphore(%arg15 : memref<!tpu.dma_semaphore, #tpu.memory_space<semaphore_mem>>)
    %multiple_of3A_14 = arith.constant 128 : i32
    %multiple_of3A_15 = tpu.assume_multiple %multiple_of3A_14, 8 : i32
    %dma_start3A_16 = tpu.memref_slice %arg8[%multiple_of3A_15] : memref<10240xi32, #tpu.memory_space<vmem>> -> memref<64xi32, #tpu.memory_space<vmem>>
    %dma_start3A_17 = arith.constant 0 : i32
    %dma_start3A_18 = arith.constant 0 : i32
    %dma_start3A_19 = tpu.memref_slice %arg2[%dma_start3A_17, %dma_start3A_18] : memref<10008x128xf32, #tpu.memory_space<hbm>> -> memref<10008x128xf32, #tpu.memory_space<hbm>>
    tpu.enqueue_indirect_dma source(%dma_start3A_19 : memref<10008x128xf32, #tpu.memory_space<hbm>>) target(%arg12 : memref<64x128xf32, #tpu.memory_space<vmem>>) offsets(%dma_start3A_16 : memref<64xi32, #tpu.memory_space<vmem>>) semaphore(%arg16 : memref<!tpu.dma_semaphore, #tpu.memory_space<semaphore_mem>>)
    %multiple_of3A_20 = arith.constant 192 : i32
    %multiple_of3A_21 = tpu.assume_multiple %multiple_of3A_20, 8 : i32
    %dma_start3A_22 = tpu.memref_slice %arg8[%multiple_of3A_21] : memref<10240xi32, #tpu.memory_space<vmem>> -> memref<64xi32, #tpu.memory_space<vmem>>
    %dma_start3A_23 = arith.constant 0 : i32
    %dma_start3A_24 = arith.constant 0 : i32
    %dma_start3A_25 = tpu.memref_slice %arg2[%dma_start3A_23, %dma_start3A_24] : memref<10008x128xf32, #tpu.memory_space<hbm>> -> memref<10008x128xf32, #tpu.memory_space<hbm>>
    tpu.enqueue_indirect_dma source(%dma_start3A_25 : memref<10008x128xf32, #tpu.memory_space<hbm>>) target(%arg13 : memref<64x128xf32, #tpu.memory_space<vmem>>) offsets(%dma_start3A_22 : memref<64xi32, #tpu.memory_space<vmem>>) semaphore(%arg17 : memref<!tpu.dma_semaphore, #tpu.memory_space<semaphore_mem>>)
    %scan3A = arith.constant 0 : i32
    %scan3A_26 = arith.constant 0 : i32
    %scan3A_27 = arith.constant 40 : i32
    %scan3A_28 = arith.addi %scan3A_26, %scan3A_27 : i32
    %scan3A_29 = arith.constant 1 : i32
    scf.for %scan3A_68 = %scan3A_26 to %scan3A_28 step %scan3A_29  : i32 {
      %div3A = arith.constant 5 : i32
      %div3A_69 = arith.divsi %scan3A_68, %div3A : i32
      %rem3A = arith.constant 5 : i32
      %rem3A_70 = arith.remsi %scan3A_68, %rem3A : i32
      %rem3A_71 = arith.constant 2 : i32
      %rem3A_72 = arith.remsi %div3A_69, %rem3A_71 : i32
      %mul3A_73 = arith.constant 4 : i32
      %mul3A_74 = arith.muli %scan3A_68, %mul3A_73 : i32
      %eq3A = arith.constant 0 : i32
      %eq3A_75 = arith.cmpi eq, %rem3A_70, %eq3A : i32
      %gt3A = arith.constant 0 : i32
      %gt3A_76 = arith.cmpi sgt, %div3A_69, %gt3A : i32
      %and3A = arith.andi %eq3A_75, %gt3A_76 : i1
      %convert_element_type3A_77 = arith.extui %and3A : i1 to i32
      %cond3A_78 = arith.constant 0 : i32
      %cond3A_79 = arith.cmpi ne, %convert_element_type3A_77, %cond3A_78 : i32
      scf.if %cond3A_79 {
        %dma_wait3A_200 = arith.constant 0 : i32
        %dma_wait3A_201 = arith.constant 0 : i32
        %dma_wait3A_202 = tpu.memref_slice %arg9[%rem3A_72, %dma_wait3A_200, %dma_wait3A_201] : memref<2x20x64xi32, #tpu.memory_space<vmem>> -> memref<1x20x64xi32, #tpu.memory_space<vmem>>
        %dma_wait3A_203 = tpu.memref_squeeze %dma_wait3A_202 : memref<1x20x64xi32, #tpu.memory_space<vmem>> -> memref<20x64xi32, #tpu.memory_space<vmem>>
        %dma_wait3A_204 = arith.constant 0 : i32
        %dma_wait3A_205 = arith.constant 0 : i32
        %dma_wait3A_206 = tpu.memref_slice %arg4[%add3A, %div3A_69, %dma_wait3A_204, %dma_wait3A_205] : memref<32x8x20x64xi32, #tpu.memory_space<hbm>> -> memref<1x1x20x64xi32, #tpu.memory_space<hbm>>
        %dma_wait3A_207 = tpu.memref_squeeze %dma_wait3A_206 : memref<1x1x20x64xi32, #tpu.memory_space<hbm>> -> memref<20x64xi32, #tpu.memory_space<hbm>>
        %dma_wait3A_208 = arith.constant 0 : i32
        %dma_wait3A_209 = arith.constant 0 : i32
        %dma_wait3A_210 = tpu.memref_slice %arg9[%rem3A_72, %dma_wait3A_208, %dma_wait3A_209] : memref<2x20x64xi32, #tpu.memory_space<vmem>> -> memref<1x20x64xi32, #tpu.memory_space<vmem>>
        %dma_wait3A_211 = tpu.memref_squeeze %dma_wait3A_210 : memref<1x20x64xi32, #tpu.memory_space<vmem>> -> memref<20x64xi32, #tpu.memory_space<vmem>>
        %dma_wait3A_212 = arith.constant 0 : i32
        %dma_wait3A_213 = arith.constant 0 : i32
        %dma_wait3A_214 = tpu.memref_slice %arg4[%add3A, %div3A_69, %dma_wait3A_212, %dma_wait3A_213] : memref<32x8x20x64xi32, #tpu.memory_space<hbm>> -> memref<1x1x20x64xi32, #tpu.memory_space<hbm>>
        %dma_wait3A_215 = tpu.memref_squeeze %dma_wait3A_214 : memref<1x1x20x64xi32, #tpu.memory_space<hbm>> -> memref<20x64xi32, #tpu.memory_space<hbm>>
        tpu.wait_dma2 semaphore(%arg22 : memref<!tpu.dma_semaphore, #tpu.memory_space<semaphore_mem>>) src(%dma_wait3A_215 : memref<20x64xi32, #tpu.memory_space<hbm>>) dst(%dma_wait3A_211 : memref<20x64xi32, #tpu.memory_space<vmem>>)
      } else {
      }
      %eq3A_80 = arith.constant 0 : i32
      %eq3A_81 = arith.cmpi eq, %rem3A_70, %eq3A_80 : i32
      %lt3A_82 = arith.constant 7 : i32
      %lt3A_83 = arith.cmpi slt, %div3A_69, %lt3A_82 : i32
      %and3A_84 = arith.andi %eq3A_81, %lt3A_83 : i1
      %convert_element_type3A_85 = arith.extui %and3A_84 : i1 to i32
      %cond3A_86 = arith.constant 0 : i32
      %cond3A_87 = arith.cmpi ne, %convert_element_type3A_85, %cond3A_86 : i32
      scf.if %cond3A_87 {
        %add3A_200 = arith.constant 1 : i32
        %add3A_201 = arith.addi %div3A_69, %add3A_200 : i32
        %sub3A = arith.constant 1 : i32
        %sub3A_202 = arith.subi %sub3A, %rem3A_72 : i32
        %dma_start3A_203 = arith.constant 0 : i32
        %dma_start3A_204 = arith.constant 0 : i32
        %dma_start3A_205 = tpu.memref_slice %arg9[%sub3A_202, %dma_start3A_203, %dma_start3A_204] : memref<2x20x64xi32, #tpu.memory_space<vmem>> -> memref<1x20x64xi32, #tpu.memory_space<vmem>>
        %dma_start3A_206 = tpu.memref_squeeze %dma_start3A_205 : memref<1x20x64xi32, #tpu.memory_space<vmem>> -> memref<20x64xi32, #tpu.memory_space<vmem>>
        %dma_start3A_207 = arith.constant 0 : i32
        %dma_start3A_208 = arith.constant 0 : i32
        %dma_start3A_209 = tpu.memref_slice %arg4[%add3A, %add3A_201, %dma_start3A_207, %dma_start3A_208] : memref<32x8x20x64xi32, #tpu.memory_space<hbm>> -> memref<1x1x20x64xi32, #tpu.memory_space<hbm>>
        %dma_start3A_210 = tpu.memref_squeeze %dma_start3A_209 : memref<1x1x20x64xi32, #tpu.memory_space<hbm>> -> memref<20x64xi32, #tpu.memory_space<hbm>>
        %dma_start3A_211 = arith.constant 0 : i32
        %dma_start3A_212 = arith.constant 0 : i32
        %dma_start3A_213 = tpu.memref_slice %arg9[%sub3A_202, %dma_start3A_211, %dma_start3A_212] : memref<2x20x64xi32, #tpu.memory_space<vmem>> -> memref<1x20x64xi32, #tpu.memory_space<vmem>>
        %dma_start3A_214 = tpu.memref_squeeze %dma_start3A_213 : memref<1x20x64xi32, #tpu.memory_space<vmem>> -> memref<20x64xi32, #tpu.memory_space<vmem>>
        %dma_start3A_215 = arith.constant 0 : i32
        %dma_start3A_216 = arith.constant 0 : i32
        %dma_start3A_217 = tpu.memref_slice %arg4[%add3A, %add3A_201, %dma_start3A_215, %dma_start3A_216] : memref<32x8x20x64xi32, #tpu.memory_space<hbm>> -> memref<1x1x20x64xi32, #tpu.memory_space<hbm>>
        %dma_start3A_218 = tpu.memref_squeeze %dma_start3A_217 : memref<1x1x20x64xi32, #tpu.memory_space<hbm>> -> memref<20x64xi32, #tpu.memory_space<hbm>>
        tpu.enqueue_dma source(%dma_start3A_218 : memref<20x64xi32, #tpu.memory_space<hbm>>) target(%dma_start3A_214 : memref<20x64xi32, #tpu.memory_space<vmem>>) target_semaphore(%arg22 : memref<!tpu.dma_semaphore, #tpu.memory_space<semaphore_mem>>)
      } else {
      }
      %add3A_88 = arith.constant 0 : i32
      %add3A_89 = arith.addi %mul3A_74, %add3A_88 : i32
      %mul3A_90 = arith.constant 64 : i32
      %mul3A_91 = arith.muli %add3A_89, %mul3A_90 : i32
      %multiple_of3A_92 = tpu.assume_multiple %mul3A_91, 8 : i32
      %dma_wait3A_93 = tpu.memref_slice %arg8[%multiple_of3A_92] : memref<10240xi32, #tpu.memory_space<vmem>> -> memref<64xi32, #tpu.memory_space<vmem>>
      %dma_wait3A_94 = arith.constant 0 : i32
      %dma_wait3A_95 = arith.constant 0 : i32
      %dma_wait3A_96 = tpu.memref_slice %arg2[%dma_wait3A_94, %dma_wait3A_95] : memref<10008x128xf32, #tpu.memory_space<hbm>> -> memref<10008x128xf32, #tpu.memory_space<hbm>>
      tpu.wait_indirect_dma semaphore(%arg14 : memref<!tpu.dma_semaphore, #tpu.memory_space<semaphore_mem>>) src(%dma_wait3A_96 : memref<10008x128xf32, #tpu.memory_space<hbm>>) dst(%arg10 : memref<64x128xf32, #tpu.memory_space<vmem>>)
      %mul3A_97 = arith.constant 4 : i32
      %mul3A_98 = arith.muli %rem3A_70, %mul3A_97 : i32
      %add3A_99 = arith.constant 0 : i32
      %add3A_100 = arith.addi %mul3A_98, %add3A_99 : i32
      %dma_start3A_101 = arith.constant 0 : i32
      %dma_start3A_102 = tpu.memref_slice %arg9[%rem3A_72, %add3A_100, %dma_start3A_101] : memref<2x20x64xi32, #tpu.memory_space<vmem>> -> memref<1x1x64xi32, #tpu.memory_space<vmem>>
      %dma_start3A_103 = tpu.memref_squeeze %dma_start3A_102 : memref<1x1x64xi32, #tpu.memory_space<vmem>> -> memref<64xi32, #tpu.memory_space<vmem>>
      %dma_start3A_104 = arith.constant 0 : i32
      %dma_start3A_105 = arith.constant 0 : i32
      %dma_start3A_106 = tpu.memref_slice %arg7[%dma_start3A_104, %dma_start3A_105] : memref<10000x128xf32, #tpu.memory_space<vmem_shared>> -> memref<10000x128xf32, #tpu.memory_space<vmem_shared>>
      tpu.enqueue_indirect_dma source(%arg10 : memref<64x128xf32, #tpu.memory_space<vmem>>) target(%dma_start3A_106 : memref<10000x128xf32, #tpu.memory_space<vmem_shared>>) offsets(%dma_start3A_103 : memref<64xi32, #tpu.memory_space<vmem>>) semaphore(%arg18 : memref<!tpu.dma_semaphore, #tpu.memory_space<semaphore_mem>>) {add = true}
      %add3A_107 = arith.constant 1 : i32
      %add3A_108 = arith.addi %mul3A_74, %add3A_107 : i32
      %mul3A_109 = arith.constant 64 : i32
      %mul3A_110 = arith.muli %add3A_108, %mul3A_109 : i32
      %multiple_of3A_111 = tpu.assume_multiple %mul3A_110, 8 : i32
      %dma_wait3A_112 = tpu.memref_slice %arg8[%multiple_of3A_111] : memref<10240xi32, #tpu.memory_space<vmem>> -> memref<64xi32, #tpu.memory_space<vmem>>
      %dma_wait3A_113 = arith.constant 0 : i32
      %dma_wait3A_114 = arith.constant 0 : i32
      %dma_wait3A_115 = tpu.memref_slice %arg2[%dma_wait3A_113, %dma_wait3A_114] : memref<10008x128xf32, #tpu.memory_space<hbm>> -> memref<10008x128xf32, #tpu.memory_space<hbm>>
      tpu.wait_indirect_dma semaphore(%arg15 : memref<!tpu.dma_semaphore, #tpu.memory_space<semaphore_mem>>) src(%dma_wait3A_115 : memref<10008x128xf32, #tpu.memory_space<hbm>>) dst(%arg11 : memref<64x128xf32, #tpu.memory_space<vmem>>)
      %mul3A_116 = arith.constant 4 : i32
      %mul3A_117 = arith.muli %rem3A_70, %mul3A_116 : i32
      %add3A_118 = arith.constant 1 : i32
      %add3A_119 = arith.addi %mul3A_117, %add3A_118 : i32
      %dma_start3A_120 = arith.constant 0 : i32
      %dma_start3A_121 = tpu.memref_slice %arg9[%rem3A_72, %add3A_119, %dma_start3A_120] : memref<2x20x64xi32, #tpu.memory_space<vmem>> -> memref<1x1x64xi32, #tpu.memory_space<vmem>>
      %dma_start3A_122 = tpu.memref_squeeze %dma_start3A_121 : memref<1x1x64xi32, #tpu.memory_space<vmem>> -> memref<64xi32, #tpu.memory_space<vmem>>
      %dma_start3A_123 = arith.constant 0 : i32
      %dma_start3A_124 = arith.constant 0 : i32
      %dma_start3A_125 = tpu.memref_slice %arg7[%dma_start3A_123, %dma_start3A_124] : memref<10000x128xf32, #tpu.memory_space<vmem_shared>> -> memref<10000x128xf32, #tpu.memory_space<vmem_shared>>
      tpu.enqueue_indirect_dma source(%arg11 : memref<64x128xf32, #tpu.memory_space<vmem>>) target(%dma_start3A_125 : memref<10000x128xf32, #tpu.memory_space<vmem_shared>>) offsets(%dma_start3A_122 : memref<64xi32, #tpu.memory_space<vmem>>) semaphore(%arg19 : memref<!tpu.dma_semaphore, #tpu.memory_space<semaphore_mem>>) {add = true}
      %add3A_126 = arith.constant 2 : i32
      %add3A_127 = arith.addi %mul3A_74, %add3A_126 : i32
      %mul3A_128 = arith.constant 64 : i32
      %mul3A_129 = arith.muli %add3A_127, %mul3A_128 : i32
      %multiple_of3A_130 = tpu.assume_multiple %mul3A_129, 8 : i32
      %dma_wait3A_131 = tpu.memref_slice %arg8[%multiple_of3A_130] : memref<10240xi32, #tpu.memory_space<vmem>> -> memref<64xi32, #tpu.memory_space<vmem>>
      %dma_wait3A_132 = arith.constant 0 : i32
      %dma_wait3A_133 = arith.constant 0 : i32
      %dma_wait3A_134 = tpu.memref_slice %arg2[%dma_wait3A_132, %dma_wait3A_133] : memref<10008x128xf32, #tpu.memory_space<hbm>> -> memref<10008x128xf32, #tpu.memory_space<hbm>>
      tpu.wait_indirect_dma semaphore(%arg16 : memref<!tpu.dma_semaphore, #tpu.memory_space<semaphore_mem>>) src(%dma_wait3A_134 : memref<10008x128xf32, #tpu.memory_space<hbm>>) dst(%arg12 : memref<64x128xf32, #tpu.memory_space<vmem>>)
      %mul3A_135 = arith.constant 4 : i32
      %mul3A_136 = arith.muli %rem3A_70, %mul3A_135 : i32
      %add3A_137 = arith.constant 2 : i32
      %add3A_138 = arith.addi %mul3A_136, %add3A_137 : i32
      %dma_start3A_139 = arith.constant 0 : i32
      %dma_start3A_140 = tpu.memref_slice %arg9[%rem3A_72, %add3A_138, %dma_start3A_139] : memref<2x20x64xi32, #tpu.memory_space<vmem>> -> memref<1x1x64xi32, #tpu.memory_space<vmem>>
      %dma_start3A_141 = tpu.memref_squeeze %dma_start3A_140 : memref<1x1x64xi32, #tpu.memory_space<vmem>> -> memref<64xi32, #tpu.memory_space<vmem>>
      %dma_start3A_142 = arith.constant 0 : i32
      %dma_start3A_143 = arith.constant 0 : i32
      %dma_start3A_144 = tpu.memref_slice %arg7[%dma_start3A_142, %dma_start3A_143] : memref<10000x128xf32, #tpu.memory_space<vmem_shared>> -> memref<10000x128xf32, #tpu.memory_space<vmem_shared>>
      tpu.enqueue_indirect_dma source(%arg12 : memref<64x128xf32, #tpu.memory_space<vmem>>) target(%dma_start3A_144 : memref<10000x128xf32, #tpu.memory_space<vmem_shared>>) offsets(%dma_start3A_141 : memref<64xi32, #tpu.memory_space<vmem>>) semaphore(%arg20 : memref<!tpu.dma_semaphore, #tpu.memory_space<semaphore_mem>>) {add = true}
      %add3A_145 = arith.constant 3 : i32
      %add3A_146 = arith.addi %mul3A_74, %add3A_145 : i32
      %mul3A_147 = arith.constant 64 : i32
      %mul3A_148 = arith.muli %add3A_146, %mul3A_147 : i32
      %multiple_of3A_149 = tpu.assume_multiple %mul3A_148, 8 : i32
      %dma_wait3A_150 = tpu.memref_slice %arg8[%multiple_of3A_149] : memref<10240xi32, #tpu.memory_space<vmem>> -> memref<64xi32, #tpu.memory_space<vmem>>
      %dma_wait3A_151 = arith.constant 0 : i32
      %dma_wait3A_152 = arith.constant 0 : i32
      %dma_wait3A_153 = tpu.memref_slice %arg2[%dma_wait3A_151, %dma_wait3A_152] : memref<10008x128xf32, #tpu.memory_space<hbm>> -> memref<10008x128xf32, #tpu.memory_space<hbm>>
      tpu.wait_indirect_dma semaphore(%arg17 : memref<!tpu.dma_semaphore, #tpu.memory_space<semaphore_mem>>) src(%dma_wait3A_153 : memref<10008x128xf32, #tpu.memory_space<hbm>>) dst(%arg13 : memref<64x128xf32, #tpu.memory_space<vmem>>)
      %mul3A_154 = arith.constant 4 : i32
      %mul3A_155 = arith.muli %rem3A_70, %mul3A_154 : i32
      %add3A_156 = arith.constant 3 : i32
      %add3A_157 = arith.addi %mul3A_155, %add3A_156 : i32
      %dma_start3A_158 = arith.constant 0 : i32
      %dma_start3A_159 = tpu.memref_slice %arg9[%rem3A_72, %add3A_157, %dma_start3A_158] : memref<2x20x64xi32, #tpu.memory_space<vmem>> -> memref<1x1x64xi32, #tpu.memory_space<vmem>>
      %dma_start3A_160 = tpu.memref_squeeze %dma_start3A_159 : memref<1x1x64xi32, #tpu.memory_space<vmem>> -> memref<64xi32, #tpu.memory_space<vmem>>
      %dma_start3A_161 = arith.constant 0 : i32
      %dma_start3A_162 = arith.constant 0 : i32
      %dma_start3A_163 = tpu.memref_slice %arg7[%dma_start3A_161, %dma_start3A_162] : memref<10000x128xf32, #tpu.memory_space<vmem_shared>> -> memref<10000x128xf32, #tpu.memory_space<vmem_shared>>
      tpu.enqueue_indirect_dma source(%arg13 : memref<64x128xf32, #tpu.memory_space<vmem>>) target(%dma_start3A_163 : memref<10000x128xf32, #tpu.memory_space<vmem_shared>>) offsets(%dma_start3A_160 : memref<64xi32, #tpu.memory_space<vmem>>) semaphore(%arg21 : memref<!tpu.dma_semaphore, #tpu.memory_space<semaphore_mem>>) {add = true}
      %add3A_164 = arith.constant 0 : i32
      %add3A_165 = arith.addi %mul3A_74, %add3A_164 : i32
      %add3A_166 = arith.constant 4 : i32
      %add3A_167 = arith.addi %add3A_165, %add3A_166 : i32
      %lt3A_168 = arith.constant 160 : i32
      %lt3A_169 = arith.cmpi slt, %add3A_167, %lt3A_168 : i32
      %convert_element_type3A_170 = arith.extui %lt3A_169 : i1 to i32
      %cond3A_171 = arith.constant 0 : i32
      %cond3A_172 = arith.cmpi ne, %convert_element_type3A_170, %cond3A_171 : i32
      scf.if %cond3A_172 {
        %mul3A_200 = arith.constant 4 : i32
        %mul3A_201 = arith.muli %rem3A_70, %mul3A_200 : i32
        %add3A_202 = arith.constant 0 : i32
        %add3A_203 = arith.addi %mul3A_201, %add3A_202 : i32
        %dma_wait3A_204 = arith.constant 0 : i32
        %dma_wait3A_205 = tpu.memref_slice %arg9[%rem3A_72, %add3A_203, %dma_wait3A_204] : memref<2x20x64xi32, #tpu.memory_space<vmem>> -> memref<1x1x64xi32, #tpu.memory_space<vmem>>
        %dma_wait3A_206 = tpu.memref_squeeze %dma_wait3A_205 : memref<1x1x64xi32, #tpu.memory_space<vmem>> -> memref<64xi32, #tpu.memory_space<vmem>>
        %dma_wait3A_207 = arith.constant 0 : i32
        %dma_wait3A_208 = arith.constant 0 : i32
        %dma_wait3A_209 = tpu.memref_slice %arg7[%dma_wait3A_207, %dma_wait3A_208] : memref<10000x128xf32, #tpu.memory_space<vmem_shared>> -> memref<10000x128xf32, #tpu.memory_space<vmem_shared>>
        tpu.wait_indirect_dma semaphore(%arg18 : memref<!tpu.dma_semaphore, #tpu.memory_space<semaphore_mem>>) src(%arg10 : memref<64x128xf32, #tpu.memory_space<vmem>>) dst(%dma_wait3A_209 : memref<10000x128xf32, #tpu.memory_space<vmem_shared>>)
        %add3A_210 = arith.constant 4 : i32
        %add3A_211 = arith.addi %add3A_165, %add3A_210 : i32
        %mul3A_212 = arith.constant 64 : i32
        %mul3A_213 = arith.muli %add3A_211, %mul3A_212 : i32
        %multiple_of3A_214 = tpu.assume_multiple %mul3A_213, 8 : i32
        %dma_start3A_215 = tpu.memref_slice %arg8[%multiple_of3A_214] : memref<10240xi32, #tpu.memory_space<vmem>> -> memref<64xi32, #tpu.memory_space<vmem>>
        %dma_start3A_216 = arith.constant 0 : i32
        %dma_start3A_217 = arith.constant 0 : i32
        %dma_start3A_218 = tpu.memref_slice %arg2[%dma_start3A_216, %dma_start3A_217] : memref<10008x128xf32, #tpu.memory_space<hbm>> -> memref<10008x128xf32, #tpu.memory_space<hbm>>
        tpu.enqueue_indirect_dma source(%dma_start3A_218 : memref<10008x128xf32, #tpu.memory_space<hbm>>) target(%arg10 : memref<64x128xf32, #tpu.memory_space<vmem>>) offsets(%dma_start3A_215 : memref<64xi32, #tpu.memory_space<vmem>>) semaphore(%arg14 : memref<!tpu.dma_semaphore, #tpu.memory_space<semaphore_mem>>)
      } else {
      }
      %add3A_173 = arith.constant 1 : i32
      %add3A_174 = arith.addi %mul3A_74, %add3A_173 : i32
      %add3A_175 = arith.constant 4 : i32
      %add3A_176 = arith.addi %add3A_174, %add3A_175 : i32
      %lt3A_177 = arith.constant 160 : i32
      %lt3A_178 = arith.cmpi slt, %add3A_176, %lt3A_177 : i32
      %convert_element_type3A_179 = arith.extui %lt3A_178 : i1 to i32
      %cond3A_180 = arith.constant 0 : i32
      %cond3A_181 = arith.cmpi ne, %convert_element_type3A_179, %cond3A_180 : i32
      scf.if %cond3A_181 {
        %mul3A_200 = arith.constant 4 : i32
        %mul3A_201 = arith.muli %rem3A_70, %mul3A_200 : i32
        %add3A_202 = arith.constant 1 : i32
        %add3A_203 = arith.addi %mul3A_201, %add3A_202 : i32
        %dma_wait3A_204 = arith.constant 0 : i32
        %dma_wait3A_205 = tpu.memref_slice %arg9[%rem3A_72, %add3A_203, %dma_wait3A_204] : memref<2x20x64xi32, #tpu.memory_space<vmem>> -> memref<1x1x64xi32, #tpu.memory_space<vmem>>
        %dma_wait3A_206 = tpu.memref_squeeze %dma_wait3A_205 : memref<1x1x64xi32, #tpu.memory_space<vmem>> -> memref<64xi32, #tpu.memory_space<vmem>>
        %dma_wait3A_207 = arith.constant 0 : i32
        %dma_wait3A_208 = arith.constant 0 : i32
        %dma_wait3A_209 = tpu.memref_slice %arg7[%dma_wait3A_207, %dma_wait3A_208] : memref<10000x128xf32, #tpu.memory_space<vmem_shared>> -> memref<10000x128xf32, #tpu.memory_space<vmem_shared>>
        tpu.wait_indirect_dma semaphore(%arg19 : memref<!tpu.dma_semaphore, #tpu.memory_space<semaphore_mem>>) src(%arg11 : memref<64x128xf32, #tpu.memory_space<vmem>>) dst(%dma_wait3A_209 : memref<10000x128xf32, #tpu.memory_space<vmem_shared>>)
        %add3A_210 = arith.constant 4 : i32
        %add3A_211 = arith.addi %add3A_174, %add3A_210 : i32
        %mul3A_212 = arith.constant 64 : i32
        %mul3A_213 = arith.muli %add3A_211, %mul3A_212 : i32
        %multiple_of3A_214 = tpu.assume_multiple %mul3A_213, 8 : i32
        %dma_start3A_215 = tpu.memref_slice %arg8[%multiple_of3A_214] : memref<10240xi32, #tpu.memory_space<vmem>> -> memref<64xi32, #tpu.memory_space<vmem>>
        %dma_start3A_216 = arith.constant 0 : i32
        %dma_start3A_217 = arith.constant 0 : i32
        %dma_start3A_218 = tpu.memref_slice %arg2[%dma_start3A_216, %dma_start3A_217] : memref<10008x128xf32, #tpu.memory_space<hbm>> -> memref<10008x128xf32, #tpu.memory_space<hbm>>
        tpu.enqueue_indirect_dma source(%dma_start3A_218 : memref<10008x128xf32, #tpu.memory_space<hbm>>) target(%arg11 : memref<64x128xf32, #tpu.memory_space<vmem>>) offsets(%dma_start3A_215 : memref<64xi32, #tpu.memory_space<vmem>>) semaphore(%arg15 : memref<!tpu.dma_semaphore, #tpu.memory_space<semaphore_mem>>)
      } else {
      }
      %add3A_182 = arith.constant 2 : i32
      %add3A_183 = arith.addi %mul3A_74, %add3A_182 : i32
      %add3A_184 = arith.constant 4 : i32
      %add3A_185 = arith.addi %add3A_183, %add3A_184 : i32
      %lt3A_186 = arith.constant 160 : i32
      %lt3A_187 = arith.cmpi slt, %add3A_185, %lt3A_186 : i32
      %convert_element_type3A_188 = arith.extui %lt3A_187 : i1 to i32
      %cond3A_189 = arith.constant 0 : i32
      %cond3A_190 = arith.cmpi ne, %convert_element_type3A_188, %cond3A_189 : i32
      scf.if %cond3A_190 {
        %mul3A_200 = arith.constant 4 : i32
        %mul3A_201 = arith.muli %rem3A_70, %mul3A_200 : i32
        %add3A_202 = arith.constant 2 : i32
        %add3A_203 = arith.addi %mul3A_201, %add3A_202 : i32
        %dma_wait3A_204 = arith.constant 0 : i32
        %dma_wait3A_205 = tpu.memref_slice %arg9[%rem3A_72, %add3A_203, %dma_wait3A_204] : memref<2x20x64xi32, #tpu.memory_space<vmem>> -> memref<1x1x64xi32, #tpu.memory_space<vmem>>
        %dma_wait3A_206 = tpu.memref_squeeze %dma_wait3A_205 : memref<1x1x64xi32, #tpu.memory_space<vmem>> -> memref<64xi32, #tpu.memory_space<vmem>>
        %dma_wait3A_207 = arith.constant 0 : i32
        %dma_wait3A_208 = arith.constant 0 : i32
        %dma_wait3A_209 = tpu.memref_slice %arg7[%dma_wait3A_207, %dma_wait3A_208] : memref<10000x128xf32, #tpu.memory_space<vmem_shared>> -> memref<10000x128xf32, #tpu.memory_space<vmem_shared>>
        tpu.wait_indirect_dma semaphore(%arg20 : memref<!tpu.dma_semaphore, #tpu.memory_space<semaphore_mem>>) src(%arg12 : memref<64x128xf32, #tpu.memory_space<vmem>>) dst(%dma_wait3A_209 : memref<10000x128xf32, #tpu.memory_space<vmem_shared>>)
        %add3A_210 = arith.constant 4 : i32
        %add3A_211 = arith.addi %add3A_183, %add3A_210 : i32
        %mul3A_212 = arith.constant 64 : i32
        %mul3A_213 = arith.muli %add3A_211, %mul3A_212 : i32
        %multiple_of3A_214 = tpu.assume_multiple %mul3A_213, 8 : i32
        %dma_start3A_215 = tpu.memref_slice %arg8[%multiple_of3A_214] : memref<10240xi32, #tpu.memory_space<vmem>> -> memref<64xi32, #tpu.memory_space<vmem>>
        %dma_start3A_216 = arith.constant 0 : i32
        %dma_start3A_217 = arith.constant 0 : i32
        %dma_start3A_218 = tpu.memref_slice %arg2[%dma_start3A_216, %dma_start3A_217] : memref<10008x128xf32, #tpu.memory_space<hbm>> -> memref<10008x128xf32, #tpu.memory_space<hbm>>
        tpu.enqueue_indirect_dma source(%dma_start3A_218 : memref<10008x128xf32, #tpu.memory_space<hbm>>) target(%arg12 : memref<64x128xf32, #tpu.memory_space<vmem>>) offsets(%dma_start3A_215 : memref<64xi32, #tpu.memory_space<vmem>>) semaphore(%arg16 : memref<!tpu.dma_semaphore, #tpu.memory_space<semaphore_mem>>)
      } else {
      }
      %add3A_191 = arith.constant 3 : i32
      %add3A_192 = arith.addi %mul3A_74, %add3A_191 : i32
      %add3A_193 = arith.constant 4 : i32
      %add3A_194 = arith.addi %add3A_192, %add3A_193 : i32
      %lt3A_195 = arith.constant 160 : i32
      %lt3A_196 = arith.cmpi slt, %add3A_194, %lt3A_195 : i32
      %convert_element_type3A_197 = arith.extui %lt3A_196 : i1 to i32
      %cond3A_198 = arith.constant 0 : i32
      %cond3A_199 = arith.cmpi ne, %convert_element_type3A_197, %cond3A_198 : i32
      scf.if %cond3A_199 {
        %mul3A_200 = arith.constant 4 : i32
        %mul3A_201 = arith.muli %rem3A_70, %mul3A_200 : i32
        %add3A_202 = arith.constant 3 : i32
        %add3A_203 = arith.addi %mul3A_201, %add3A_202 : i32
        %dma_wait3A_204 = arith.constant 0 : i32
        %dma_wait3A_205 = tpu.memref_slice %arg9[%rem3A_72, %add3A_203, %dma_wait3A_204] : memref<2x20x64xi32, #tpu.memory_space<vmem>> -> memref<1x1x64xi32, #tpu.memory_space<vmem>>
        %dma_wait3A_206 = tpu.memref_squeeze %dma_wait3A_205 : memref<1x1x64xi32, #tpu.memory_space<vmem>> -> memref<64xi32, #tpu.memory_space<vmem>>
        %dma_wait3A_207 = arith.constant 0 : i32
        %dma_wait3A_208 = arith.constant 0 : i32
        %dma_wait3A_209 = tpu.memref_slice %arg7[%dma_wait3A_207, %dma_wait3A_208] : memref<10000x128xf32, #tpu.memory_space<vmem_shared>> -> memref<10000x128xf32, #tpu.memory_space<vmem_shared>>
        tpu.wait_indirect_dma semaphore(%arg21 : memref<!tpu.dma_semaphore, #tpu.memory_space<semaphore_mem>>) src(%arg13 : memref<64x128xf32, #tpu.memory_space<vmem>>) dst(%dma_wait3A_209 : memref<10000x128xf32, #tpu.memory_space<vmem_shared>>)
        %add3A_210 = arith.constant 4 : i32
        %add3A_211 = arith.addi %add3A_192, %add3A_210 : i32
        %mul3A_212 = arith.constant 64 : i32
        %mul3A_213 = arith.muli %add3A_211, %mul3A_212 : i32
        %multiple_of3A_214 = tpu.assume_multiple %mul3A_213, 8 : i32
        %dma_start3A_215 = tpu.memref_slice %arg8[%multiple_of3A_214] : memref<10240xi32, #tpu.memory_space<vmem>> -> memref<64xi32, #tpu.memory_space<vmem>>
        %dma_start3A_216 = arith.constant 0 : i32
        %dma_start3A_217 = arith.constant 0 : i32
        %dma_start3A_218 = tpu.memref_slice %arg2[%dma_start3A_216, %dma_start3A_217] : memref<10008x128xf32, #tpu.memory_space<hbm>> -> memref<10008x128xf32, #tpu.memory_space<hbm>>
        tpu.enqueue_indirect_dma source(%dma_start3A_218 : memref<10008x128xf32, #tpu.memory_space<hbm>>) target(%arg13 : memref<64x128xf32, #tpu.memory_space<vmem>>) offsets(%dma_start3A_215 : memref<64xi32, #tpu.memory_space<vmem>>) semaphore(%arg17 : memref<!tpu.dma_semaphore, #tpu.memory_space<semaphore_mem>>)
      } else {
      }
    }
    %scan3A_30 = arith.constant 40 : i32
    %dma_wait3A = arith.constant 1 : i32
    %dma_wait3A_31 = arith.constant 16 : i32
    %dma_wait3A_32 = arith.constant 0 : i32
    %dma_wait3A_33 = tpu.memref_slice %arg9[%dma_wait3A, %dma_wait3A_31, %dma_wait3A_32] : memref<2x20x64xi32, #tpu.memory_space<vmem>> -> memref<1x1x64xi32, #tpu.memory_space<vmem>>
    %dma_wait3A_34 = tpu.memref_squeeze %dma_wait3A_33 : memref<1x1x64xi32, #tpu.memory_space<vmem>> -> memref<64xi32, #tpu.memory_space<vmem>>
    %dma_wait3A_35 = arith.constant 0 : i32
    %dma_wait3A_36 = arith.constant 0 : i32
    %dma_wait3A_37 = tpu.memref_slice %arg7[%dma_wait3A_35, %dma_wait3A_36] : memref<10000x128xf32, #tpu.memory_space<vmem_shared>> -> memref<10000x128xf32, #tpu.memory_space<vmem_shared>>
    tpu.wait_indirect_dma semaphore(%arg18 : memref<!tpu.dma_semaphore, #tpu.memory_space<semaphore_mem>>) src(%arg10 : memref<64x128xf32, #tpu.memory_space<vmem>>) dst(%dma_wait3A_37 : memref<10000x128xf32, #tpu.memory_space<vmem_shared>>)
    %dma_wait3A_38 = arith.constant 1 : i32
    %dma_wait3A_39 = arith.constant 17 : i32
    %dma_wait3A_40 = arith.constant 0 : i32
    %dma_wait3A_41 = tpu.memref_slice %arg9[%dma_wait3A_38, %dma_wait3A_39, %dma_wait3A_40] : memref<2x20x64xi32, #tpu.memory_space<vmem>> -> memref<1x1x64xi32, #tpu.memory_space<vmem>>
    %dma_wait3A_42 = tpu.memref_squeeze %dma_wait3A_41 : memref<1x1x64xi32, #tpu.memory_space<vmem>> -> memref<64xi32, #tpu.memory_space<vmem>>
    %dma_wait3A_43 = arith.constant 0 : i32
    %dma_wait3A_44 = arith.constant 0 : i32
    %dma_wait3A_45 = tpu.memref_slice %arg7[%dma_wait3A_43, %dma_wait3A_44] : memref<10000x128xf32, #tpu.memory_space<vmem_shared>> -> memref<10000x128xf32, #tpu.memory_space<vmem_shared>>
    tpu.wait_indirect_dma semaphore(%arg19 : memref<!tpu.dma_semaphore, #tpu.memory_space<semaphore_mem>>) src(%arg11 : memref<64x128xf32, #tpu.memory_space<vmem>>) dst(%dma_wait3A_45 : memref<10000x128xf32, #tpu.memory_space<vmem_shared>>)
    %dma_wait3A_46 = arith.constant 1 : i32
    %dma_wait3A_47 = arith.constant 18 : i32
    %dma_wait3A_48 = arith.constant 0 : i32
    %dma_wait3A_49 = tpu.memref_slice %arg9[%dma_wait3A_46, %dma_wait3A_47, %dma_wait3A_48] : memref<2x20x64xi32, #tpu.memory_space<vmem>> -> memref<1x1x64xi32, #tpu.memory_space<vmem>>
    %dma_wait3A_50 = tpu.memref_squeeze %dma_wait3A_49 : memref<1x1x64xi32, #tpu.memory_space<vmem>> -> memref<64xi32, #tpu.memory_space<vmem>>
    %dma_wait3A_51 = arith.constant 0 : i32
    %dma_wait3A_52 = arith.constant 0 : i32
    %dma_wait3A_53 = tpu.memref_slice %arg7[%dma_wait3A_51, %dma_wait3A_52] : memref<10000x128xf32, #tpu.memory_space<vmem_shared>> -> memref<10000x128xf32, #tpu.memory_space<vmem_shared>>
    tpu.wait_indirect_dma semaphore(%arg20 : memref<!tpu.dma_semaphore, #tpu.memory_space<semaphore_mem>>) src(%arg12 : memref<64x128xf32, #tpu.memory_space<vmem>>) dst(%dma_wait3A_53 : memref<10000x128xf32, #tpu.memory_space<vmem_shared>>)
    %dma_wait3A_54 = arith.constant 1 : i32
    %dma_wait3A_55 = arith.constant 19 : i32
    %dma_wait3A_56 = arith.constant 0 : i32
    %dma_wait3A_57 = tpu.memref_slice %arg9[%dma_wait3A_54, %dma_wait3A_55, %dma_wait3A_56] : memref<2x20x64xi32, #tpu.memory_space<vmem>> -> memref<1x1x64xi32, #tpu.memory_space<vmem>>
    %dma_wait3A_58 = tpu.memref_squeeze %dma_wait3A_57 : memref<1x1x64xi32, #tpu.memory_space<vmem>> -> memref<64xi32, #tpu.memory_space<vmem>>
    %dma_wait3A_59 = arith.constant 0 : i32
    %dma_wait3A_60 = arith.constant 0 : i32
    %dma_wait3A_61 = tpu.memref_slice %arg7[%dma_wait3A_59, %dma_wait3A_60] : memref<10000x128xf32, #tpu.memory_space<vmem_shared>> -> memref<10000x128xf32, #tpu.memory_space<vmem_shared>>
    tpu.wait_indirect_dma semaphore(%arg21 : memref<!tpu.dma_semaphore, #tpu.memory_space<semaphore_mem>>) src(%arg13 : memref<64x128xf32, #tpu.memory_space<vmem>>) dst(%dma_wait3A_61 : memref<10000x128xf32, #tpu.memory_space<vmem_shared>>)
    %barrier3A_62 = arith.constant 0 : index
    tpu.barrier barrier_id(%barrier3A_62)
    %lt3A_63 = arith.constant 10 : i32
    %lt3A_64 = arith.cmpi slt, %arg1, %lt3A_63 : i32
    %convert_element_type3A_65 = arith.extui %lt3A_64 : i1 to i32
    %cond3A_66 = arith.constant 0 : i32
    %cond3A_67 = arith.cmpi ne, %convert_element_type3A_65, %cond3A_66 : i32
    scf.if %cond3A_67 {
      %mul3A_68 = arith.constant 1000 : i32
      %mul3A_69 = arith.muli %arg1, %mul3A_68 : i32
      %multiple_of3A_70 = tpu.assume_multiple %mul3A_69, 8 : i32
      "tpu.region"() ({
        %run_scoped3A_71 = tpu.sem_alloc : memref<!tpu.dma_semaphore, #tpu.memory_space<semaphore_mem>>
        %dma_start3A_72 = arith.constant 0 : i32
        %dma_start3A_73 = tpu.memref_slice %arg6[%arg0, %multiple_of3A_70, %dma_start3A_72] : memref<2x10000x128xf32, #tpu.memory_space<hbm>> -> memref<1x1000x128xf32, #tpu.memory_space<hbm>>
        %dma_start3A_74 = tpu.memref_squeeze %dma_start3A_73 : memref<1x1000x128xf32, #tpu.memory_space<hbm>> -> memref<1000x128xf32, #tpu.memory_space<hbm>>
        %dma_start3A_75 = arith.constant 0 : i32
        %dma_start3A_76 = tpu.memref_slice %arg7[%multiple_of3A_70, %dma_start3A_75] : memref<10000x128xf32, #tpu.memory_space<vmem_shared>> -> memref<1000x128xf32, #tpu.memory_space<vmem_shared>>
        tpu.enqueue_dma source(%dma_start3A_76 : memref<1000x128xf32, #tpu.memory_space<vmem_shared>>) target(%dma_start3A_74 : memref<1000x128xf32, #tpu.memory_space<hbm>>) target_semaphore(%run_scoped3A_71 : memref<!tpu.dma_semaphore, #tpu.memory_space<semaphore_mem>>)
        %dma_wait3A_77 = arith.constant 0 : i32
        %dma_wait3A_78 = tpu.memref_slice %arg6[%arg0, %multiple_of3A_70, %dma_wait3A_77] : memref<2x10000x128xf32, #tpu.memory_space<hbm>> -> memref<1x1000x128xf32, #tpu.memory_space<hbm>>
        %dma_wait3A_79 = tpu.memref_squeeze %dma_wait3A_78 : memref<1x1000x128xf32, #tpu.memory_space<hbm>> -> memref<1000x128xf32, #tpu.memory_space<hbm>>
        %dma_wait3A_80 = arith.constant 0 : i32
        %dma_wait3A_81 = tpu.memref_slice %arg7[%multiple_of3A_70, %dma_wait3A_80] : memref<10000x128xf32, #tpu.memory_space<vmem_shared>> -> memref<1000x128xf32, #tpu.memory_space<vmem_shared>>
        tpu.wait_dma2 semaphore(%run_scoped3A_71 : memref<!tpu.dma_semaphore, #tpu.memory_space<semaphore_mem>>) src(%dma_wait3A_81 : memref<1000x128xf32, #tpu.memory_space<vmem_shared>>) dst(%dma_wait3A_79 : memref<1000x128xf32, #tpu.memory_space<hbm>>)
        tpu.yield
      }) : () -> ()
    } else {
    }
    return
  }
}

#map = affine_map<(d0, d1) -> (0, 0)>
#map1 = affine_map<(d0, d1) -> (0, 0, 0, 0)>
#map2 = affine_map<(d0, d1) -> (0, 0, 0)>
module attributes {stable_mosaic.version = 14 : i64} {
  func.func @agg(%arg0: i32, %arg1: i32, %arg2: memref<10008x128xf32, #tpu.memory_space<hbm>>, %arg3: memref<32x10240xi32, #tpu.memory_space<hbm>>, %arg4: memref<32x8x20x64xi32, #tpu.memory_space<hbm>>, %arg5: memref<1000x128xf32, #tpu.memory_space<hbm>>, %arg6: memref<2x10000x128xf32, #tpu.memory_space<hbm>>, %arg7: memref<10000x128xf32, #tpu.memory_space<vmem_shared>>, %arg8: memref<10240xi32, #tpu.memory_space<vmem>>, %arg9: memref<2x20x64xi32, #tpu.memory_space<vmem>>, %arg10: memref<64x128xf32, #tpu.memory_space<vmem>>, %arg11: memref<64x128xf32, #tpu.memory_space<vmem>>, %arg12: memref<64x128xf32, #tpu.memory_space<vmem>>, %arg13: memref<64x128xf32, #tpu.memory_space<vmem>>, %arg14: memref<!tpu.dma_semaphore, #tpu.memory_space<semaphore_mem>>, %arg15: memref<!tpu.dma_semaphore, #tpu.memory_space<semaphore_mem>>, %arg16: memref<!tpu.dma_semaphore, #tpu.memory_space<semaphore_mem>>, %arg17: memref<!tpu.dma_semaphore, #tpu.memory_space<semaphore_mem>>, %arg18: memref<!tpu.dma_semaphore, #tpu.memory_space<semaphore_mem>>, %arg19: memref<!tpu.dma_semaphore, #tpu.memory_space<semaphore_mem>>, %arg20: memref<!tpu.dma_semaphore, #tpu.memory_space<semaphore_mem>>, %arg21: memref<!tpu.dma_semaphore, #tpu.memory_space<semaphore_mem>>, %arg22: memref<!tpu.dma_semaphore, #tpu.memory_space<semaphore_mem>>) attributes {dimension_semantics = [#tpu.dimension_semantics<core_parallel>, #tpu.dimension_semantics<subcore_parallel>], iteration_bounds = array<i64: 2, 16>, scalar_prefetch = 0 : i64, scratch_operands = 16 : i64, tpu.core_type = #tpu.core_type<sc_vector_subcore>, window_params = [{transform_indices = #map}, {transform_indices = #map}, {transform_indices = #map1}, {transform_indices = #map}, {transform_indices = #map2}]} {
    %mul3A = arith.constant 2 : i32
    %mul3A_0 = arith.muli %arg1, %mul3A : i32
    %add3A = arith.addi %mul3A_0, %arg0 : i32
    %lt3A = arith.constant 10 : i32
    %lt3A_1 = arith.cmpi slt, %arg1, %lt3A : i32
    %convert_element_type3A = arith.extui %lt3A_1 : i1 to i32
    %cond3A = arith.constant 0 : i32
    %cond3A_2 = arith.cmpi ne, %convert_element_type3A, %cond3A : i32
    scf.if %cond3A_2 {
      %mul3A_68 = arith.constant 1000 : i32
      %mul3A_69 = arith.muli %arg1, %mul3A_68 : i32
      %multiple_of3A_70 = tpu.assume_multiple %mul3A_69, 8 : i32
      "tpu.region"() ({
        %run_scoped3A_71 = tpu.sem_alloc : memref<!tpu.dma_semaphore, #tpu.memory_space<semaphore_mem>>
        %dma_start3A_72 = arith.constant 0 : i32
        %dma_start3A_73 = tpu.memref_slice %arg7[%multiple_of3A_70, %dma_start3A_72] : memref<10000x128xf32, #tpu.memory_space<vmem_shared>> -> memref<1000x128xf32, #tpu.memory_space<vmem_shared>>
        tpu.enqueue_dma source(%arg5 : memref<1000x128xf32, #tpu.memory_space<hbm>>) target(%dma_start3A_73 : memref<1000x128xf32, #tpu.memory_space<vmem_shared>>) target_semaphore(%run_scoped3A_71 : memref<!tpu.dma_semaphore, #tpu.memory_space<semaphore_mem>>)
        %dma_wait3A_74 = arith.constant 0 : i32
        %dma_wait3A_75 = tpu.memref_slice %arg7[%multiple_of3A_70, %dma_wait3A_74] : memref<10000x128xf32, #tpu.memory_space<vmem_shared>> -> memref<1000x128xf32, #tpu.memory_space<vmem_shared>>
        tpu.wait_dma2 semaphore(%run_scoped3A_71 : memref<!tpu.dma_semaphore, #tpu.memory_space<semaphore_mem>>) src(%arg5 : memref<1000x128xf32, #tpu.memory_space<hbm>>) dst(%dma_wait3A_75 : memref<1000x128xf32, #tpu.memory_space<vmem_shared>>)
        tpu.yield
      }) : () -> ()
    } else {
    }
    "tpu.region"() ({
      %run_scoped3A_68 = tpu.sem_alloc : memref<!tpu.dma_semaphore, #tpu.memory_space<semaphore_mem>>
      %dma_start3A_69 = arith.constant 0 : i32
      %dma_start3A_70 = tpu.memref_slice %arg3[%add3A, %dma_start3A_69] : memref<32x10240xi32, #tpu.memory_space<hbm>> -> memref<1x10240xi32, #tpu.memory_space<hbm>>
      %dma_start3A_71 = tpu.memref_squeeze %dma_start3A_70 : memref<1x10240xi32, #tpu.memory_space<hbm>> -> memref<10240xi32, #tpu.memory_space<hbm>>
      %dma_start3A_72 = arith.constant 0 : i32
      %dma_start3A_73 = tpu.memref_slice %arg3[%add3A, %dma_start3A_72] : memref<32x10240xi32, #tpu.memory_space<hbm>> -> memref<1x10240xi32, #tpu.memory_space<hbm>>
      %dma_start3A_74 = tpu.memref_squeeze %dma_start3A_73 : memref<1x10240xi32, #tpu.memory_space<hbm>> -> memref<10240xi32, #tpu.memory_space<hbm>>
      tpu.enqueue_dma source(%dma_start3A_74 : memref<10240xi32, #tpu.memory_space<hbm>>) target(%arg8 : memref<10240xi32, #tpu.memory_space<vmem>>) target_semaphore(%run_scoped3A_68 : memref<!tpu.dma_semaphore, #tpu.memory_space<semaphore_mem>>)
      %dma_wait3A_75 = arith.constant 0 : i32
      %dma_wait3A_76 = tpu.memref_slice %arg3[%add3A, %dma_wait3A_75] : memref<32x10240xi32, #tpu.memory_space<hbm>> -> memref<1x10240xi32, #tpu.memory_space<hbm>>
      %dma_wait3A_77 = tpu.memref_squeeze %dma_wait3A_76 : memref<1x10240xi32, #tpu.memory_space<hbm>> -> memref<10240xi32, #tpu.memory_space<hbm>>
      %dma_wait3A_78 = arith.constant 0 : i32
      %dma_wait3A_79 = tpu.memref_slice %arg3[%add3A, %dma_wait3A_78] : memref<32x10240xi32, #tpu.memory_space<hbm>> -> memref<1x10240xi32, #tpu.memory_space<hbm>>
      %dma_wait3A_80 = tpu.memref_squeeze %dma_wait3A_79 : memref<1x10240xi32, #tpu.memory_space<hbm>> -> memref<10240xi32, #tpu.memory_space<hbm>>
      tpu.wait_dma2 semaphore(%run_scoped3A_68 : memref<!tpu.dma_semaphore, #tpu.memory_space<semaphore_mem>>) src(%dma_wait3A_80 : memref<10240xi32, #tpu.memory_space<hbm>>) dst(%arg8 : memref<10240xi32, #tpu.memory_space<vmem>>)
      tpu.yield
    }) : () -> ()
    %run_scoped3A = arith.constant 0 : i32
    %run_scoped3A_3 = arith.constant 0 : i32
    "tpu.region"() ({
      %run_scoped3A_68 = tpu.sem_alloc : memref<!tpu.dma_semaphore, #tpu.memory_space<semaphore_mem>>
      %dma_start3A_69 = arith.constant 0 : i32
      %dma_start3A_70 = arith.constant 0 : i32
      %dma_start3A_71 = tpu.memref_slice %arg9[%run_scoped3A_3, %dma_start3A_69, %dma_start3A_70] : memref<2x20x64xi32, #tpu.memory_space<vmem>> -> memref<1x20x64xi32, #tpu.memory_space<vmem>>
      %dma_start3A_72 = tpu.memref_squeeze %dma_start3A_71 : memref<1x20x64xi32, #tpu.memory_space<vmem>> -> memref<20x64xi32, #tpu.memory_space<vmem>>
      %dma_start3A_73 = arith.constant 0 : i32
      %dma_start3A_74 = arith.constant 0 : i32
      %dma_start3A_75 = tpu.memref_slice %arg4[%add3A, %run_scoped3A, %dma_start3A_73, %dma_start3A_74] : memref<32x8x20x64xi32, #tpu.memory_space<hbm>> -> memref<1x1x20x64xi32, #tpu.memory_space<hbm>>
      %dma_start3A_76 = tpu.memref_squeeze %dma_start3A_75 : memref<1x1x20x64xi32, #tpu.memory_space<hbm>> -> memref<20x64xi32, #tpu.memory_space<hbm>>
      %dma_start3A_77 = arith.constant 0 : i32
      %dma_start3A_78 = arith.constant 0 : i32
      %dma_start3A_79 = tpu.memref_slice %arg9[%run_scoped3A_3, %dma_start3A_77, %dma_start3A_78] : memref<2x20x64xi32, #tpu.memory_space<vmem>> -> memref<1x20x64xi32, #tpu.memory_space<vmem>>
      %dma_start3A_80 = tpu.memref_squeeze %dma_start3A_79 : memref<1x20x64xi32, #tpu.memory_space<vmem>> -> memref<20x64xi32, #tpu.memory_space<vmem>>
      %dma_start3A_81 = arith.constant 0 : i32
      %dma_start3A_82 = arith.constant 0 : i32
      %dma_start3A_83 = tpu.memref_slice %arg4[%add3A, %run_scoped3A, %dma_start3A_81, %dma_start3A_82] : memref<32x8x20x64xi32, #tpu.memory_space<hbm>> -> memref<1x1x20x64xi32, #tpu.memory_space<hbm>>
      %dma_start3A_84 = tpu.memref_squeeze %dma_start3A_83 : memref<1x1x20x64xi32, #tpu.memory_space<hbm>> -> memref<20x64xi32, #tpu.memory_space<hbm>>
      tpu.enqueue_dma source(%dma_start3A_84 : memref<20x64xi32, #tpu.memory_space<hbm>>) target(%dma_start3A_80 : memref<20x64xi32, #tpu.memory_space<vmem>>) target_semaphore(%run_scoped3A_68 : memref<!tpu.dma_semaphore, #tpu.memory_space<semaphore_mem>>)
      %dma_wait3A_85 = arith.constant 0 : i32
      %dma_wait3A_86 = arith.constant 0 : i32
      %dma_wait3A_87 = tpu.memref_slice %arg9[%run_scoped3A_3, %dma_wait3A_85, %dma_wait3A_86] : memref<2x20x64xi32, #tpu.memory_space<vmem>> -> memref<1x20x64xi32, #tpu.memory_space<vmem>>
      %dma_wait3A_88 = tpu.memref_squeeze %dma_wait3A_87 : memref<1x20x64xi32, #tpu.memory_space<vmem>> -> memref<20x64xi32, #tpu.memory_space<vmem>>
      %dma_wait3A_89 = arith.constant 0 : i32
      %dma_wait3A_90 = arith.constant 0 : i32
      %dma_wait3A_91 = tpu.memref_slice %arg4[%add3A, %run_scoped3A, %dma_wait3A_89, %dma_wait3A_90] : memref<32x8x20x64xi32, #tpu.memory_space<hbm>> -> memref<1x1x20x64xi32, #tpu.memory_space<hbm>>
      %dma_wait3A_92 = tpu.memref_squeeze %dma_wait3A_91 : memref<1x1x20x64xi32, #tpu.memory_space<hbm>> -> memref<20x64xi32, #tpu.memory_space<hbm>>
      %dma_wait3A_93 = arith.constant 0 : i32
      %dma_wait3A_94 = arith.constant 0 : i32
      %dma_wait3A_95 = tpu.memref_slice %arg9[%run_scoped3A_3, %dma_wait3A_93, %dma_wait3A_94] : memref<2x20x64xi32, #tpu.memory_space<vmem>> -> memref<1x20x64xi32, #tpu.memory_space<vmem>>
      %dma_wait3A_96 = tpu.memref_squeeze %dma_wait3A_95 : memref<1x20x64xi32, #tpu.memory_space<vmem>> -> memref<20x64xi32, #tpu.memory_space<vmem>>
      %dma_wait3A_97 = arith.constant 0 : i32
      %dma_wait3A_98 = arith.constant 0 : i32
      %dma_wait3A_99 = tpu.memref_slice %arg4[%add3A, %run_scoped3A, %dma_wait3A_97, %dma_wait3A_98] : memref<32x8x20x64xi32, #tpu.memory_space<hbm>> -> memref<1x1x20x64xi32, #tpu.memory_space<hbm>>
      %dma_wait3A_100 = tpu.memref_squeeze %dma_wait3A_99 : memref<1x1x20x64xi32, #tpu.memory_space<hbm>> -> memref<20x64xi32, #tpu.memory_space<hbm>>
      tpu.wait_dma2 semaphore(%run_scoped3A_68 : memref<!tpu.dma_semaphore, #tpu.memory_space<semaphore_mem>>) src(%dma_wait3A_100 : memref<20x64xi32, #tpu.memory_space<hbm>>) dst(%dma_wait3A_96 : memref<20x64xi32, #tpu.memory_space<vmem>>)
      tpu.yield
    }) : () -> ()
    %barrier3A = arith.constant 0 : index
    tpu.barrier barrier_id(%barrier3A)
    %multiple_of3A = arith.constant 0 : i32
    %multiple_of3A_4 = tpu.assume_multiple %multiple_of3A, 8 : i32
    %dma_start3A = tpu.memref_slice %arg8[%multiple_of3A_4] : memref<10240xi32, #tpu.memory_space<vmem>> -> memref<64xi32, #tpu.memory_space<vmem>>
    %dma_start3A_5 = arith.constant 0 : i32
    %dma_start3A_6 = arith.constant 0 : i32
    %dma_start3A_7 = tpu.memref_slice %arg2[%dma_start3A_5, %dma_start3A_6] : memref<10008x128xf32, #tpu.memory_space<hbm>> -> memref<10008x128xf32, #tpu.memory_space<hbm>>
    tpu.enqueue_indirect_dma source(%dma_start3A_7 : memref<10008x128xf32, #tpu.memory_space<hbm>>) target(%arg10 : memref<64x128xf32, #tpu.memory_space<vmem>>) offsets(%dma_start3A : memref<64xi32, #tpu.memory_space<vmem>>) semaphore(%arg14 : memref<!tpu.dma_semaphore, #tpu.memory_space<semaphore_mem>>)
    %multiple_of3A_8 = arith.constant 64 : i32
    %multiple_of3A_9 = tpu.assume_multiple %multiple_of3A_8, 8 : i32
    %dma_start3A_10 = tpu.memref_slice %arg8[%multiple_of3A_9] : memref<10240xi32, #tpu.memory_space<vmem>> -> memref<64xi32, #tpu.memory_space<vmem>>
    %dma_start3A_11 = arith.constant 0 : i32
    %dma_start3A_12 = arith.constant 0 : i32
    %dma_start3A_13 = tpu.memref_slice %arg2[%dma_start3A_11, %dma_start3A_12] : memref<10008x128xf32, #tpu.memory_space<hbm>> -> memref<10008x128xf32, #tpu.memory_space<hbm>>
    tpu.enqueue_indirect_dma source(%dma_start3A_13 : memref<10008x128xf32, #tpu.memory_space<hbm>>) target(%arg11 : memref<64x128xf32, #tpu.memory_space<vmem>>) offsets(%dma_start3A_10 : memref<64xi32, #tpu.memory_space<vmem>>) semaphore(%arg15 : memref<!tpu.dma_semaphore, #tpu.memory_space<semaphore_mem>>)
    %multiple_of3A_14 = arith.constant 128 : i32
    %multiple_of3A_15 = tpu.assume_multiple %multiple_of3A_14, 8 : i32
    %dma_start3A_16 = tpu.memref_slice %arg8[%multiple_of3A_15] : memref<10240xi32, #tpu.memory_space<vmem>> -> memref<64xi32, #tpu.memory_space<vmem>>
    %dma_start3A_17 = arith.constant 0 : i32
    %dma_start3A_18 = arith.constant 0 : i32
    %dma_start3A_19 = tpu.memref_slice %arg2[%dma_start3A_17, %dma_start3A_18] : memref<10008x128xf32, #tpu.memory_space<hbm>> -> memref<10008x128xf32, #tpu.memory_space<hbm>>
    tpu.enqueue_indirect_dma source(%dma_start3A_19 : memref<10008x128xf32, #tpu.memory_space<hbm>>) target(%arg12 : memref<64x128xf32, #tpu.memory_space<vmem>>) offsets(%dma_start3A_16 : memref<64xi32, #tpu.memory_space<vmem>>) semaphore(%arg16 : memref<!tpu.dma_semaphore, #tpu.memory_space<semaphore_mem>>)
    %multiple_of3A_20 = arith.constant 192 : i32
    %multiple_of3A_21 = tpu.assume_multiple %multiple_of3A_20, 8 : i32
    %dma_start3A_22 = tpu.memref_slice %arg8[%multiple_of3A_21] : memref<10240xi32, #tpu.memory_space<vmem>> -> memref<64xi32, #tpu.memory_space<vmem>>
    %dma_start3A_23 = arith.constant 0 : i32
    %dma_start3A_24 = arith.constant 0 : i32
    %dma_start3A_25 = tpu.memref_slice %arg2[%dma_start3A_23, %dma_start3A_24] : memref<10008x128xf32, #tpu.memory_space<hbm>> -> memref<10008x128xf32, #tpu.memory_space<hbm>>
    tpu.enqueue_indirect_dma source(%dma_start3A_25 : memref<10008x128xf32, #tpu.memory_space<hbm>>) target(%arg13 : memref<64x128xf32, #tpu.memory_space<vmem>>) offsets(%dma_start3A_22 : memref<64xi32, #tpu.memory_space<vmem>>) semaphore(%arg17 : memref<!tpu.dma_semaphore, #tpu.memory_space<semaphore_mem>>)
    %scan3A = arith.constant 0 : i32
    %scan3A_26 = arith.constant 0 : i32
    %scan3A_27 = arith.constant 40 : i32
    %scan3A_28 = arith.addi %scan3A_26, %scan3A_27 : i32
    %scan3A_29 = arith.constant 1 : i32
    scf.for %scan3A_68 = %scan3A_26 to %scan3A_28 step %scan3A_29  : i32 {
      %div3A = arith.constant 5 : i32
      %div3A_69 = arith.divsi %scan3A_68, %div3A : i32
      %rem3A = arith.constant 5 : i32
      %rem3A_70 = arith.remsi %scan3A_68, %rem3A : i32
      %rem3A_71 = arith.constant 2 : i32
      %rem3A_72 = arith.remsi %div3A_69, %rem3A_71 : i32
      %mul3A_73 = arith.constant 4 : i32
      %mul3A_74 = arith.muli %scan3A_68, %mul3A_73 : i32
      %eq3A = arith.constant 0 : i32
      %eq3A_75 = arith.cmpi eq, %rem3A_70, %eq3A : i32
      %gt3A = arith.constant 0 : i32
      %gt3A_76 = arith.cmpi sgt, %div3A_69, %gt3A : i32
      %and3A = arith.andi %eq3A_75, %gt3A_76 : i1
      %convert_element_type3A_77 = arith.extui %and3A : i1 to i32
      %cond3A_78 = arith.constant 0 : i32
      %cond3A_79 = arith.cmpi ne, %convert_element_type3A_77, %cond3A_78 : i32
      scf.if %cond3A_79 {
        %dma_wait3A_200 = arith.constant 0 : i32
        %dma_wait3A_201 = arith.constant 0 : i32
        %dma_wait3A_202 = tpu.memref_slice %arg9[%rem3A_72, %dma_wait3A_200, %dma_wait3A_201] : memref<2x20x64xi32, #tpu.memory_space<vmem>> -> memref<1x20x64xi32, #tpu.memory_space<vmem>>
        %dma_wait3A_203 = tpu.memref_squeeze %dma_wait3A_202 : memref<1x20x64xi32, #tpu.memory_space<vmem>> -> memref<20x64xi32, #tpu.memory_space<vmem>>
        %dma_wait3A_204 = arith.constant 0 : i32
        %dma_wait3A_205 = arith.constant 0 : i32
        %dma_wait3A_206 = tpu.memref_slice %arg4[%add3A, %div3A_69, %dma_wait3A_204, %dma_wait3A_205] : memref<32x8x20x64xi32, #tpu.memory_space<hbm>> -> memref<1x1x20x64xi32, #tpu.memory_space<hbm>>
        %dma_wait3A_207 = tpu.memref_squeeze %dma_wait3A_206 : memref<1x1x20x64xi32, #tpu.memory_space<hbm>> -> memref<20x64xi32, #tpu.memory_space<hbm>>
        %dma_wait3A_208 = arith.constant 0 : i32
        %dma_wait3A_209 = arith.constant 0 : i32
        %dma_wait3A_210 = tpu.memref_slice %arg9[%rem3A_72, %dma_wait3A_208, %dma_wait3A_209] : memref<2x20x64xi32, #tpu.memory_space<vmem>> -> memref<1x20x64xi32, #tpu.memory_space<vmem>>
        %dma_wait3A_211 = tpu.memref_squeeze %dma_wait3A_210 : memref<1x20x64xi32, #tpu.memory_space<vmem>> -> memref<20x64xi32, #tpu.memory_space<vmem>>
        %dma_wait3A_212 = arith.constant 0 : i32
        %dma_wait3A_213 = arith.constant 0 : i32
        %dma_wait3A_214 = tpu.memref_slice %arg4[%add3A, %div3A_69, %dma_wait3A_212, %dma_wait3A_213] : memref<32x8x20x64xi32, #tpu.memory_space<hbm>> -> memref<1x1x20x64xi32, #tpu.memory_space<hbm>>
        %dma_wait3A_215 = tpu.memref_squeeze %dma_wait3A_214 : memref<1x1x20x64xi32, #tpu.memory_space<hbm>> -> memref<20x64xi32, #tpu.memory_space<hbm>>
        tpu.wait_dma2 semaphore(%arg22 : memref<!tpu.dma_semaphore, #tpu.memory_space<semaphore_mem>>) src(%dma_wait3A_215 : memref<20x64xi32, #tpu.memory_space<hbm>>) dst(%dma_wait3A_211 : memref<20x64xi32, #tpu.memory_space<vmem>>)
      } else {
      }
      %eq3A_80 = arith.constant 0 : i32
      %eq3A_81 = arith.cmpi eq, %rem3A_70, %eq3A_80 : i32
      %lt3A_82 = arith.constant 7 : i32
      %lt3A_83 = arith.cmpi slt, %div3A_69, %lt3A_82 : i32
      %and3A_84 = arith.andi %eq3A_81, %lt3A_83 : i1
      %convert_element_type3A_85 = arith.extui %and3A_84 : i1 to i32
      %cond3A_86 = arith.constant 0 : i32
      %cond3A_87 = arith.cmpi ne, %convert_element_type3A_85, %cond3A_86 : i32
      scf.if %cond3A_87 {
        %add3A_200 = arith.constant 1 : i32
        %add3A_201 = arith.addi %div3A_69, %add3A_200 : i32
        %sub3A = arith.constant 1 : i32
        %sub3A_202 = arith.subi %sub3A, %rem3A_72 : i32
        %dma_start3A_203 = arith.constant 0 : i32
        %dma_start3A_204 = arith.constant 0 : i32
        %dma_start3A_205 = tpu.memref_slice %arg9[%sub3A_202, %dma_start3A_203, %dma_start3A_204] : memref<2x20x64xi32, #tpu.memory_space<vmem>> -> memref<1x20x64xi32, #tpu.memory_space<vmem>>
        %dma_start3A_206 = tpu.memref_squeeze %dma_start3A_205 : memref<1x20x64xi32, #tpu.memory_space<vmem>> -> memref<20x64xi32, #tpu.memory_space<vmem>>
        %dma_start3A_207 = arith.constant 0 : i32
        %dma_start3A_208 = arith.constant 0 : i32
        %dma_start3A_209 = tpu.memref_slice %arg4[%add3A, %add3A_201, %dma_start3A_207, %dma_start3A_208] : memref<32x8x20x64xi32, #tpu.memory_space<hbm>> -> memref<1x1x20x64xi32, #tpu.memory_space<hbm>>
        %dma_start3A_210 = tpu.memref_squeeze %dma_start3A_209 : memref<1x1x20x64xi32, #tpu.memory_space<hbm>> -> memref<20x64xi32, #tpu.memory_space<hbm>>
        %dma_start3A_211 = arith.constant 0 : i32
        %dma_start3A_212 = arith.constant 0 : i32
        %dma_start3A_213 = tpu.memref_slice %arg9[%sub3A_202, %dma_start3A_211, %dma_start3A_212] : memref<2x20x64xi32, #tpu.memory_space<vmem>> -> memref<1x20x64xi32, #tpu.memory_space<vmem>>
        %dma_start3A_214 = tpu.memref_squeeze %dma_start3A_213 : memref<1x20x64xi32, #tpu.memory_space<vmem>> -> memref<20x64xi32, #tpu.memory_space<vmem>>
        %dma_start3A_215 = arith.constant 0 : i32
        %dma_start3A_216 = arith.constant 0 : i32
        %dma_start3A_217 = tpu.memref_slice %arg4[%add3A, %add3A_201, %dma_start3A_215, %dma_start3A_216] : memref<32x8x20x64xi32, #tpu.memory_space<hbm>> -> memref<1x1x20x64xi32, #tpu.memory_space<hbm>>
        %dma_start3A_218 = tpu.memref_squeeze %dma_start3A_217 : memref<1x1x20x64xi32, #tpu.memory_space<hbm>> -> memref<20x64xi32, #tpu.memory_space<hbm>>
        tpu.enqueue_dma source(%dma_start3A_218 : memref<20x64xi32, #tpu.memory_space<hbm>>) target(%dma_start3A_214 : memref<20x64xi32, #tpu.memory_space<vmem>>) target_semaphore(%arg22 : memref<!tpu.dma_semaphore, #tpu.memory_space<semaphore_mem>>)
      } else {
      }
      %add3A_88 = arith.constant 0 : i32
      %add3A_89 = arith.addi %mul3A_74, %add3A_88 : i32
      %mul3A_90 = arith.constant 64 : i32
      %mul3A_91 = arith.muli %add3A_89, %mul3A_90 : i32
      %multiple_of3A_92 = tpu.assume_multiple %mul3A_91, 8 : i32
      %dma_wait3A_93 = tpu.memref_slice %arg8[%multiple_of3A_92] : memref<10240xi32, #tpu.memory_space<vmem>> -> memref<64xi32, #tpu.memory_space<vmem>>
      %dma_wait3A_94 = arith.constant 0 : i32
      %dma_wait3A_95 = arith.constant 0 : i32
      %dma_wait3A_96 = tpu.memref_slice %arg2[%dma_wait3A_94, %dma_wait3A_95] : memref<10008x128xf32, #tpu.memory_space<hbm>> -> memref<10008x128xf32, #tpu.memory_space<hbm>>
      tpu.wait_indirect_dma semaphore(%arg14 : memref<!tpu.dma_semaphore, #tpu.memory_space<semaphore_mem>>) src(%dma_wait3A_96 : memref<10008x128xf32, #tpu.memory_space<hbm>>) dst(%arg10 : memref<64x128xf32, #tpu.memory_space<vmem>>)
      %mul3A_97 = arith.constant 4 : i32
      %mul3A_98 = arith.muli %rem3A_70, %mul3A_97 : i32
      %add3A_99 = arith.constant 0 : i32
      %add3A_100 = arith.addi %mul3A_98, %add3A_99 : i32
      %dma_start3A_101 = arith.constant 0 : i32
      %dma_start3A_102 = tpu.memref_slice %arg9[%rem3A_72, %add3A_100, %dma_start3A_101] : memref<2x20x64xi32, #tpu.memory_space<vmem>> -> memref<1x1x64xi32, #tpu.memory_space<vmem>>
      %dma_start3A_103 = tpu.memref_squeeze %dma_start3A_102 : memref<1x1x64xi32, #tpu.memory_space<vmem>> -> memref<64xi32, #tpu.memory_space<vmem>>
      %dma_start3A_104 = arith.constant 0 : i32
      %dma_start3A_105 = arith.constant 0 : i32
      %dma_start3A_106 = tpu.memref_slice %arg7[%dma_start3A_104, %dma_start3A_105] : memref<10000x128xf32, #tpu.memory_space<vmem_shared>> -> memref<10000x128xf32, #tpu.memory_space<vmem_shared>>
      tpu.enqueue_indirect_dma source(%arg10 : memref<64x128xf32, #tpu.memory_space<vmem>>) target(%dma_start3A_106 : memref<10000x128xf32, #tpu.memory_space<vmem_shared>>) offsets(%dma_start3A_103 : memref<64xi32, #tpu.memory_space<vmem>>) semaphore(%arg18 : memref<!tpu.dma_semaphore, #tpu.memory_space<semaphore_mem>>) {add = true}
      %add3A_107 = arith.constant 1 : i32
      %add3A_108 = arith.addi %mul3A_74, %add3A_107 : i32
      %mul3A_109 = arith.constant 64 : i32
      %mul3A_110 = arith.muli %add3A_108, %mul3A_109 : i32
      %multiple_of3A_111 = tpu.assume_multiple %mul3A_110, 8 : i32
      %dma_wait3A_112 = tpu.memref_slice %arg8[%multiple_of3A_111] : memref<10240xi32, #tpu.memory_space<vmem>> -> memref<64xi32, #tpu.memory_space<vmem>>
      %dma_wait3A_113 = arith.constant 0 : i32
      %dma_wait3A_114 = arith.constant 0 : i32
      %dma_wait3A_115 = tpu.memref_slice %arg2[%dma_wait3A_113, %dma_wait3A_114] : memref<10008x128xf32, #tpu.memory_space<hbm>> -> memref<10008x128xf32, #tpu.memory_space<hbm>>
      tpu.wait_indirect_dma semaphore(%arg15 : memref<!tpu.dma_semaphore, #tpu.memory_space<semaphore_mem>>) src(%dma_wait3A_115 : memref<10008x128xf32, #tpu.memory_space<hbm>>) dst(%arg11 : memref<64x128xf32, #tpu.memory_space<vmem>>)
      %mul3A_116 = arith.constant 4 : i32
      %mul3A_117 = arith.muli %rem3A_70, %mul3A_116 : i32
      %add3A_118 = arith.constant 1 : i32
      %add3A_119 = arith.addi %mul3A_117, %add3A_118 : i32
      %dma_start3A_120 = arith.constant 0 : i32
      %dma_start3A_121 = tpu.memref_slice %arg9[%rem3A_72, %add3A_119, %dma_start3A_120] : memref<2x20x64xi32, #tpu.memory_space<vmem>> -> memref<1x1x64xi32, #tpu.memory_space<vmem>>
      %dma_start3A_122 = tpu.memref_squeeze %dma_start3A_121 : memref<1x1x64xi32, #tpu.memory_space<vmem>> -> memref<64xi32, #tpu.memory_space<vmem>>
      %dma_start3A_123 = arith.constant 0 : i32
      %dma_start3A_124 = arith.constant 0 : i32
      %dma_start3A_125 = tpu.memref_slice %arg7[%dma_start3A_123, %dma_start3A_124] : memref<10000x128xf32, #tpu.memory_space<vmem_shared>> -> memref<10000x128xf32, #tpu.memory_space<vmem_shared>>
      tpu.enqueue_indirect_dma source(%arg11 : memref<64x128xf32, #tpu.memory_space<vmem>>) target(%dma_start3A_125 : memref<10000x128xf32, #tpu.memory_space<vmem_shared>>) offsets(%dma_start3A_122 : memref<64xi32, #tpu.memory_space<vmem>>) semaphore(%arg19 : memref<!tpu.dma_semaphore, #tpu.memory_space<semaphore_mem>>) {add = true}
      %add3A_126 = arith.constant 2 : i32
      %add3A_127 = arith.addi %mul3A_74, %add3A_126 : i32
      %mul3A_128 = arith.constant 64 : i32
      %mul3A_129 = arith.muli %add3A_127, %mul3A_128 : i32
      %multiple_of3A_130 = tpu.assume_multiple %mul3A_129, 8 : i32
      %dma_wait3A_131 = tpu.memref_slice %arg8[%multiple_of3A_130] : memref<10240xi32, #tpu.memory_space<vmem>> -> memref<64xi32, #tpu.memory_space<vmem>>
      %dma_wait3A_132 = arith.constant 0 : i32
      %dma_wait3A_133 = arith.constant 0 : i32
      %dma_wait3A_134 = tpu.memref_slice %arg2[%dma_wait3A_132, %dma_wait3A_133] : memref<10008x128xf32, #tpu.memory_space<hbm>> -> memref<10008x128xf32, #tpu.memory_space<hbm>>
      tpu.wait_indirect_dma semaphore(%arg16 : memref<!tpu.dma_semaphore, #tpu.memory_space<semaphore_mem>>) src(%dma_wait3A_134 : memref<10008x128xf32, #tpu.memory_space<hbm>>) dst(%arg12 : memref<64x128xf32, #tpu.memory_space<vmem>>)
      %mul3A_135 = arith.constant 4 : i32
      %mul3A_136 = arith.muli %rem3A_70, %mul3A_135 : i32
      %add3A_137 = arith.constant 2 : i32
      %add3A_138 = arith.addi %mul3A_136, %add3A_137 : i32
      %dma_start3A_139 = arith.constant 0 : i32
      %dma_start3A_140 = tpu.memref_slice %arg9[%rem3A_72, %add3A_138, %dma_start3A_139] : memref<2x20x64xi32, #tpu.memory_space<vmem>> -> memref<1x1x64xi32, #tpu.memory_space<vmem>>
      %dma_start3A_141 = tpu.memref_squeeze %dma_start3A_140 : memref<1x1x64xi32, #tpu.memory_space<vmem>> -> memref<64xi32, #tpu.memory_space<vmem>>
      %dma_start3A_142 = arith.constant 0 : i32
      %dma_start3A_143 = arith.constant 0 : i32
      %dma_start3A_144 = tpu.memref_slice %arg7[%dma_start3A_142, %dma_start3A_143] : memref<10000x128xf32, #tpu.memory_space<vmem_shared>> -> memref<10000x128xf32, #tpu.memory_space<vmem_shared>>
      tpu.enqueue_indirect_dma source(%arg12 : memref<64x128xf32, #tpu.memory_space<vmem>>) target(%dma_start3A_144 : memref<10000x128xf32, #tpu.memory_space<vmem_shared>>) offsets(%dma_start3A_141 : memref<64xi32, #tpu.memory_space<vmem>>) semaphore(%arg20 : memref<!tpu.dma_semaphore, #tpu.memory_space<semaphore_mem>>) {add = true}
      %add3A_145 = arith.constant 3 : i32
      %add3A_146 = arith.addi %mul3A_74, %add3A_145 : i32
      %mul3A_147 = arith.constant 64 : i32
      %mul3A_148 = arith.muli %add3A_146, %mul3A_147 : i32
      %multiple_of3A_149 = tpu.assume_multiple %mul3A_148, 8 : i32
      %dma_wait3A_150 = tpu.memref_slice %arg8[%multiple_of3A_149] : memref<10240xi32, #tpu.memory_space<vmem>> -> memref<64xi32, #tpu.memory_space<vmem>>
      %dma_wait3A_151 = arith.constant 0 : i32
      %dma_wait3A_152 = arith.constant 0 : i32
      %dma_wait3A_153 = tpu.memref_slice %arg2[%dma_wait3A_151, %dma_wait3A_152] : memref<10008x128xf32, #tpu.memory_space<hbm>> -> memref<10008x128xf32, #tpu.memory_space<hbm>>
      tpu.wait_indirect_dma semaphore(%arg17 : memref<!tpu.dma_semaphore, #tpu.memory_space<semaphore_mem>>) src(%dma_wait3A_153 : memref<10008x128xf32, #tpu.memory_space<hbm>>) dst(%arg13 : memref<64x128xf32, #tpu.memory_space<vmem>>)
      %mul3A_154 = arith.constant 4 : i32
      %mul3A_155 = arith.muli %rem3A_70, %mul3A_154 : i32
      %add3A_156 = arith.constant 3 : i32
      %add3A_157 = arith.addi %mul3A_155, %add3A_156 : i32
      %dma_start3A_158 = arith.constant 0 : i32
      %dma_start3A_159 = tpu.memref_slice %arg9[%rem3A_72, %add3A_157, %dma_start3A_158] : memref<2x20x64xi32, #tpu.memory_space<vmem>> -> memref<1x1x64xi32, #tpu.memory_space<vmem>>
      %dma_start3A_160 = tpu.memref_squeeze %dma_start3A_159 : memref<1x1x64xi32, #tpu.memory_space<vmem>> -> memref<64xi32, #tpu.memory_space<vmem>>
      %dma_start3A_161 = arith.constant 0 : i32
      %dma_start3A_162 = arith.constant 0 : i32
      %dma_start3A_163 = tpu.memref_slice %arg7[%dma_start3A_161, %dma_start3A_162] : memref<10000x128xf32, #tpu.memory_space<vmem_shared>> -> memref<10000x128xf32, #tpu.memory_space<vmem_shared>>
      tpu.enqueue_indirect_dma source(%arg13 : memref<64x128xf32, #tpu.memory_space<vmem>>) target(%dma_start3A_163 : memref<10000x128xf32, #tpu.memory_space<vmem_shared>>) offsets(%dma_start3A_160 : memref<64xi32, #tpu.memory_space<vmem>>) semaphore(%arg21 : memref<!tpu.dma_semaphore, #tpu.memory_space<semaphore_mem>>) {add = true}
      %add3A_164 = arith.constant 0 : i32
      %add3A_165 = arith.addi %mul3A_74, %add3A_164 : i32
      %add3A_166 = arith.constant 4 : i32
      %add3A_167 = arith.addi %add3A_165, %add3A_166 : i32
      %lt3A_168 = arith.constant 160 : i32
      %lt3A_169 = arith.cmpi slt, %add3A_167, %lt3A_168 : i32
      %convert_element_type3A_170 = arith.extui %lt3A_169 : i1 to i32
      %cond3A_171 = arith.constant 0 : i32
      %cond3A_172 = arith.cmpi ne, %convert_element_type3A_170, %cond3A_171 : i32
      scf.if %cond3A_172 {
        %mul3A_200 = arith.constant 4 : i32
        %mul3A_201 = arith.muli %rem3A_70, %mul3A_200 : i32
        %add3A_202 = arith.constant 0 : i32
        %add3A_203 = arith.addi %mul3A_201, %add3A_202 : i32
        %dma_wait3A_204 = arith.constant 0 : i32
        %dma_wait3A_205 = tpu.memref_slice %arg9[%rem3A_72, %add3A_203, %dma_wait3A_204] : memref<2x20x64xi32, #tpu.memory_space<vmem>> -> memref<1x1x64xi32, #tpu.memory_space<vmem>>
        %dma_wait3A_206 = tpu.memref_squeeze %dma_wait3A_205 : memref<1x1x64xi32, #tpu.memory_space<vmem>> -> memref<64xi32, #tpu.memory_space<vmem>>
        %dma_wait3A_207 = arith.constant 0 : i32
        %dma_wait3A_208 = arith.constant 0 : i32
        %dma_wait3A_209 = tpu.memref_slice %arg7[%dma_wait3A_207, %dma_wait3A_208] : memref<10000x128xf32, #tpu.memory_space<vmem_shared>> -> memref<10000x128xf32, #tpu.memory_space<vmem_shared>>
        tpu.wait_indirect_dma semaphore(%arg18 : memref<!tpu.dma_semaphore, #tpu.memory_space<semaphore_mem>>) src(%arg10 : memref<64x128xf32, #tpu.memory_space<vmem>>) dst(%dma_wait3A_209 : memref<10000x128xf32, #tpu.memory_space<vmem_shared>>)
        %add3A_210 = arith.constant 4 : i32
        %add3A_211 = arith.addi %add3A_165, %add3A_210 : i32
        %mul3A_212 = arith.constant 64 : i32
        %mul3A_213 = arith.muli %add3A_211, %mul3A_212 : i32
        %multiple_of3A_214 = tpu.assume_multiple %mul3A_213, 8 : i32
        %dma_start3A_215 = tpu.memref_slice %arg8[%multiple_of3A_214] : memref<10240xi32, #tpu.memory_space<vmem>> -> memref<64xi32, #tpu.memory_space<vmem>>
        %dma_start3A_216 = arith.constant 0 : i32
        %dma_start3A_217 = arith.constant 0 : i32
        %dma_start3A_218 = tpu.memref_slice %arg2[%dma_start3A_216, %dma_start3A_217] : memref<10008x128xf32, #tpu.memory_space<hbm>> -> memref<10008x128xf32, #tpu.memory_space<hbm>>
        tpu.enqueue_indirect_dma source(%dma_start3A_218 : memref<10008x128xf32, #tpu.memory_space<hbm>>) target(%arg10 : memref<64x128xf32, #tpu.memory_space<vmem>>) offsets(%dma_start3A_215 : memref<64xi32, #tpu.memory_space<vmem>>) semaphore(%arg14 : memref<!tpu.dma_semaphore, #tpu.memory_space<semaphore_mem>>)
      } else {
      }
      %add3A_173 = arith.constant 1 : i32
      %add3A_174 = arith.addi %mul3A_74, %add3A_173 : i32
      %add3A_175 = arith.constant 4 : i32
      %add3A_176 = arith.addi %add3A_174, %add3A_175 : i32
      %lt3A_177 = arith.constant 160 : i32
      %lt3A_178 = arith.cmpi slt, %add3A_176, %lt3A_177 : i32
      %convert_element_type3A_179 = arith.extui %lt3A_178 : i1 to i32
      %cond3A_180 = arith.constant 0 : i32
      %cond3A_181 = arith.cmpi ne, %convert_element_type3A_179, %cond3A_180 : i32
      scf.if %cond3A_181 {
        %mul3A_200 = arith.constant 4 : i32
        %mul3A_201 = arith.muli %rem3A_70, %mul3A_200 : i32
        %add3A_202 = arith.constant 1 : i32
        %add3A_203 = arith.addi %mul3A_201, %add3A_202 : i32
        %dma_wait3A_204 = arith.constant 0 : i32
        %dma_wait3A_205 = tpu.memref_slice %arg9[%rem3A_72, %add3A_203, %dma_wait3A_204] : memref<2x20x64xi32, #tpu.memory_space<vmem>> -> memref<1x1x64xi32, #tpu.memory_space<vmem>>
        %dma_wait3A_206 = tpu.memref_squeeze %dma_wait3A_205 : memref<1x1x64xi32, #tpu.memory_space<vmem>> -> memref<64xi32, #tpu.memory_space<vmem>>
        %dma_wait3A_207 = arith.constant 0 : i32
        %dma_wait3A_208 = arith.constant 0 : i32
        %dma_wait3A_209 = tpu.memref_slice %arg7[%dma_wait3A_207, %dma_wait3A_208] : memref<10000x128xf32, #tpu.memory_space<vmem_shared>> -> memref<10000x128xf32, #tpu.memory_space<vmem_shared>>
        tpu.wait_indirect_dma semaphore(%arg19 : memref<!tpu.dma_semaphore, #tpu.memory_space<semaphore_mem>>) src(%arg11 : memref<64x128xf32, #tpu.memory_space<vmem>>) dst(%dma_wait3A_209 : memref<10000x128xf32, #tpu.memory_space<vmem_shared>>)
        %add3A_210 = arith.constant 4 : i32
        %add3A_211 = arith.addi %add3A_174, %add3A_210 : i32
        %mul3A_212 = arith.constant 64 : i32
        %mul3A_213 = arith.muli %add3A_211, %mul3A_212 : i32
        %multiple_of3A_214 = tpu.assume_multiple %mul3A_213, 8 : i32
        %dma_start3A_215 = tpu.memref_slice %arg8[%multiple_of3A_214] : memref<10240xi32, #tpu.memory_space<vmem>> -> memref<64xi32, #tpu.memory_space<vmem>>
        %dma_start3A_216 = arith.constant 0 : i32
        %dma_start3A_217 = arith.constant 0 : i32
        %dma_start3A_218 = tpu.memref_slice %arg2[%dma_start3A_216, %dma_start3A_217] : memref<10008x128xf32, #tpu.memory_space<hbm>> -> memref<10008x128xf32, #tpu.memory_space<hbm>>
        tpu.enqueue_indirect_dma source(%dma_start3A_218 : memref<10008x128xf32, #tpu.memory_space<hbm>>) target(%arg11 : memref<64x128xf32, #tpu.memory_space<vmem>>) offsets(%dma_start3A_215 : memref<64xi32, #tpu.memory_space<vmem>>) semaphore(%arg15 : memref<!tpu.dma_semaphore, #tpu.memory_space<semaphore_mem>>)
      } else {
      }
      %add3A_182 = arith.constant 2 : i32
      %add3A_183 = arith.addi %mul3A_74, %add3A_182 : i32
      %add3A_184 = arith.constant 4 : i32
      %add3A_185 = arith.addi %add3A_183, %add3A_184 : i32
      %lt3A_186 = arith.constant 160 : i32
      %lt3A_187 = arith.cmpi slt, %add3A_185, %lt3A_186 : i32
      %convert_element_type3A_188 = arith.extui %lt3A_187 : i1 to i32
      %cond3A_189 = arith.constant 0 : i32
      %cond3A_190 = arith.cmpi ne, %convert_element_type3A_188, %cond3A_189 : i32
      scf.if %cond3A_190 {
        %mul3A_200 = arith.constant 4 : i32
        %mul3A_201 = arith.muli %rem3A_70, %mul3A_200 : i32
        %add3A_202 = arith.constant 2 : i32
        %add3A_203 = arith.addi %mul3A_201, %add3A_202 : i32
        %dma_wait3A_204 = arith.constant 0 : i32
        %dma_wait3A_205 = tpu.memref_slice %arg9[%rem3A_72, %add3A_203, %dma_wait3A_204] : memref<2x20x64xi32, #tpu.memory_space<vmem>> -> memref<1x1x64xi32, #tpu.memory_space<vmem>>
        %dma_wait3A_206 = tpu.memref_squeeze %dma_wait3A_205 : memref<1x1x64xi32, #tpu.memory_space<vmem>> -> memref<64xi32, #tpu.memory_space<vmem>>
        %dma_wait3A_207 = arith.constant 0 : i32
        %dma_wait3A_208 = arith.constant 0 : i32
        %dma_wait3A_209 = tpu.memref_slice %arg7[%dma_wait3A_207, %dma_wait3A_208] : memref<10000x128xf32, #tpu.memory_space<vmem_shared>> -> memref<10000x128xf32, #tpu.memory_space<vmem_shared>>
        tpu.wait_indirect_dma semaphore(%arg20 : memref<!tpu.dma_semaphore, #tpu.memory_space<semaphore_mem>>) src(%arg12 : memref<64x128xf32, #tpu.memory_space<vmem>>) dst(%dma_wait3A_209 : memref<10000x128xf32, #tpu.memory_space<vmem_shared>>)
        %add3A_210 = arith.constant 4 : i32
        %add3A_211 = arith.addi %add3A_183, %add3A_210 : i32
        %mul3A_212 = arith.constant 64 : i32
        %mul3A_213 = arith.muli %add3A_211, %mul3A_212 : i32
        %multiple_of3A_214 = tpu.assume_multiple %mul3A_213, 8 : i32
        %dma_start3A_215 = tpu.memref_slice %arg8[%multiple_of3A_214] : memref<10240xi32, #tpu.memory_space<vmem>> -> memref<64xi32, #tpu.memory_space<vmem>>
        %dma_start3A_216 = arith.constant 0 : i32
        %dma_start3A_217 = arith.constant 0 : i32
        %dma_start3A_218 = tpu.memref_slice %arg2[%dma_start3A_216, %dma_start3A_217] : memref<10008x128xf32, #tpu.memory_space<hbm>> -> memref<10008x128xf32, #tpu.memory_space<hbm>>
        tpu.enqueue_indirect_dma source(%dma_start3A_218 : memref<10008x128xf32, #tpu.memory_space<hbm>>) target(%arg12 : memref<64x128xf32, #tpu.memory_space<vmem>>) offsets(%dma_start3A_215 : memref<64xi32, #tpu.memory_space<vmem>>) semaphore(%arg16 : memref<!tpu.dma_semaphore, #tpu.memory_space<semaphore_mem>>)
      } else {
      }
      %add3A_191 = arith.constant 3 : i32
      %add3A_192 = arith.addi %mul3A_74, %add3A_191 : i32
      %add3A_193 = arith.constant 4 : i32
      %add3A_194 = arith.addi %add3A_192, %add3A_193 : i32
      %lt3A_195 = arith.constant 160 : i32
      %lt3A_196 = arith.cmpi slt, %add3A_194, %lt3A_195 : i32
      %convert_element_type3A_197 = arith.extui %lt3A_196 : i1 to i32
      %cond3A_198 = arith.constant 0 : i32
      %cond3A_199 = arith.cmpi ne, %convert_element_type3A_197, %cond3A_198 : i32
      scf.if %cond3A_199 {
        %mul3A_200 = arith.constant 4 : i32
        %mul3A_201 = arith.muli %rem3A_70, %mul3A_200 : i32
        %add3A_202 = arith.constant 3 : i32
        %add3A_203 = arith.addi %mul3A_201, %add3A_202 : i32
        %dma_wait3A_204 = arith.constant 0 : i32
        %dma_wait3A_205 = tpu.memref_slice %arg9[%rem3A_72, %add3A_203, %dma_wait3A_204] : memref<2x20x64xi32, #tpu.memory_space<vmem>> -> memref<1x1x64xi32, #tpu.memory_space<vmem>>
        %dma_wait3A_206 = tpu.memref_squeeze %dma_wait3A_205 : memref<1x1x64xi32, #tpu.memory_space<vmem>> -> memref<64xi32, #tpu.memory_space<vmem>>
        %dma_wait3A_207 = arith.constant 0 : i32
        %dma_wait3A_208 = arith.constant 0 : i32
        %dma_wait3A_209 = tpu.memref_slice %arg7[%dma_wait3A_207, %dma_wait3A_208] : memref<10000x128xf32, #tpu.memory_space<vmem_shared>> -> memref<10000x128xf32, #tpu.memory_space<vmem_shared>>
        tpu.wait_indirect_dma semaphore(%arg21 : memref<!tpu.dma_semaphore, #tpu.memory_space<semaphore_mem>>) src(%arg13 : memref<64x128xf32, #tpu.memory_space<vmem>>) dst(%dma_wait3A_209 : memref<10000x128xf32, #tpu.memory_space<vmem_shared>>)
        %add3A_210 = arith.constant 4 : i32
        %add3A_211 = arith.addi %add3A_192, %add3A_210 : i32
        %mul3A_212 = arith.constant 64 : i32
        %mul3A_213 = arith.muli %add3A_211, %mul3A_212 : i32
        %multiple_of3A_214 = tpu.assume_multiple %mul3A_213, 8 : i32
        %dma_start3A_215 = tpu.memref_slice %arg8[%multiple_of3A_214] : memref<10240xi32, #tpu.memory_space<vmem>> -> memref<64xi32, #tpu.memory_space<vmem>>
        %dma_start3A_216 = arith.constant 0 : i32
        %dma_start3A_217 = arith.constant 0 : i32
        %dma_start3A_218 = tpu.memref_slice %arg2[%dma_start3A_216, %dma_start3A_217] : memref<10008x128xf32, #tpu.memory_space<hbm>> -> memref<10008x128xf32, #tpu.memory_space<hbm>>
        tpu.enqueue_indirect_dma source(%dma_start3A_218 : memref<10008x128xf32, #tpu.memory_space<hbm>>) target(%arg13 : memref<64x128xf32, #tpu.memory_space<vmem>>) offsets(%dma_start3A_215 : memref<64xi32, #tpu.memory_space<vmem>>) semaphore(%arg17 : memref<!tpu.dma_semaphore, #tpu.memory_space<semaphore_mem>>)
      } else {
      }
    }
    %scan3A_30 = arith.constant 40 : i32
    %dma_wait3A = arith.constant 1 : i32
    %dma_wait3A_31 = arith.constant 16 : i32
    %dma_wait3A_32 = arith.constant 0 : i32
    %dma_wait3A_33 = tpu.memref_slice %arg9[%dma_wait3A, %dma_wait3A_31, %dma_wait3A_32] : memref<2x20x64xi32, #tpu.memory_space<vmem>> -> memref<1x1x64xi32, #tpu.memory_space<vmem>>
    %dma_wait3A_34 = tpu.memref_squeeze %dma_wait3A_33 : memref<1x1x64xi32, #tpu.memory_space<vmem>> -> memref<64xi32, #tpu.memory_space<vmem>>
    %dma_wait3A_35 = arith.constant 0 : i32
    %dma_wait3A_36 = arith.constant 0 : i32
    %dma_wait3A_37 = tpu.memref_slice %arg7[%dma_wait3A_35, %dma_wait3A_36] : memref<10000x128xf32, #tpu.memory_space<vmem_shared>> -> memref<10000x128xf32, #tpu.memory_space<vmem_shared>>
    tpu.wait_indirect_dma semaphore(%arg18 : memref<!tpu.dma_semaphore, #tpu.memory_space<semaphore_mem>>) src(%arg10 : memref<64x128xf32, #tpu.memory_space<vmem>>) dst(%dma_wait3A_37 : memref<10000x128xf32, #tpu.memory_space<vmem_shared>>)
    %dma_wait3A_38 = arith.constant 1 : i32
    %dma_wait3A_39 = arith.constant 17 : i32
    %dma_wait3A_40 = arith.constant 0 : i32
    %dma_wait3A_41 = tpu.memref_slice %arg9[%dma_wait3A_38, %dma_wait3A_39, %dma_wait3A_40] : memref<2x20x64xi32, #tpu.memory_space<vmem>> -> memref<1x1x64xi32, #tpu.memory_space<vmem>>
    %dma_wait3A_42 = tpu.memref_squeeze %dma_wait3A_41 : memref<1x1x64xi32, #tpu.memory_space<vmem>> -> memref<64xi32, #tpu.memory_space<vmem>>
    %dma_wait3A_43 = arith.constant 0 : i32
    %dma_wait3A_44 = arith.constant 0 : i32
    %dma_wait3A_45 = tpu.memref_slice %arg7[%dma_wait3A_43, %dma_wait3A_44] : memref<10000x128xf32, #tpu.memory_space<vmem_shared>> -> memref<10000x128xf32, #tpu.memory_space<vmem_shared>>
    tpu.wait_indirect_dma semaphore(%arg19 : memref<!tpu.dma_semaphore, #tpu.memory_space<semaphore_mem>>) src(%arg11 : memref<64x128xf32, #tpu.memory_space<vmem>>) dst(%dma_wait3A_45 : memref<10000x128xf32, #tpu.memory_space<vmem_shared>>)
    %dma_wait3A_46 = arith.constant 1 : i32
    %dma_wait3A_47 = arith.constant 18 : i32
    %dma_wait3A_48 = arith.constant 0 : i32
    %dma_wait3A_49 = tpu.memref_slice %arg9[%dma_wait3A_46, %dma_wait3A_47, %dma_wait3A_48] : memref<2x20x64xi32, #tpu.memory_space<vmem>> -> memref<1x1x64xi32, #tpu.memory_space<vmem>>
    %dma_wait3A_50 = tpu.memref_squeeze %dma_wait3A_49 : memref<1x1x64xi32, #tpu.memory_space<vmem>> -> memref<64xi32, #tpu.memory_space<vmem>>
    %dma_wait3A_51 = arith.constant 0 : i32
    %dma_wait3A_52 = arith.constant 0 : i32
    %dma_wait3A_53 = tpu.memref_slice %arg7[%dma_wait3A_51, %dma_wait3A_52] : memref<10000x128xf32, #tpu.memory_space<vmem_shared>> -> memref<10000x128xf32, #tpu.memory_space<vmem_shared>>
    tpu.wait_indirect_dma semaphore(%arg20 : memref<!tpu.dma_semaphore, #tpu.memory_space<semaphore_mem>>) src(%arg12 : memref<64x128xf32, #tpu.memory_space<vmem>>) dst(%dma_wait3A_53 : memref<10000x128xf32, #tpu.memory_space<vmem_shared>>)
    %dma_wait3A_54 = arith.constant 1 : i32
    %dma_wait3A_55 = arith.constant 19 : i32
    %dma_wait3A_56 = arith.constant 0 : i32
    %dma_wait3A_57 = tpu.memref_slice %arg9[%dma_wait3A_54, %dma_wait3A_55, %dma_wait3A_56] : memref<2x20x64xi32, #tpu.memory_space<vmem>> -> memref<1x1x64xi32, #tpu.memory_space<vmem>>
    %dma_wait3A_58 = tpu.memref_squeeze %dma_wait3A_57 : memref<1x1x64xi32, #tpu.memory_space<vmem>> -> memref<64xi32, #tpu.memory_space<vmem>>
    %dma_wait3A_59 = arith.constant 0 : i32
    %dma_wait3A_60 = arith.constant 0 : i32
    %dma_wait3A_61 = tpu.memref_slice %arg7[%dma_wait3A_59, %dma_wait3A_60] : memref<10000x128xf32, #tpu.memory_space<vmem_shared>> -> memref<10000x128xf32, #tpu.memory_space<vmem_shared>>
    tpu.wait_indirect_dma semaphore(%arg21 : memref<!tpu.dma_semaphore, #tpu.memory_space<semaphore_mem>>) src(%arg13 : memref<64x128xf32, #tpu.memory_space<vmem>>) dst(%dma_wait3A_61 : memref<10000x128xf32, #tpu.memory_space<vmem_shared>>)
    %barrier3A_62 = arith.constant 0 : index
    tpu.barrier barrier_id(%barrier3A_62)
    %lt3A_63 = arith.constant 10 : i32
    %lt3A_64 = arith.cmpi slt, %arg1, %lt3A_63 : i32
    %convert_element_type3A_65 = arith.extui %lt3A_64 : i1 to i32
    %cond3A_66 = arith.constant 0 : i32
    %cond3A_67 = arith.cmpi ne, %convert_element_type3A_65, %cond3A_66 : i32
    scf.if %cond3A_67 {
      %mul3A_68 = arith.constant 1000 : i32
      %mul3A_69 = arith.muli %arg1, %mul3A_68 : i32
      %multiple_of3A_70 = tpu.assume_multiple %mul3A_69, 8 : i32
      "tpu.region"() ({
        %run_scoped3A_71 = tpu.sem_alloc : memref<!tpu.dma_semaphore, #tpu.memory_space<semaphore_mem>>
        %dma_start3A_72 = arith.constant 0 : i32
        %dma_start3A_73 = tpu.memref_slice %arg6[%arg0, %multiple_of3A_70, %dma_start3A_72] : memref<2x10000x128xf32, #tpu.memory_space<hbm>> -> memref<1x1000x128xf32, #tpu.memory_space<hbm>>
        %dma_start3A_74 = tpu.memref_squeeze %dma_start3A_73 : memref<1x1000x128xf32, #tpu.memory_space<hbm>> -> memref<1000x128xf32, #tpu.memory_space<hbm>>
        %dma_start3A_75 = arith.constant 0 : i32
        %dma_start3A_76 = tpu.memref_slice %arg7[%multiple_of3A_70, %dma_start3A_75] : memref<10000x128xf32, #tpu.memory_space<vmem_shared>> -> memref<1000x128xf32, #tpu.memory_space<vmem_shared>>
        tpu.enqueue_dma source(%dma_start3A_76 : memref<1000x128xf32, #tpu.memory_space<vmem_shared>>) target(%dma_start3A_74 : memref<1000x128xf32, #tpu.memory_space<hbm>>) target_semaphore(%run_scoped3A_71 : memref<!tpu.dma_semaphore, #tpu.memory_space<semaphore_mem>>)
        %dma_wait3A_77 = arith.constant 0 : i32
        %dma_wait3A_78 = tpu.memref_slice %arg6[%arg0, %multiple_of3A_70, %dma_wait3A_77] : memref<2x10000x128xf32, #tpu.memory_space<hbm>> -> memref<1x1000x128xf32, #tpu.memory_space<hbm>>
        %dma_wait3A_79 = tpu.memref_squeeze %dma_wait3A_78 : memref<1x1000x128xf32, #tpu.memory_space<hbm>> -> memref<1000x128xf32, #tpu.memory_space<hbm>>
        %dma_wait3A_80 = arith.constant 0 : i32
        %dma_wait3A_81 = tpu.memref_slice %arg7[%multiple_of3A_70, %dma_wait3A_80] : memref<10000x128xf32, #tpu.memory_space<vmem_shared>> -> memref<1000x128xf32, #tpu.memory_space<vmem_shared>>
        tpu.wait_dma2 semaphore(%run_scoped3A_71 : memref<!tpu.dma_semaphore, #tpu.memory_space<semaphore_mem>>) src(%dma_wait3A_81 : memref<1000x128xf32, #tpu.memory_space<vmem_shared>>) dst(%dma_wait3A_79 : memref<1000x128xf32, #tpu.memory_space<hbm>>)
        tpu.yield
      }) : () -> ()
    } else {
    }
    return
  }
}

#map = affine_map<(d0, d1) -> (0, 0)>
#map1 = affine_map<(d0, d1) -> (0, 0, 0, 0)>
#map2 = affine_map<(d0, d1) -> (0, 0, 0)>
module attributes {stable_mosaic.version = 14 : i64} {
  func.func @agg(%arg0: i32, %arg1: i32, %arg2: memref<10008x128xf32, #tpu.memory_space<hbm>>, %arg3: memref<32x10240xi32, #tpu.memory_space<hbm>>, %arg4: memref<32x8x20x64xi32, #tpu.memory_space<hbm>>, %arg5: memref<1000x128xf32, #tpu.memory_space<hbm>>, %arg6: memref<2x10000x128xf32, #tpu.memory_space<hbm>>, %arg7: memref<10000x128xf32, #tpu.memory_space<vmem_shared>>, %arg8: memref<10240xi32, #tpu.memory_space<vmem>>, %arg9: memref<2x20x64xi32, #tpu.memory_space<vmem>>, %arg10: memref<64x128xf32, #tpu.memory_space<vmem>>, %arg11: memref<64x128xf32, #tpu.memory_space<vmem>>, %arg12: memref<64x128xf32, #tpu.memory_space<vmem>>, %arg13: memref<64x128xf32, #tpu.memory_space<vmem>>, %arg14: memref<!tpu.dma_semaphore, #tpu.memory_space<semaphore_mem>>, %arg15: memref<!tpu.dma_semaphore, #tpu.memory_space<semaphore_mem>>, %arg16: memref<!tpu.dma_semaphore, #tpu.memory_space<semaphore_mem>>, %arg17: memref<!tpu.dma_semaphore, #tpu.memory_space<semaphore_mem>>, %arg18: memref<!tpu.dma_semaphore, #tpu.memory_space<semaphore_mem>>, %arg19: memref<!tpu.dma_semaphore, #tpu.memory_space<semaphore_mem>>, %arg20: memref<!tpu.dma_semaphore, #tpu.memory_space<semaphore_mem>>, %arg21: memref<!tpu.dma_semaphore, #tpu.memory_space<semaphore_mem>>, %arg22: memref<!tpu.dma_semaphore, #tpu.memory_space<semaphore_mem>>) attributes {dimension_semantics = [#tpu.dimension_semantics<core_parallel>, #tpu.dimension_semantics<subcore_parallel>], iteration_bounds = array<i64: 2, 16>, scalar_prefetch = 0 : i64, scratch_operands = 16 : i64, tpu.core_type = #tpu.core_type<sc_vector_subcore>, window_params = [{transform_indices = #map}, {transform_indices = #map}, {transform_indices = #map1}, {transform_indices = #map}, {transform_indices = #map2}]} {
    %mul3A = arith.constant 2 : i32
    %mul3A_0 = arith.muli %arg1, %mul3A : i32
    %add3A = arith.addi %mul3A_0, %arg0 : i32
    %lt3A = arith.constant 10 : i32
    %lt3A_1 = arith.cmpi slt, %arg1, %lt3A : i32
    %convert_element_type3A = arith.extui %lt3A_1 : i1 to i32
    %cond3A = arith.constant 0 : i32
    %cond3A_2 = arith.cmpi ne, %convert_element_type3A, %cond3A : i32
    scf.if %cond3A_2 {
      %mul3A_68 = arith.constant 1000 : i32
      %mul3A_69 = arith.muli %arg1, %mul3A_68 : i32
      %multiple_of3A_70 = tpu.assume_multiple %mul3A_69, 8 : i32
      "tpu.region"() ({
        %run_scoped3A_71 = tpu.sem_alloc : memref<!tpu.dma_semaphore, #tpu.memory_space<semaphore_mem>>
        %dma_start3A_72 = arith.constant 0 : i32
        %dma_start3A_73 = tpu.memref_slice %arg7[%multiple_of3A_70, %dma_start3A_72] : memref<10000x128xf32, #tpu.memory_space<vmem_shared>> -> memref<1000x128xf32, #tpu.memory_space<vmem_shared>>
        tpu.enqueue_dma source(%arg5 : memref<1000x128xf32, #tpu.memory_space<hbm>>) target(%dma_start3A_73 : memref<1000x128xf32, #tpu.memory_space<vmem_shared>>) target_semaphore(%run_scoped3A_71 : memref<!tpu.dma_semaphore, #tpu.memory_space<semaphore_mem>>)
        %dma_wait3A_74 = arith.constant 0 : i32
        %dma_wait3A_75 = tpu.memref_slice %arg7[%multiple_of3A_70, %dma_wait3A_74] : memref<10000x128xf32, #tpu.memory_space<vmem_shared>> -> memref<1000x128xf32, #tpu.memory_space<vmem_shared>>
        tpu.wait_dma2 semaphore(%run_scoped3A_71 : memref<!tpu.dma_semaphore, #tpu.memory_space<semaphore_mem>>) src(%arg5 : memref<1000x128xf32, #tpu.memory_space<hbm>>) dst(%dma_wait3A_75 : memref<1000x128xf32, #tpu.memory_space<vmem_shared>>)
        tpu.yield
      }) : () -> ()
    } else {
    }
    "tpu.region"() ({
      %run_scoped3A_68 = tpu.sem_alloc : memref<!tpu.dma_semaphore, #tpu.memory_space<semaphore_mem>>
      %dma_start3A_69 = arith.constant 0 : i32
      %dma_start3A_70 = tpu.memref_slice %arg3[%add3A, %dma_start3A_69] : memref<32x10240xi32, #tpu.memory_space<hbm>> -> memref<1x10240xi32, #tpu.memory_space<hbm>>
      %dma_start3A_71 = tpu.memref_squeeze %dma_start3A_70 : memref<1x10240xi32, #tpu.memory_space<hbm>> -> memref<10240xi32, #tpu.memory_space<hbm>>
      %dma_start3A_72 = arith.constant 0 : i32
      %dma_start3A_73 = tpu.memref_slice %arg3[%add3A, %dma_start3A_72] : memref<32x10240xi32, #tpu.memory_space<hbm>> -> memref<1x10240xi32, #tpu.memory_space<hbm>>
      %dma_start3A_74 = tpu.memref_squeeze %dma_start3A_73 : memref<1x10240xi32, #tpu.memory_space<hbm>> -> memref<10240xi32, #tpu.memory_space<hbm>>
      tpu.enqueue_dma source(%dma_start3A_74 : memref<10240xi32, #tpu.memory_space<hbm>>) target(%arg8 : memref<10240xi32, #tpu.memory_space<vmem>>) target_semaphore(%run_scoped3A_68 : memref<!tpu.dma_semaphore, #tpu.memory_space<semaphore_mem>>)
      %dma_wait3A_75 = arith.constant 0 : i32
      %dma_wait3A_76 = tpu.memref_slice %arg3[%add3A, %dma_wait3A_75] : memref<32x10240xi32, #tpu.memory_space<hbm>> -> memref<1x10240xi32, #tpu.memory_space<hbm>>
      %dma_wait3A_77 = tpu.memref_squeeze %dma_wait3A_76 : memref<1x10240xi32, #tpu.memory_space<hbm>> -> memref<10240xi32, #tpu.memory_space<hbm>>
      %dma_wait3A_78 = arith.constant 0 : i32
      %dma_wait3A_79 = tpu.memref_slice %arg3[%add3A, %dma_wait3A_78] : memref<32x10240xi32, #tpu.memory_space<hbm>> -> memref<1x10240xi32, #tpu.memory_space<hbm>>
      %dma_wait3A_80 = tpu.memref_squeeze %dma_wait3A_79 : memref<1x10240xi32, #tpu.memory_space<hbm>> -> memref<10240xi32, #tpu.memory_space<hbm>>
      tpu.wait_dma2 semaphore(%run_scoped3A_68 : memref<!tpu.dma_semaphore, #tpu.memory_space<semaphore_mem>>) src(%dma_wait3A_80 : memref<10240xi32, #tpu.memory_space<hbm>>) dst(%arg8 : memref<10240xi32, #tpu.memory_space<vmem>>)
      tpu.yield
    }) : () -> ()
    %run_scoped3A = arith.constant 0 : i32
    %run_scoped3A_3 = arith.constant 0 : i32
    "tpu.region"() ({
      %run_scoped3A_68 = tpu.sem_alloc : memref<!tpu.dma_semaphore, #tpu.memory_space<semaphore_mem>>
      %dma_start3A_69 = arith.constant 0 : i32
      %dma_start3A_70 = arith.constant 0 : i32
      %dma_start3A_71 = tpu.memref_slice %arg9[%run_scoped3A_3, %dma_start3A_69, %dma_start3A_70] : memref<2x20x64xi32, #tpu.memory_space<vmem>> -> memref<1x20x64xi32, #tpu.memory_space<vmem>>
      %dma_start3A_72 = tpu.memref_squeeze %dma_start3A_71 : memref<1x20x64xi32, #tpu.memory_space<vmem>> -> memref<20x64xi32, #tpu.memory_space<vmem>>
      %dma_start3A_73 = arith.constant 0 : i32
      %dma_start3A_74 = arith.constant 0 : i32
      %dma_start3A_75 = tpu.memref_slice %arg4[%add3A, %run_scoped3A, %dma_start3A_73, %dma_start3A_74] : memref<32x8x20x64xi32, #tpu.memory_space<hbm>> -> memref<1x1x20x64xi32, #tpu.memory_space<hbm>>
      %dma_start3A_76 = tpu.memref_squeeze %dma_start3A_75 : memref<1x1x20x64xi32, #tpu.memory_space<hbm>> -> memref<20x64xi32, #tpu.memory_space<hbm>>
      %dma_start3A_77 = arith.constant 0 : i32
      %dma_start3A_78 = arith.constant 0 : i32
      %dma_start3A_79 = tpu.memref_slice %arg9[%run_scoped3A_3, %dma_start3A_77, %dma_start3A_78] : memref<2x20x64xi32, #tpu.memory_space<vmem>> -> memref<1x20x64xi32, #tpu.memory_space<vmem>>
      %dma_start3A_80 = tpu.memref_squeeze %dma_start3A_79 : memref<1x20x64xi32, #tpu.memory_space<vmem>> -> memref<20x64xi32, #tpu.memory_space<vmem>>
      %dma_start3A_81 = arith.constant 0 : i32
      %dma_start3A_82 = arith.constant 0 : i32
      %dma_start3A_83 = tpu.memref_slice %arg4[%add3A, %run_scoped3A, %dma_start3A_81, %dma_start3A_82] : memref<32x8x20x64xi32, #tpu.memory_space<hbm>> -> memref<1x1x20x64xi32, #tpu.memory_space<hbm>>
      %dma_start3A_84 = tpu.memref_squeeze %dma_start3A_83 : memref<1x1x20x64xi32, #tpu.memory_space<hbm>> -> memref<20x64xi32, #tpu.memory_space<hbm>>
      tpu.enqueue_dma source(%dma_start3A_84 : memref<20x64xi32, #tpu.memory_space<hbm>>) target(%dma_start3A_80 : memref<20x64xi32, #tpu.memory_space<vmem>>) target_semaphore(%run_scoped3A_68 : memref<!tpu.dma_semaphore, #tpu.memory_space<semaphore_mem>>)
      %dma_wait3A_85 = arith.constant 0 : i32
      %dma_wait3A_86 = arith.constant 0 : i32
      %dma_wait3A_87 = tpu.memref_slice %arg9[%run_scoped3A_3, %dma_wait3A_85, %dma_wait3A_86] : memref<2x20x64xi32, #tpu.memory_space<vmem>> -> memref<1x20x64xi32, #tpu.memory_space<vmem>>
      %dma_wait3A_88 = tpu.memref_squeeze %dma_wait3A_87 : memref<1x20x64xi32, #tpu.memory_space<vmem>> -> memref<20x64xi32, #tpu.memory_space<vmem>>
      %dma_wait3A_89 = arith.constant 0 : i32
      %dma_wait3A_90 = arith.constant 0 : i32
      %dma_wait3A_91 = tpu.memref_slice %arg4[%add3A, %run_scoped3A, %dma_wait3A_89, %dma_wait3A_90] : memref<32x8x20x64xi32, #tpu.memory_space<hbm>> -> memref<1x1x20x64xi32, #tpu.memory_space<hbm>>
      %dma_wait3A_92 = tpu.memref_squeeze %dma_wait3A_91 : memref<1x1x20x64xi32, #tpu.memory_space<hbm>> -> memref<20x64xi32, #tpu.memory_space<hbm>>
      %dma_wait3A_93 = arith.constant 0 : i32
      %dma_wait3A_94 = arith.constant 0 : i32
      %dma_wait3A_95 = tpu.memref_slice %arg9[%run_scoped3A_3, %dma_wait3A_93, %dma_wait3A_94] : memref<2x20x64xi32, #tpu.memory_space<vmem>> -> memref<1x20x64xi32, #tpu.memory_space<vmem>>
      %dma_wait3A_96 = tpu.memref_squeeze %dma_wait3A_95 : memref<1x20x64xi32, #tpu.memory_space<vmem>> -> memref<20x64xi32, #tpu.memory_space<vmem>>
      %dma_wait3A_97 = arith.constant 0 : i32
      %dma_wait3A_98 = arith.constant 0 : i32
      %dma_wait3A_99 = tpu.memref_slice %arg4[%add3A, %run_scoped3A, %dma_wait3A_97, %dma_wait3A_98] : memref<32x8x20x64xi32, #tpu.memory_space<hbm>> -> memref<1x1x20x64xi32, #tpu.memory_space<hbm>>
      %dma_wait3A_100 = tpu.memref_squeeze %dma_wait3A_99 : memref<1x1x20x64xi32, #tpu.memory_space<hbm>> -> memref<20x64xi32, #tpu.memory_space<hbm>>
      tpu.wait_dma2 semaphore(%run_scoped3A_68 : memref<!tpu.dma_semaphore, #tpu.memory_space<semaphore_mem>>) src(%dma_wait3A_100 : memref<20x64xi32, #tpu.memory_space<hbm>>) dst(%dma_wait3A_96 : memref<20x64xi32, #tpu.memory_space<vmem>>)
      tpu.yield
    }) : () -> ()
    %barrier3A = arith.constant 0 : index
    tpu.barrier barrier_id(%barrier3A)
    %multiple_of3A = arith.constant 0 : i32
    %multiple_of3A_4 = tpu.assume_multiple %multiple_of3A, 8 : i32
    %dma_start3A = tpu.memref_slice %arg8[%multiple_of3A_4] : memref<10240xi32, #tpu.memory_space<vmem>> -> memref<64xi32, #tpu.memory_space<vmem>>
    %dma_start3A_5 = arith.constant 0 : i32
    %dma_start3A_6 = arith.constant 0 : i32
    %dma_start3A_7 = tpu.memref_slice %arg2[%dma_start3A_5, %dma_start3A_6] : memref<10008x128xf32, #tpu.memory_space<hbm>> -> memref<10008x128xf32, #tpu.memory_space<hbm>>
    tpu.enqueue_indirect_dma source(%dma_start3A_7 : memref<10008x128xf32, #tpu.memory_space<hbm>>) target(%arg10 : memref<64x128xf32, #tpu.memory_space<vmem>>) offsets(%dma_start3A : memref<64xi32, #tpu.memory_space<vmem>>) semaphore(%arg14 : memref<!tpu.dma_semaphore, #tpu.memory_space<semaphore_mem>>)
    %multiple_of3A_8 = arith.constant 64 : i32
    %multiple_of3A_9 = tpu.assume_multiple %multiple_of3A_8, 8 : i32
    %dma_start3A_10 = tpu.memref_slice %arg8[%multiple_of3A_9] : memref<10240xi32, #tpu.memory_space<vmem>> -> memref<64xi32, #tpu.memory_space<vmem>>
    %dma_start3A_11 = arith.constant 0 : i32
    %dma_start3A_12 = arith.constant 0 : i32
    %dma_start3A_13 = tpu.memref_slice %arg2[%dma_start3A_11, %dma_start3A_12] : memref<10008x128xf32, #tpu.memory_space<hbm>> -> memref<10008x128xf32, #tpu.memory_space<hbm>>
    tpu.enqueue_indirect_dma source(%dma_start3A_13 : memref<10008x128xf32, #tpu.memory_space<hbm>>) target(%arg11 : memref<64x128xf32, #tpu.memory_space<vmem>>) offsets(%dma_start3A_10 : memref<64xi32, #tpu.memory_space<vmem>>) semaphore(%arg15 : memref<!tpu.dma_semaphore, #tpu.memory_space<semaphore_mem>>)
    %multiple_of3A_14 = arith.constant 128 : i32
    %multiple_of3A_15 = tpu.assume_multiple %multiple_of3A_14, 8 : i32
    %dma_start3A_16 = tpu.memref_slice %arg8[%multiple_of3A_15] : memref<10240xi32, #tpu.memory_space<vmem>> -> memref<64xi32, #tpu.memory_space<vmem>>
    %dma_start3A_17 = arith.constant 0 : i32
    %dma_start3A_18 = arith.constant 0 : i32
    %dma_start3A_19 = tpu.memref_slice %arg2[%dma_start3A_17, %dma_start3A_18] : memref<10008x128xf32, #tpu.memory_space<hbm>> -> memref<10008x128xf32, #tpu.memory_space<hbm>>
    tpu.enqueue_indirect_dma source(%dma_start3A_19 : memref<10008x128xf32, #tpu.memory_space<hbm>>) target(%arg12 : memref<64x128xf32, #tpu.memory_space<vmem>>) offsets(%dma_start3A_16 : memref<64xi32, #tpu.memory_space<vmem>>) semaphore(%arg16 : memref<!tpu.dma_semaphore, #tpu.memory_space<semaphore_mem>>)
    %multiple_of3A_20 = arith.constant 192 : i32
    %multiple_of3A_21 = tpu.assume_multiple %multiple_of3A_20, 8 : i32
    %dma_start3A_22 = tpu.memref_slice %arg8[%multiple_of3A_21] : memref<10240xi32, #tpu.memory_space<vmem>> -> memref<64xi32, #tpu.memory_space<vmem>>
    %dma_start3A_23 = arith.constant 0 : i32
    %dma_start3A_24 = arith.constant 0 : i32
    %dma_start3A_25 = tpu.memref_slice %arg2[%dma_start3A_23, %dma_start3A_24] : memref<10008x128xf32, #tpu.memory_space<hbm>> -> memref<10008x128xf32, #tpu.memory_space<hbm>>
    tpu.enqueue_indirect_dma source(%dma_start3A_25 : memref<10008x128xf32, #tpu.memory_space<hbm>>) target(%arg13 : memref<64x128xf32, #tpu.memory_space<vmem>>) offsets(%dma_start3A_22 : memref<64xi32, #tpu.memory_space<vmem>>) semaphore(%arg17 : memref<!tpu.dma_semaphore, #tpu.memory_space<semaphore_mem>>)
    %scan3A = arith.constant 0 : i32
    %scan3A_26 = arith.constant 0 : i32
    %scan3A_27 = arith.constant 40 : i32
    %scan3A_28 = arith.addi %scan3A_26, %scan3A_27 : i32
    %scan3A_29 = arith.constant 1 : i32
    scf.for %scan3A_68 = %scan3A_26 to %scan3A_28 step %scan3A_29  : i32 {
      %div3A = arith.constant 5 : i32
      %div3A_69 = arith.divsi %scan3A_68, %div3A : i32
      %rem3A = arith.constant 5 : i32
      %rem3A_70 = arith.remsi %scan3A_68, %rem3A : i32
      %rem3A_71 = arith.constant 2 : i32
      %rem3A_72 = arith.remsi %div3A_69, %rem3A_71 : i32
      %mul3A_73 = arith.constant 4 : i32
      %mul3A_74 = arith.muli %scan3A_68, %mul3A_73 : i32
      %eq3A = arith.constant 0 : i32
      %eq3A_75 = arith.cmpi eq, %rem3A_70, %eq3A : i32
      %gt3A = arith.constant 0 : i32
      %gt3A_76 = arith.cmpi sgt, %div3A_69, %gt3A : i32
      %and3A = arith.andi %eq3A_75, %gt3A_76 : i1
      %convert_element_type3A_77 = arith.extui %and3A : i1 to i32
      %cond3A_78 = arith.constant 0 : i32
      %cond3A_79 = arith.cmpi ne, %convert_element_type3A_77, %cond3A_78 : i32
      scf.if %cond3A_79 {
        %dma_wait3A_200 = arith.constant 0 : i32
        %dma_wait3A_201 = arith.constant 0 : i32
        %dma_wait3A_202 = tpu.memref_slice %arg9[%rem3A_72, %dma_wait3A_200, %dma_wait3A_201] : memref<2x20x64xi32, #tpu.memory_space<vmem>> -> memref<1x20x64xi32, #tpu.memory_space<vmem>>
        %dma_wait3A_203 = tpu.memref_squeeze %dma_wait3A_202 : memref<1x20x64xi32, #tpu.memory_space<vmem>> -> memref<20x64xi32, #tpu.memory_space<vmem>>
        %dma_wait3A_204 = arith.constant 0 : i32
        %dma_wait3A_205 = arith.constant 0 : i32
        %dma_wait3A_206 = tpu.memref_slice %arg4[%add3A, %div3A_69, %dma_wait3A_204, %dma_wait3A_205] : memref<32x8x20x64xi32, #tpu.memory_space<hbm>> -> memref<1x1x20x64xi32, #tpu.memory_space<hbm>>
        %dma_wait3A_207 = tpu.memref_squeeze %dma_wait3A_206 : memref<1x1x20x64xi32, #tpu.memory_space<hbm>> -> memref<20x64xi32, #tpu.memory_space<hbm>>
        %dma_wait3A_208 = arith.constant 0 : i32
        %dma_wait3A_209 = arith.constant 0 : i32
        %dma_wait3A_210 = tpu.memref_slice %arg9[%rem3A_72, %dma_wait3A_208, %dma_wait3A_209] : memref<2x20x64xi32, #tpu.memory_space<vmem>> -> memref<1x20x64xi32, #tpu.memory_space<vmem>>
        %dma_wait3A_211 = tpu.memref_squeeze %dma_wait3A_210 : memref<1x20x64xi32, #tpu.memory_space<vmem>> -> memref<20x64xi32, #tpu.memory_space<vmem>>
        %dma_wait3A_212 = arith.constant 0 : i32
        %dma_wait3A_213 = arith.constant 0 : i32
        %dma_wait3A_214 = tpu.memref_slice %arg4[%add3A, %div3A_69, %dma_wait3A_212, %dma_wait3A_213] : memref<32x8x20x64xi32, #tpu.memory_space<hbm>> -> memref<1x1x20x64xi32, #tpu.memory_space<hbm>>
        %dma_wait3A_215 = tpu.memref_squeeze %dma_wait3A_214 : memref<1x1x20x64xi32, #tpu.memory_space<hbm>> -> memref<20x64xi32, #tpu.memory_space<hbm>>
        tpu.wait_dma2 semaphore(%arg22 : memref<!tpu.dma_semaphore, #tpu.memory_space<semaphore_mem>>) src(%dma_wait3A_215 : memref<20x64xi32, #tpu.memory_space<hbm>>) dst(%dma_wait3A_211 : memref<20x64xi32, #tpu.memory_space<vmem>>)
      } else {
      }
      %eq3A_80 = arith.constant 0 : i32
      %eq3A_81 = arith.cmpi eq, %rem3A_70, %eq3A_80 : i32
      %lt3A_82 = arith.constant 7 : i32
      %lt3A_83 = arith.cmpi slt, %div3A_69, %lt3A_82 : i32
      %and3A_84 = arith.andi %eq3A_81, %lt3A_83 : i1
      %convert_element_type3A_85 = arith.extui %and3A_84 : i1 to i32
      %cond3A_86 = arith.constant 0 : i32
      %cond3A_87 = arith.cmpi ne, %convert_element_type3A_85, %cond3A_86 : i32
      scf.if %cond3A_87 {
        %add3A_200 = arith.constant 1 : i32
        %add3A_201 = arith.addi %div3A_69, %add3A_200 : i32
        %sub3A = arith.constant 1 : i32
        %sub3A_202 = arith.subi %sub3A, %rem3A_72 : i32
        %dma_start3A_203 = arith.constant 0 : i32
        %dma_start3A_204 = arith.constant 0 : i32
        %dma_start3A_205 = tpu.memref_slice %arg9[%sub3A_202, %dma_start3A_203, %dma_start3A_204] : memref<2x20x64xi32, #tpu.memory_space<vmem>> -> memref<1x20x64xi32, #tpu.memory_space<vmem>>
        %dma_start3A_206 = tpu.memref_squeeze %dma_start3A_205 : memref<1x20x64xi32, #tpu.memory_space<vmem>> -> memref<20x64xi32, #tpu.memory_space<vmem>>
        %dma_start3A_207 = arith.constant 0 : i32
        %dma_start3A_208 = arith.constant 0 : i32
        %dma_start3A_209 = tpu.memref_slice %arg4[%add3A, %add3A_201, %dma_start3A_207, %dma_start3A_208] : memref<32x8x20x64xi32, #tpu.memory_space<hbm>> -> memref<1x1x20x64xi32, #tpu.memory_space<hbm>>
        %dma_start3A_210 = tpu.memref_squeeze %dma_start3A_209 : memref<1x1x20x64xi32, #tpu.memory_space<hbm>> -> memref<20x64xi32, #tpu.memory_space<hbm>>
        %dma_start3A_211 = arith.constant 0 : i32
        %dma_start3A_212 = arith.constant 0 : i32
        %dma_start3A_213 = tpu.memref_slice %arg9[%sub3A_202, %dma_start3A_211, %dma_start3A_212] : memref<2x20x64xi32, #tpu.memory_space<vmem>> -> memref<1x20x64xi32, #tpu.memory_space<vmem>>
        %dma_start3A_214 = tpu.memref_squeeze %dma_start3A_213 : memref<1x20x64xi32, #tpu.memory_space<vmem>> -> memref<20x64xi32, #tpu.memory_space<vmem>>
        %dma_start3A_215 = arith.constant 0 : i32
        %dma_start3A_216 = arith.constant 0 : i32
        %dma_start3A_217 = tpu.memref_slice %arg4[%add3A, %add3A_201, %dma_start3A_215, %dma_start3A_216] : memref<32x8x20x64xi32, #tpu.memory_space<hbm>> -> memref<1x1x20x64xi32, #tpu.memory_space<hbm>>
        %dma_start3A_218 = tpu.memref_squeeze %dma_start3A_217 : memref<1x1x20x64xi32, #tpu.memory_space<hbm>> -> memref<20x64xi32, #tpu.memory_space<hbm>>
        tpu.enqueue_dma source(%dma_start3A_218 : memref<20x64xi32, #tpu.memory_space<hbm>>) target(%dma_start3A_214 : memref<20x64xi32, #tpu.memory_space<vmem>>) target_semaphore(%arg22 : memref<!tpu.dma_semaphore, #tpu.memory_space<semaphore_mem>>)
      } else {
      }
      %add3A_88 = arith.constant 0 : i32
      %add3A_89 = arith.addi %mul3A_74, %add3A_88 : i32
      %mul3A_90 = arith.constant 64 : i32
      %mul3A_91 = arith.muli %add3A_89, %mul3A_90 : i32
      %multiple_of3A_92 = tpu.assume_multiple %mul3A_91, 8 : i32
      %dma_wait3A_93 = tpu.memref_slice %arg8[%multiple_of3A_92] : memref<10240xi32, #tpu.memory_space<vmem>> -> memref<64xi32, #tpu.memory_space<vmem>>
      %dma_wait3A_94 = arith.constant 0 : i32
      %dma_wait3A_95 = arith.constant 0 : i32
      %dma_wait3A_96 = tpu.memref_slice %arg2[%dma_wait3A_94, %dma_wait3A_95] : memref<10008x128xf32, #tpu.memory_space<hbm>> -> memref<10008x128xf32, #tpu.memory_space<hbm>>
      tpu.wait_indirect_dma semaphore(%arg14 : memref<!tpu.dma_semaphore, #tpu.memory_space<semaphore_mem>>) src(%dma_wait3A_96 : memref<10008x128xf32, #tpu.memory_space<hbm>>) dst(%arg10 : memref<64x128xf32, #tpu.memory_space<vmem>>)
      %mul3A_97 = arith.constant 4 : i32
      %mul3A_98 = arith.muli %rem3A_70, %mul3A_97 : i32
      %add3A_99 = arith.constant 0 : i32
      %add3A_100 = arith.addi %mul3A_98, %add3A_99 : i32
      %dma_start3A_101 = arith.constant 0 : i32
      %dma_start3A_102 = tpu.memref_slice %arg9[%rem3A_72, %add3A_100, %dma_start3A_101] : memref<2x20x64xi32, #tpu.memory_space<vmem>> -> memref<1x1x64xi32, #tpu.memory_space<vmem>>
      %dma_start3A_103 = tpu.memref_squeeze %dma_start3A_102 : memref<1x1x64xi32, #tpu.memory_space<vmem>> -> memref<64xi32, #tpu.memory_space<vmem>>
      %dma_start3A_104 = arith.constant 0 : i32
      %dma_start3A_105 = arith.constant 0 : i32
      %dma_start3A_106 = tpu.memref_slice %arg7[%dma_start3A_104, %dma_start3A_105] : memref<10000x128xf32, #tpu.memory_space<vmem_shared>> -> memref<10000x128xf32, #tpu.memory_space<vmem_shared>>
      tpu.enqueue_indirect_dma source(%arg10 : memref<64x128xf32, #tpu.memory_space<vmem>>) target(%dma_start3A_106 : memref<10000x128xf32, #tpu.memory_space<vmem_shared>>) offsets(%dma_start3A_103 : memref<64xi32, #tpu.memory_space<vmem>>) semaphore(%arg18 : memref<!tpu.dma_semaphore, #tpu.memory_space<semaphore_mem>>) {add = true}
      %add3A_107 = arith.constant 1 : i32
      %add3A_108 = arith.addi %mul3A_74, %add3A_107 : i32
      %mul3A_109 = arith.constant 64 : i32
      %mul3A_110 = arith.muli %add3A_108, %mul3A_109 : i32
      %multiple_of3A_111 = tpu.assume_multiple %mul3A_110, 8 : i32
      %dma_wait3A_112 = tpu.memref_slice %arg8[%multiple_of3A_111] : memref<10240xi32, #tpu.memory_space<vmem>> -> memref<64xi32, #tpu.memory_space<vmem>>
      %dma_wait3A_113 = arith.constant 0 : i32
      %dma_wait3A_114 = arith.constant 0 : i32
      %dma_wait3A_115 = tpu.memref_slice %arg2[%dma_wait3A_113, %dma_wait3A_114] : memref<10008x128xf32, #tpu.memory_space<hbm>> -> memref<10008x128xf32, #tpu.memory_space<hbm>>
      tpu.wait_indirect_dma semaphore(%arg15 : memref<!tpu.dma_semaphore, #tpu.memory_space<semaphore_mem>>) src(%dma_wait3A_115 : memref<10008x128xf32, #tpu.memory_space<hbm>>) dst(%arg11 : memref<64x128xf32, #tpu.memory_space<vmem>>)
      %mul3A_116 = arith.constant 4 : i32
      %mul3A_117 = arith.muli %rem3A_70, %mul3A_116 : i32
      %add3A_118 = arith.constant 1 : i32
      %add3A_119 = arith.addi %mul3A_117, %add3A_118 : i32
      %dma_start3A_120 = arith.constant 0 : i32
      %dma_start3A_121 = tpu.memref_slice %arg9[%rem3A_72, %add3A_119, %dma_start3A_120] : memref<2x20x64xi32, #tpu.memory_space<vmem>> -> memref<1x1x64xi32, #tpu.memory_space<vmem>>
      %dma_start3A_122 = tpu.memref_squeeze %dma_start3A_121 : memref<1x1x64xi32, #tpu.memory_space<vmem>> -> memref<64xi32, #tpu.memory_space<vmem>>
      %dma_start3A_123 = arith.constant 0 : i32
      %dma_start3A_124 = arith.constant 0 : i32
      %dma_start3A_125 = tpu.memref_slice %arg7[%dma_start3A_123, %dma_start3A_124] : memref<10000x128xf32, #tpu.memory_space<vmem_shared>> -> memref<10000x128xf32, #tpu.memory_space<vmem_shared>>
      tpu.enqueue_indirect_dma source(%arg11 : memref<64x128xf32, #tpu.memory_space<vmem>>) target(%dma_start3A_125 : memref<10000x128xf32, #tpu.memory_space<vmem_shared>>) offsets(%dma_start3A_122 : memref<64xi32, #tpu.memory_space<vmem>>) semaphore(%arg19 : memref<!tpu.dma_semaphore, #tpu.memory_space<semaphore_mem>>) {add = true}
      %add3A_126 = arith.constant 2 : i32
      %add3A_127 = arith.addi %mul3A_74, %add3A_126 : i32
      %mul3A_128 = arith.constant 64 : i32
      %mul3A_129 = arith.muli %add3A_127, %mul3A_128 : i32
      %multiple_of3A_130 = tpu.assume_multiple %mul3A_129, 8 : i32
      %dma_wait3A_131 = tpu.memref_slice %arg8[%multiple_of3A_130] : memref<10240xi32, #tpu.memory_space<vmem>> -> memref<64xi32, #tpu.memory_space<vmem>>
      %dma_wait3A_132 = arith.constant 0 : i32
      %dma_wait3A_133 = arith.constant 0 : i32
      %dma_wait3A_134 = tpu.memref_slice %arg2[%dma_wait3A_132, %dma_wait3A_133] : memref<10008x128xf32, #tpu.memory_space<hbm>> -> memref<10008x128xf32, #tpu.memory_space<hbm>>
      tpu.wait_indirect_dma semaphore(%arg16 : memref<!tpu.dma_semaphore, #tpu.memory_space<semaphore_mem>>) src(%dma_wait3A_134 : memref<10008x128xf32, #tpu.memory_space<hbm>>) dst(%arg12 : memref<64x128xf32, #tpu.memory_space<vmem>>)
      %mul3A_135 = arith.constant 4 : i32
      %mul3A_136 = arith.muli %rem3A_70, %mul3A_135 : i32
      %add3A_137 = arith.constant 2 : i32
      %add3A_138 = arith.addi %mul3A_136, %add3A_137 : i32
      %dma_start3A_139 = arith.constant 0 : i32
      %dma_start3A_140 = tpu.memref_slice %arg9[%rem3A_72, %add3A_138, %dma_start3A_139] : memref<2x20x64xi32, #tpu.memory_space<vmem>> -> memref<1x1x64xi32, #tpu.memory_space<vmem>>
      %dma_start3A_141 = tpu.memref_squeeze %dma_start3A_140 : memref<1x1x64xi32, #tpu.memory_space<vmem>> -> memref<64xi32, #tpu.memory_space<vmem>>
      %dma_start3A_142 = arith.constant 0 : i32
      %dma_start3A_143 = arith.constant 0 : i32
      %dma_start3A_144 = tpu.memref_slice %arg7[%dma_start3A_142, %dma_start3A_143] : memref<10000x128xf32, #tpu.memory_space<vmem_shared>> -> memref<10000x128xf32, #tpu.memory_space<vmem_shared>>
      tpu.enqueue_indirect_dma source(%arg12 : memref<64x128xf32, #tpu.memory_space<vmem>>) target(%dma_start3A_144 : memref<10000x128xf32, #tpu.memory_space<vmem_shared>>) offsets(%dma_start3A_141 : memref<64xi32, #tpu.memory_space<vmem>>) semaphore(%arg20 : memref<!tpu.dma_semaphore, #tpu.memory_space<semaphore_mem>>) {add = true}
      %add3A_145 = arith.constant 3 : i32
      %add3A_146 = arith.addi %mul3A_74, %add3A_145 : i32
      %mul3A_147 = arith.constant 64 : i32
      %mul3A_148 = arith.muli %add3A_146, %mul3A_147 : i32
      %multiple_of3A_149 = tpu.assume_multiple %mul3A_148, 8 : i32
      %dma_wait3A_150 = tpu.memref_slice %arg8[%multiple_of3A_149] : memref<10240xi32, #tpu.memory_space<vmem>> -> memref<64xi32, #tpu.memory_space<vmem>>
      %dma_wait3A_151 = arith.constant 0 : i32
      %dma_wait3A_152 = arith.constant 0 : i32
      %dma_wait3A_153 = tpu.memref_slice %arg2[%dma_wait3A_151, %dma_wait3A_152] : memref<10008x128xf32, #tpu.memory_space<hbm>> -> memref<10008x128xf32, #tpu.memory_space<hbm>>
      tpu.wait_indirect_dma semaphore(%arg17 : memref<!tpu.dma_semaphore, #tpu.memory_space<semaphore_mem>>) src(%dma_wait3A_153 : memref<10008x128xf32, #tpu.memory_space<hbm>>) dst(%arg13 : memref<64x128xf32, #tpu.memory_space<vmem>>)
      %mul3A_154 = arith.constant 4 : i32
      %mul3A_155 = arith.muli %rem3A_70, %mul3A_154 : i32
      %add3A_156 = arith.constant 3 : i32
      %add3A_157 = arith.addi %mul3A_155, %add3A_156 : i32
      %dma_start3A_158 = arith.constant 0 : i32
      %dma_start3A_159 = tpu.memref_slice %arg9[%rem3A_72, %add3A_157, %dma_start3A_158] : memref<2x20x64xi32, #tpu.memory_space<vmem>> -> memref<1x1x64xi32, #tpu.memory_space<vmem>>
      %dma_start3A_160 = tpu.memref_squeeze %dma_start3A_159 : memref<1x1x64xi32, #tpu.memory_space<vmem>> -> memref<64xi32, #tpu.memory_space<vmem>>
      %dma_start3A_161 = arith.constant 0 : i32
      %dma_start3A_162 = arith.constant 0 : i32
      %dma_start3A_163 = tpu.memref_slice %arg7[%dma_start3A_161, %dma_start3A_162] : memref<10000x128xf32, #tpu.memory_space<vmem_shared>> -> memref<10000x128xf32, #tpu.memory_space<vmem_shared>>
      tpu.enqueue_indirect_dma source(%arg13 : memref<64x128xf32, #tpu.memory_space<vmem>>) target(%dma_start3A_163 : memref<10000x128xf32, #tpu.memory_space<vmem_shared>>) offsets(%dma_start3A_160 : memref<64xi32, #tpu.memory_space<vmem>>) semaphore(%arg21 : memref<!tpu.dma_semaphore, #tpu.memory_space<semaphore_mem>>) {add = true}
      %add3A_164 = arith.constant 0 : i32
      %add3A_165 = arith.addi %mul3A_74, %add3A_164 : i32
      %add3A_166 = arith.constant 4 : i32
      %add3A_167 = arith.addi %add3A_165, %add3A_166 : i32
      %lt3A_168 = arith.constant 160 : i32
      %lt3A_169 = arith.cmpi slt, %add3A_167, %lt3A_168 : i32
      %convert_element_type3A_170 = arith.extui %lt3A_169 : i1 to i32
      %cond3A_171 = arith.constant 0 : i32
      %cond3A_172 = arith.cmpi ne, %convert_element_type3A_170, %cond3A_171 : i32
      scf.if %cond3A_172 {
        %mul3A_200 = arith.constant 4 : i32
        %mul3A_201 = arith.muli %rem3A_70, %mul3A_200 : i32
        %add3A_202 = arith.constant 0 : i32
        %add3A_203 = arith.addi %mul3A_201, %add3A_202 : i32
        %dma_wait3A_204 = arith.constant 0 : i32
        %dma_wait3A_205 = tpu.memref_slice %arg9[%rem3A_72, %add3A_203, %dma_wait3A_204] : memref<2x20x64xi32, #tpu.memory_space<vmem>> -> memref<1x1x64xi32, #tpu.memory_space<vmem>>
        %dma_wait3A_206 = tpu.memref_squeeze %dma_wait3A_205 : memref<1x1x64xi32, #tpu.memory_space<vmem>> -> memref<64xi32, #tpu.memory_space<vmem>>
        %dma_wait3A_207 = arith.constant 0 : i32
        %dma_wait3A_208 = arith.constant 0 : i32
        %dma_wait3A_209 = tpu.memref_slice %arg7[%dma_wait3A_207, %dma_wait3A_208] : memref<10000x128xf32, #tpu.memory_space<vmem_shared>> -> memref<10000x128xf32, #tpu.memory_space<vmem_shared>>
        tpu.wait_indirect_dma semaphore(%arg18 : memref<!tpu.dma_semaphore, #tpu.memory_space<semaphore_mem>>) src(%arg10 : memref<64x128xf32, #tpu.memory_space<vmem>>) dst(%dma_wait3A_209 : memref<10000x128xf32, #tpu.memory_space<vmem_shared>>)
        %add3A_210 = arith.constant 4 : i32
        %add3A_211 = arith.addi %add3A_165, %add3A_210 : i32
        %mul3A_212 = arith.constant 64 : i32
        %mul3A_213 = arith.muli %add3A_211, %mul3A_212 : i32
        %multiple_of3A_214 = tpu.assume_multiple %mul3A_213, 8 : i32
        %dma_start3A_215 = tpu.memref_slice %arg8[%multiple_of3A_214] : memref<10240xi32, #tpu.memory_space<vmem>> -> memref<64xi32, #tpu.memory_space<vmem>>
        %dma_start3A_216 = arith.constant 0 : i32
        %dma_start3A_217 = arith.constant 0 : i32
        %dma_start3A_218 = tpu.memref_slice %arg2[%dma_start3A_216, %dma_start3A_217] : memref<10008x128xf32, #tpu.memory_space<hbm>> -> memref<10008x128xf32, #tpu.memory_space<hbm>>
        tpu.enqueue_indirect_dma source(%dma_start3A_218 : memref<10008x128xf32, #tpu.memory_space<hbm>>) target(%arg10 : memref<64x128xf32, #tpu.memory_space<vmem>>) offsets(%dma_start3A_215 : memref<64xi32, #tpu.memory_space<vmem>>) semaphore(%arg14 : memref<!tpu.dma_semaphore, #tpu.memory_space<semaphore_mem>>)
      } else {
      }
      %add3A_173 = arith.constant 1 : i32
      %add3A_174 = arith.addi %mul3A_74, %add3A_173 : i32
      %add3A_175 = arith.constant 4 : i32
      %add3A_176 = arith.addi %add3A_174, %add3A_175 : i32
      %lt3A_177 = arith.constant 160 : i32
      %lt3A_178 = arith.cmpi slt, %add3A_176, %lt3A_177 : i32
      %convert_element_type3A_179 = arith.extui %lt3A_178 : i1 to i32
      %cond3A_180 = arith.constant 0 : i32
      %cond3A_181 = arith.cmpi ne, %convert_element_type3A_179, %cond3A_180 : i32
      scf.if %cond3A_181 {
        %mul3A_200 = arith.constant 4 : i32
        %mul3A_201 = arith.muli %rem3A_70, %mul3A_200 : i32
        %add3A_202 = arith.constant 1 : i32
        %add3A_203 = arith.addi %mul3A_201, %add3A_202 : i32
        %dma_wait3A_204 = arith.constant 0 : i32
        %dma_wait3A_205 = tpu.memref_slice %arg9[%rem3A_72, %add3A_203, %dma_wait3A_204] : memref<2x20x64xi32, #tpu.memory_space<vmem>> -> memref<1x1x64xi32, #tpu.memory_space<vmem>>
        %dma_wait3A_206 = tpu.memref_squeeze %dma_wait3A_205 : memref<1x1x64xi32, #tpu.memory_space<vmem>> -> memref<64xi32, #tpu.memory_space<vmem>>
        %dma_wait3A_207 = arith.constant 0 : i32
        %dma_wait3A_208 = arith.constant 0 : i32
        %dma_wait3A_209 = tpu.memref_slice %arg7[%dma_wait3A_207, %dma_wait3A_208] : memref<10000x128xf32, #tpu.memory_space<vmem_shared>> -> memref<10000x128xf32, #tpu.memory_space<vmem_shared>>
        tpu.wait_indirect_dma semaphore(%arg19 : memref<!tpu.dma_semaphore, #tpu.memory_space<semaphore_mem>>) src(%arg11 : memref<64x128xf32, #tpu.memory_space<vmem>>) dst(%dma_wait3A_209 : memref<10000x128xf32, #tpu.memory_space<vmem_shared>>)
        %add3A_210 = arith.constant 4 : i32
        %add3A_211 = arith.addi %add3A_174, %add3A_210 : i32
        %mul3A_212 = arith.constant 64 : i32
        %mul3A_213 = arith.muli %add3A_211, %mul3A_212 : i32
        %multiple_of3A_214 = tpu.assume_multiple %mul3A_213, 8 : i32
        %dma_start3A_215 = tpu.memref_slice %arg8[%multiple_of3A_214] : memref<10240xi32, #tpu.memory_space<vmem>> -> memref<64xi32, #tpu.memory_space<vmem>>
        %dma_start3A_216 = arith.constant 0 : i32
        %dma_start3A_217 = arith.constant 0 : i32
        %dma_start3A_218 = tpu.memref_slice %arg2[%dma_start3A_216, %dma_start3A_217] : memref<10008x128xf32, #tpu.memory_space<hbm>> -> memref<10008x128xf32, #tpu.memory_space<hbm>>
        tpu.enqueue_indirect_dma source(%dma_start3A_218 : memref<10008x128xf32, #tpu.memory_space<hbm>>) target(%arg11 : memref<64x128xf32, #tpu.memory_space<vmem>>) offsets(%dma_start3A_215 : memref<64xi32, #tpu.memory_space<vmem>>) semaphore(%arg15 : memref<!tpu.dma_semaphore, #tpu.memory_space<semaphore_mem>>)
      } else {
      }
      %add3A_182 = arith.constant 2 : i32
      %add3A_183 = arith.addi %mul3A_74, %add3A_182 : i32
      %add3A_184 = arith.constant 4 : i32
      %add3A_185 = arith.addi %add3A_183, %add3A_184 : i32
      %lt3A_186 = arith.constant 160 : i32
      %lt3A_187 = arith.cmpi slt, %add3A_185, %lt3A_186 : i32
      %convert_element_type3A_188 = arith.extui %lt3A_187 : i1 to i32
      %cond3A_189 = arith.constant 0 : i32
      %cond3A_190 = arith.cmpi ne, %convert_element_type3A_188, %cond3A_189 : i32
      scf.if %cond3A_190 {
        %mul3A_200 = arith.constant 4 : i32
        %mul3A_201 = arith.muli %rem3A_70, %mul3A_200 : i32
        %add3A_202 = arith.constant 2 : i32
        %add3A_203 = arith.addi %mul3A_201, %add3A_202 : i32
        %dma_wait3A_204 = arith.constant 0 : i32
        %dma_wait3A_205 = tpu.memref_slice %arg9[%rem3A_72, %add3A_203, %dma_wait3A_204] : memref<2x20x64xi32, #tpu.memory_space<vmem>> -> memref<1x1x64xi32, #tpu.memory_space<vmem>>
        %dma_wait3A_206 = tpu.memref_squeeze %dma_wait3A_205 : memref<1x1x64xi32, #tpu.memory_space<vmem>> -> memref<64xi32, #tpu.memory_space<vmem>>
        %dma_wait3A_207 = arith.constant 0 : i32
        %dma_wait3A_208 = arith.constant 0 : i32
        %dma_wait3A_209 = tpu.memref_slice %arg7[%dma_wait3A_207, %dma_wait3A_208] : memref<10000x128xf32, #tpu.memory_space<vmem_shared>> -> memref<10000x128xf32, #tpu.memory_space<vmem_shared>>
        tpu.wait_indirect_dma semaphore(%arg20 : memref<!tpu.dma_semaphore, #tpu.memory_space<semaphore_mem>>) src(%arg12 : memref<64x128xf32, #tpu.memory_space<vmem>>) dst(%dma_wait3A_209 : memref<10000x128xf32, #tpu.memory_space<vmem_shared>>)
        %add3A_210 = arith.constant 4 : i32
        %add3A_211 = arith.addi %add3A_183, %add3A_210 : i32
        %mul3A_212 = arith.constant 64 : i32
        %mul3A_213 = arith.muli %add3A_211, %mul3A_212 : i32
        %multiple_of3A_214 = tpu.assume_multiple %mul3A_213, 8 : i32
        %dma_start3A_215 = tpu.memref_slice %arg8[%multiple_of3A_214] : memref<10240xi32, #tpu.memory_space<vmem>> -> memref<64xi32, #tpu.memory_space<vmem>>
        %dma_start3A_216 = arith.constant 0 : i32
        %dma_start3A_217 = arith.constant 0 : i32
        %dma_start3A_218 = tpu.memref_slice %arg2[%dma_start3A_216, %dma_start3A_217] : memref<10008x128xf32, #tpu.memory_space<hbm>> -> memref<10008x128xf32, #tpu.memory_space<hbm>>
        tpu.enqueue_indirect_dma source(%dma_start3A_218 : memref<10008x128xf32, #tpu.memory_space<hbm>>) target(%arg12 : memref<64x128xf32, #tpu.memory_space<vmem>>) offsets(%dma_start3A_215 : memref<64xi32, #tpu.memory_space<vmem>>) semaphore(%arg16 : memref<!tpu.dma_semaphore, #tpu.memory_space<semaphore_mem>>)
      } else {
      }
      %add3A_191 = arith.constant 3 : i32
      %add3A_192 = arith.addi %mul3A_74, %add3A_191 : i32
      %add3A_193 = arith.constant 4 : i32
      %add3A_194 = arith.addi %add3A_192, %add3A_193 : i32
      %lt3A_195 = arith.constant 160 : i32
      %lt3A_196 = arith.cmpi slt, %add3A_194, %lt3A_195 : i32
      %convert_element_type3A_197 = arith.extui %lt3A_196 : i1 to i32
      %cond3A_198 = arith.constant 0 : i32
      %cond3A_199 = arith.cmpi ne, %convert_element_type3A_197, %cond3A_198 : i32
      scf.if %cond3A_199 {
        %mul3A_200 = arith.constant 4 : i32
        %mul3A_201 = arith.muli %rem3A_70, %mul3A_200 : i32
        %add3A_202 = arith.constant 3 : i32
        %add3A_203 = arith.addi %mul3A_201, %add3A_202 : i32
        %dma_wait3A_204 = arith.constant 0 : i32
        %dma_wait3A_205 = tpu.memref_slice %arg9[%rem3A_72, %add3A_203, %dma_wait3A_204] : memref<2x20x64xi32, #tpu.memory_space<vmem>> -> memref<1x1x64xi32, #tpu.memory_space<vmem>>
        %dma_wait3A_206 = tpu.memref_squeeze %dma_wait3A_205 : memref<1x1x64xi32, #tpu.memory_space<vmem>> -> memref<64xi32, #tpu.memory_space<vmem>>
        %dma_wait3A_207 = arith.constant 0 : i32
        %dma_wait3A_208 = arith.constant 0 : i32
        %dma_wait3A_209 = tpu.memref_slice %arg7[%dma_wait3A_207, %dma_wait3A_208] : memref<10000x128xf32, #tpu.memory_space<vmem_shared>> -> memref<10000x128xf32, #tpu.memory_space<vmem_shared>>
        tpu.wait_indirect_dma semaphore(%arg21 : memref<!tpu.dma_semaphore, #tpu.memory_space<semaphore_mem>>) src(%arg13 : memref<64x128xf32, #tpu.memory_space<vmem>>) dst(%dma_wait3A_209 : memref<10000x128xf32, #tpu.memory_space<vmem_shared>>)
        %add3A_210 = arith.constant 4 : i32
        %add3A_211 = arith.addi %add3A_192, %add3A_210 : i32
        %mul3A_212 = arith.constant 64 : i32
        %mul3A_213 = arith.muli %add3A_211, %mul3A_212 : i32
        %multiple_of3A_214 = tpu.assume_multiple %mul3A_213, 8 : i32
        %dma_start3A_215 = tpu.memref_slice %arg8[%multiple_of3A_214] : memref<10240xi32, #tpu.memory_space<vmem>> -> memref<64xi32, #tpu.memory_space<vmem>>
        %dma_start3A_216 = arith.constant 0 : i32
        %dma_start3A_217 = arith.constant 0 : i32
        %dma_start3A_218 = tpu.memref_slice %arg2[%dma_start3A_216, %dma_start3A_217] : memref<10008x128xf32, #tpu.memory_space<hbm>> -> memref<10008x128xf32, #tpu.memory_space<hbm>>
        tpu.enqueue_indirect_dma source(%dma_start3A_218 : memref<10008x128xf32, #tpu.memory_space<hbm>>) target(%arg13 : memref<64x128xf32, #tpu.memory_space<vmem>>) offsets(%dma_start3A_215 : memref<64xi32, #tpu.memory_space<vmem>>) semaphore(%arg17 : memref<!tpu.dma_semaphore, #tpu.memory_space<semaphore_mem>>)
      } else {
      }
    }
    %scan3A_30 = arith.constant 40 : i32
    %dma_wait3A = arith.constant 1 : i32
    %dma_wait3A_31 = arith.constant 16 : i32
    %dma_wait3A_32 = arith.constant 0 : i32
    %dma_wait3A_33 = tpu.memref_slice %arg9[%dma_wait3A, %dma_wait3A_31, %dma_wait3A_32] : memref<2x20x64xi32, #tpu.memory_space<vmem>> -> memref<1x1x64xi32, #tpu.memory_space<vmem>>
    %dma_wait3A_34 = tpu.memref_squeeze %dma_wait3A_33 : memref<1x1x64xi32, #tpu.memory_space<vmem>> -> memref<64xi32, #tpu.memory_space<vmem>>
    %dma_wait3A_35 = arith.constant 0 : i32
    %dma_wait3A_36 = arith.constant 0 : i32
    %dma_wait3A_37 = tpu.memref_slice %arg7[%dma_wait3A_35, %dma_wait3A_36] : memref<10000x128xf32, #tpu.memory_space<vmem_shared>> -> memref<10000x128xf32, #tpu.memory_space<vmem_shared>>
    tpu.wait_indirect_dma semaphore(%arg18 : memref<!tpu.dma_semaphore, #tpu.memory_space<semaphore_mem>>) src(%arg10 : memref<64x128xf32, #tpu.memory_space<vmem>>) dst(%dma_wait3A_37 : memref<10000x128xf32, #tpu.memory_space<vmem_shared>>)
    %dma_wait3A_38 = arith.constant 1 : i32
    %dma_wait3A_39 = arith.constant 17 : i32
    %dma_wait3A_40 = arith.constant 0 : i32
    %dma_wait3A_41 = tpu.memref_slice %arg9[%dma_wait3A_38, %dma_wait3A_39, %dma_wait3A_40] : memref<2x20x64xi32, #tpu.memory_space<vmem>> -> memref<1x1x64xi32, #tpu.memory_space<vmem>>
    %dma_wait3A_42 = tpu.memref_squeeze %dma_wait3A_41 : memref<1x1x64xi32, #tpu.memory_space<vmem>> -> memref<64xi32, #tpu.memory_space<vmem>>
    %dma_wait3A_43 = arith.constant 0 : i32
    %dma_wait3A_44 = arith.constant 0 : i32
    %dma_wait3A_45 = tpu.memref_slice %arg7[%dma_wait3A_43, %dma_wait3A_44] : memref<10000x128xf32, #tpu.memory_space<vmem_shared>> -> memref<10000x128xf32, #tpu.memory_space<vmem_shared>>
    tpu.wait_indirect_dma semaphore(%arg19 : memref<!tpu.dma_semaphore, #tpu.memory_space<semaphore_mem>>) src(%arg11 : memref<64x128xf32, #tpu.memory_space<vmem>>) dst(%dma_wait3A_45 : memref<10000x128xf32, #tpu.memory_space<vmem_shared>>)
    %dma_wait3A_46 = arith.constant 1 : i32
    %dma_wait3A_47 = arith.constant 18 : i32
    %dma_wait3A_48 = arith.constant 0 : i32
    %dma_wait3A_49 = tpu.memref_slice %arg9[%dma_wait3A_46, %dma_wait3A_47, %dma_wait3A_48] : memref<2x20x64xi32, #tpu.memory_space<vmem>> -> memref<1x1x64xi32, #tpu.memory_space<vmem>>
    %dma_wait3A_50 = tpu.memref_squeeze %dma_wait3A_49 : memref<1x1x64xi32, #tpu.memory_space<vmem>> -> memref<64xi32, #tpu.memory_space<vmem>>
    %dma_wait3A_51 = arith.constant 0 : i32
    %dma_wait3A_52 = arith.constant 0 : i32
    %dma_wait3A_53 = tpu.memref_slice %arg7[%dma_wait3A_51, %dma_wait3A_52] : memref<10000x128xf32, #tpu.memory_space<vmem_shared>> -> memref<10000x128xf32, #tpu.memory_space<vmem_shared>>
    tpu.wait_indirect_dma semaphore(%arg20 : memref<!tpu.dma_semaphore, #tpu.memory_space<semaphore_mem>>) src(%arg12 : memref<64x128xf32, #tpu.memory_space<vmem>>) dst(%dma_wait3A_53 : memref<10000x128xf32, #tpu.memory_space<vmem_shared>>)
    %dma_wait3A_54 = arith.constant 1 : i32
    %dma_wait3A_55 = arith.constant 19 : i32
    %dma_wait3A_56 = arith.constant 0 : i32
    %dma_wait3A_57 = tpu.memref_slice %arg9[%dma_wait3A_54, %dma_wait3A_55, %dma_wait3A_56] : memref<2x20x64xi32, #tpu.memory_space<vmem>> -> memref<1x1x64xi32, #tpu.memory_space<vmem>>
    %dma_wait3A_58 = tpu.memref_squeeze %dma_wait3A_57 : memref<1x1x64xi32, #tpu.memory_space<vmem>> -> memref<64xi32, #tpu.memory_space<vmem>>
    %dma_wait3A_59 = arith.constant 0 : i32
    %dma_wait3A_60 = arith.constant 0 : i32
    %dma_wait3A_61 = tpu.memref_slice %arg7[%dma_wait3A_59, %dma_wait3A_60] : memref<10000x128xf32, #tpu.memory_space<vmem_shared>> -> memref<10000x128xf32, #tpu.memory_space<vmem_shared>>
    tpu.wait_indirect_dma semaphore(%arg21 : memref<!tpu.dma_semaphore, #tpu.memory_space<semaphore_mem>>) src(%arg13 : memref<64x128xf32, #tpu.memory_space<vmem>>) dst(%dma_wait3A_61 : memref<10000x128xf32, #tpu.memory_space<vmem_shared>>)
    %barrier3A_62 = arith.constant 0 : index
    tpu.barrier barrier_id(%barrier3A_62)
    %lt3A_63 = arith.constant 10 : i32
    %lt3A_64 = arith.cmpi slt, %arg1, %lt3A_63 : i32
    %convert_element_type3A_65 = arith.extui %lt3A_64 : i1 to i32
    %cond3A_66 = arith.constant 0 : i32
    %cond3A_67 = arith.cmpi ne, %convert_element_type3A_65, %cond3A_66 : i32
    scf.if %cond3A_67 {
      %mul3A_68 = arith.constant 1000 : i32
      %mul3A_69 = arith.muli %arg1, %mul3A_68 : i32
      %multiple_of3A_70 = tpu.assume_multiple %mul3A_69, 8 : i32
      "tpu.region"() ({
        %run_scoped3A_71 = tpu.sem_alloc : memref<!tpu.dma_semaphore, #tpu.memory_space<semaphore_mem>>
        %dma_start3A_72 = arith.constant 0 : i32
        %dma_start3A_73 = tpu.memref_slice %arg6[%arg0, %multiple_of3A_70, %dma_start3A_72] : memref<2x10000x128xf32, #tpu.memory_space<hbm>> -> memref<1x1000x128xf32, #tpu.memory_space<hbm>>
        %dma_start3A_74 = tpu.memref_squeeze %dma_start3A_73 : memref<1x1000x128xf32, #tpu.memory_space<hbm>> -> memref<1000x128xf32, #tpu.memory_space<hbm>>
        %dma_start3A_75 = arith.constant 0 : i32
        %dma_start3A_76 = tpu.memref_slice %arg7[%multiple_of3A_70, %dma_start3A_75] : memref<10000x128xf32, #tpu.memory_space<vmem_shared>> -> memref<1000x128xf32, #tpu.memory_space<vmem_shared>>
        tpu.enqueue_dma source(%dma_start3A_76 : memref<1000x128xf32, #tpu.memory_space<vmem_shared>>) target(%dma_start3A_74 : memref<1000x128xf32, #tpu.memory_space<hbm>>) target_semaphore(%run_scoped3A_71 : memref<!tpu.dma_semaphore, #tpu.memory_space<semaphore_mem>>)
        %dma_wait3A_77 = arith.constant 0 : i32
        %dma_wait3A_78 = tpu.memref_slice %arg6[%arg0, %multiple_of3A_70, %dma_wait3A_77] : memref<2x10000x128xf32, #tpu.memory_space<hbm>> -> memref<1x1000x128xf32, #tpu.memory_space<hbm>>
        %dma_wait3A_79 = tpu.memref_squeeze %dma_wait3A_78 : memref<1x1000x128xf32, #tpu.memory_space<hbm>> -> memref<1000x128xf32, #tpu.memory_space<hbm>>
        %dma_wait3A_80 = arith.constant 0 : i32
        %dma_wait3A_81 = tpu.memref_slice %arg7[%multiple_of3A_70, %dma_wait3A_80] : memref<10000x128xf32, #tpu.memory_space<vmem_shared>> -> memref<1000x128xf32, #tpu.memory_space<vmem_shared>>
        tpu.wait_dma2 semaphore(%run_scoped3A_71 : memref<!tpu.dma_semaphore, #tpu.memory_space<semaphore_mem>>) src(%dma_wait3A_81 : memref<1000x128xf32, #tpu.memory_space<vmem_shared>>) dst(%dma_wait3A_79 : memref<1000x128xf32, #tpu.memory_space<hbm>>)
        tpu.yield
      }) : () -> ()
    } else {
    }
    return
  }
}

module attributes {stable_mosaic.version = 14 : i64} {
  func.func @_dense_body(%arg0: memref<1x1xf32, #tpu.memory_space<smem>>, %arg1: memref<1x10000xi32, #tpu.memory_space<vmem>>, %arg2: memref<10008x128xf32, #tpu.memory_space<vmem>>, %arg3: memref<10000x128xf32, #tpu.memory_space<vmem>>, %arg4: memref<10000x128xf32, #tpu.memory_space<vmem>>, %arg5: memref<128x128xf32, #tpu.memory_space<vmem>>, %arg6: memref<1x128xf32, #tpu.memory_space<vmem>>, %arg7: memref<1x128xf32, #tpu.memory_space<vmem>>, %arg8: memref<1x128xf32, #tpu.memory_space<vmem>>, %arg9: memref<128x128xf32, #tpu.memory_space<vmem>>, %arg10: memref<1x128xf32, #tpu.memory_space<vmem>>, %arg11: memref<1x128xf32, #tpu.memory_space<vmem>>, %arg12: memref<1x128xf32, #tpu.memory_space<vmem>>, %arg13: memref<10008x128xf32, #tpu.memory_space<vmem>>, %arg14: memref<64x128xf32, #tpu.memory_space<vmem>>) attributes {dimension_semantics = [], scalar_prefetch = 0 : i64, scratch_operands = 0 : i64, tpu.core_type = #tpu.core_type<tc>} {
    %get3A = arith.constant 0 : index
    %get3A_0 = arith.constant 0 : index
    %get3A_1 = vector.load %arg2[%get3A, %get3A_0] : memref<10008x128xf32, #tpu.memory_space<vmem>>, vector<10000x128xf32>
    %get3A_2 = arith.constant 0 : index
    %get3A_3 = arith.constant 0 : index
    %get3A_4 = memref.load %arg0[%get3A_2, %get3A_3] : memref<1x1xf32, #tpu.memory_space<smem>>
    %mul3A = vector.broadcast %get3A_4 : f32 to vector<10000x128xf32>
    %mul3A_5 = arith.mulf %get3A_1, %mul3A : vector<10000x128xf32>
    %get3A_6 = arith.constant 0 : index
    %get3A_7 = arith.constant 0 : index
    %get3A_8 = vector.load %arg3[%get3A_6, %get3A_7] : memref<10000x128xf32, #tpu.memory_space<vmem>>, vector<10000x128xf32>
    %get3A_9 = arith.constant 0 : index
    %get3A_10 = arith.constant 0 : index
    %get3A_11 = vector.load %arg4[%get3A_9, %get3A_10] : memref<10000x128xf32, #tpu.memory_space<vmem>>, vector<10000x128xf32>
    %add3A = arith.addf %get3A_8, %get3A_11 : vector<10000x128xf32>
    %add3A_12 = arith.addf %mul3A_5, %add3A : vector<10000x128xf32>
    %get3A_13 = arith.constant 0 : index
    %get3A_14 = arith.constant 0 : index
    %get3A_15 = vector.load %arg5[%get3A_13, %get3A_14] : memref<128x128xf32, #tpu.memory_space<vmem>>, vector<128x128xf32>
    %dot_general3A = arith.constant dense<0.000000e+00> : vector<10000x128xf32>
    %dot_general3A_16 = tpu.matmul %add3A_12, %get3A_15, %dot_general3A {dimension_numbers = #tpu.dot_dimension_numbers<[1], [0], [0], [1], [0, 0, 1, 1], [], []>, transpose_lhs_hint = false} : vector<10000x128xf32>, vector<128x128xf32>, vector<10000x128xf32> -> vector<10000x128xf32>
    %get3A_17 = arith.constant 0 : index
    %get3A_18 = arith.constant 0 : index
    %get3A_19 = vector.load %arg6[%get3A_17, %get3A_18] : memref<1x128xf32, #tpu.memory_space<vmem>>, vector<1x128xf32>
    %add3A_20 = vector.broadcast %get3A_19 : vector<1x128xf32> to vector<10000x128xf32>
    %add3A_21 = arith.addf %dot_general3A_16, %add3A_20 : vector<10000x128xf32>
    %reduce_sum3A = arith.constant dense<0.000000e+00> : vector<128xf32>
    %reduce_sum3A_22 = vector.multi_reduction <add>, %add3A_21, %reduce_sum3A [0] : vector<10000x128xf32> to vector<128xf32>
    %broadcast_in_dim3A = vector.shape_cast %reduce_sum3A_22 : vector<128xf32> to vector<1x128xf32>
    %div3A = arith.constant 1.000000e+04 : f32
    %div3A_23 = vector.broadcast %div3A : f32 to vector<1x128xf32>
    %div3A_24 = arith.divf %broadcast_in_dim3A, %div3A_23 : vector<1x128xf32>
    %sub3A = vector.broadcast %div3A_24 : vector<1x128xf32> to vector<10000x128xf32>
    %sub3A_25 = arith.subf %add3A_21, %sub3A : vector<10000x128xf32>
    %square3A = arith.mulf %sub3A_25, %sub3A_25 : vector<10000x128xf32>
    %reduce_sum3A_26 = arith.constant dense<0.000000e+00> : vector<128xf32>
    %reduce_sum3A_27 = vector.multi_reduction <add>, %square3A, %reduce_sum3A_26 [0] : vector<10000x128xf32> to vector<128xf32>
    %broadcast_in_dim3A_28 = vector.shape_cast %reduce_sum3A_27 : vector<128xf32> to vector<1x128xf32>
    %div3A_29 = arith.constant 1.000000e+04 : f32
    %div3A_30 = vector.broadcast %div3A_29 : f32 to vector<1x128xf32>
    %div3A_31 = arith.divf %broadcast_in_dim3A_28, %div3A_30 : vector<1x128xf32>
    %get3A_32 = arith.constant 0 : index
    %get3A_33 = arith.constant 0 : index
    %get3A_34 = vector.load %arg7[%get3A_32, %get3A_33] : memref<1x128xf32, #tpu.memory_space<vmem>>, vector<1x128xf32>
    %sub3A_35 = vector.broadcast %div3A_24 : vector<1x128xf32> to vector<10000x128xf32>
    %sub3A_36 = arith.subf %add3A_21, %sub3A_35 : vector<10000x128xf32>
    %mul3A_37 = vector.broadcast %get3A_34 : vector<1x128xf32> to vector<10000x128xf32>
    %mul3A_38 = arith.mulf %mul3A_37, %sub3A_36 : vector<10000x128xf32>
    %add3A_39 = arith.constant 9.99999974E-6 : f32
    %add3A_40 = vector.broadcast %add3A_39 : f32 to vector<1x128xf32>
    %add3A_41 = arith.addf %div3A_31, %add3A_40 : vector<1x128xf32>
    %sqrt3A = math.sqrt %add3A_41 : vector<1x128xf32>
    %div3A_42 = vector.broadcast %sqrt3A : vector<1x128xf32> to vector<10000x128xf32>
    %div3A_43 = arith.divf %mul3A_38, %div3A_42 : vector<10000x128xf32>
    %get3A_44 = arith.constant 0 : index
    %get3A_45 = arith.constant 0 : index
    %get3A_46 = vector.load %arg8[%get3A_44, %get3A_45] : memref<1x128xf32, #tpu.memory_space<vmem>>, vector<1x128xf32>
    %add3A_47 = vector.broadcast %get3A_46 : vector<1x128xf32> to vector<10000x128xf32>
    %add3A_48 = arith.addf %div3A_43, %add3A_47 : vector<10000x128xf32>
    %max3A = arith.constant 0.000000e+00 : f32
    %max3A_49 = vector.broadcast %max3A : f32 to vector<10000x128xf32>
    %max3A_50 = arith.maximumf %add3A_48, %max3A_49 : vector<10000x128xf32>
    %get3A_51 = arith.constant 0 : index
    %get3A_52 = arith.constant 0 : index
    %get3A_53 = vector.load %arg9[%get3A_51, %get3A_52] : memref<128x128xf32, #tpu.memory_space<vmem>>, vector<128x128xf32>
    %dot_general3A_54 = arith.constant dense<0.000000e+00> : vector<10000x128xf32>
    %dot_general3A_55 = tpu.matmul %max3A_50, %get3A_53, %dot_general3A_54 {dimension_numbers = #tpu.dot_dimension_numbers<[1], [0], [0], [1], [0, 0, 1, 1], [], []>, transpose_lhs_hint = false} : vector<10000x128xf32>, vector<128x128xf32>, vector<10000x128xf32> -> vector<10000x128xf32>
    %get3A_56 = arith.constant 0 : index
    %get3A_57 = arith.constant 0 : index
    %get3A_58 = vector.load %arg10[%get3A_56, %get3A_57] : memref<1x128xf32, #tpu.memory_space<vmem>>, vector<1x128xf32>
    %add3A_59 = vector.broadcast %get3A_58 : vector<1x128xf32> to vector<10000x128xf32>
    %add3A_60 = arith.addf %dot_general3A_55, %add3A_59 : vector<10000x128xf32>
    %reduce_sum3A_61 = arith.constant dense<0.000000e+00> : vector<128xf32>
    %reduce_sum3A_62 = vector.multi_reduction <add>, %add3A_60, %reduce_sum3A_61 [0] : vector<10000x128xf32> to vector<128xf32>
    %broadcast_in_dim3A_63 = vector.shape_cast %reduce_sum3A_62 : vector<128xf32> to vector<1x128xf32>
    %div3A_64 = arith.constant 1.000000e+04 : f32
    %div3A_65 = vector.broadcast %div3A_64 : f32 to vector<1x128xf32>
    %div3A_66 = arith.divf %broadcast_in_dim3A_63, %div3A_65 : vector<1x128xf32>
    %sub3A_67 = vector.broadcast %div3A_66 : vector<1x128xf32> to vector<10000x128xf32>
    %sub3A_68 = arith.subf %add3A_60, %sub3A_67 : vector<10000x128xf32>
    %square3A_69 = arith.mulf %sub3A_68, %sub3A_68 : vector<10000x128xf32>
    %reduce_sum3A_70 = arith.constant dense<0.000000e+00> : vector<128xf32>
    %reduce_sum3A_71 = vector.multi_reduction <add>, %square3A_69, %reduce_sum3A_70 [0] : vector<10000x128xf32> to vector<128xf32>
    %broadcast_in_dim3A_72 = vector.shape_cast %reduce_sum3A_71 : vector<128xf32> to vector<1x128xf32>
    %div3A_73 = arith.constant 1.000000e+04 : f32
    %div3A_74 = vector.broadcast %div3A_73 : f32 to vector<1x128xf32>
    %div3A_75 = arith.divf %broadcast_in_dim3A_72, %div3A_74 : vector<1x128xf32>
    %get3A_76 = arith.constant 0 : index
    %get3A_77 = arith.constant 0 : index
    %get3A_78 = vector.load %arg11[%get3A_76, %get3A_77] : memref<1x128xf32, #tpu.memory_space<vmem>>, vector<1x128xf32>
    %sub3A_79 = vector.broadcast %div3A_66 : vector<1x128xf32> to vector<10000x128xf32>
    %sub3A_80 = arith.subf %add3A_60, %sub3A_79 : vector<10000x128xf32>
    %mul3A_81 = vector.broadcast %get3A_78 : vector<1x128xf32> to vector<10000x128xf32>
    %mul3A_82 = arith.mulf %mul3A_81, %sub3A_80 : vector<10000x128xf32>
    %add3A_83 = arith.constant 9.99999974E-6 : f32
    %add3A_84 = vector.broadcast %add3A_83 : f32 to vector<1x128xf32>
    %add3A_85 = arith.addf %div3A_75, %add3A_84 : vector<1x128xf32>
    %sqrt3A_86 = math.sqrt %add3A_85 : vector<1x128xf32>
    %div3A_87 = vector.broadcast %sqrt3A_86 : vector<1x128xf32> to vector<10000x128xf32>
    %div3A_88 = arith.divf %mul3A_82, %div3A_87 : vector<10000x128xf32>
    %get3A_89 = arith.constant 0 : index
    %get3A_90 = arith.constant 0 : index
    %get3A_91 = vector.load %arg12[%get3A_89, %get3A_90] : memref<1x128xf32, #tpu.memory_space<vmem>>, vector<1x128xf32>
    %add3A_92 = vector.broadcast %get3A_91 : vector<1x128xf32> to vector<10000x128xf32>
    %add3A_93 = arith.addf %div3A_88, %add3A_92 : vector<10000x128xf32>
    %max3A_94 = arith.constant 0.000000e+00 : f32
    %max3A_95 = vector.broadcast %max3A_94 : f32 to vector<10000x128xf32>
    %max3A_96 = arith.maximumf %add3A_93, %max3A_95 : vector<10000x128xf32>
    %swap3A = arith.constant 0 : index
    %swap3A_97 = arith.constant 0 : index
    %swap3A_98 = vector.load %arg13[%swap3A, %swap3A_97] : memref<10008x128xf32, #tpu.memory_space<vmem>>, vector<10000x128xf32>
    tpu.vector_store %arg13[%swap3A, %swap3A_97], %max3A_96 {strides = array<i32>} : memref<10008x128xf32, #tpu.memory_space<vmem>>, vector<10000x128xf32>,
    %broadcast_in_dim3A_99 = arith.constant 0.000000e+00 : f32
    %broadcast_in_dim3A_100 = vector.broadcast %broadcast_in_dim3A_99 : f32 to vector<8x128xf32>
    %swap3A_101 = arith.constant 10000 : index
    %swap3A_102 = arith.constant 0 : index
    %swap3A_103 = vector.load %arg13[%swap3A_101, %swap3A_102] : memref<10008x128xf32, #tpu.memory_space<vmem>>, vector<8x128xf32>
    tpu.vector_store %arg13[%swap3A_101, %swap3A_102], %broadcast_in_dim3A_100 {strides = array<i32>} : memref<10008x128xf32, #tpu.memory_space<vmem>>, vector<8x128xf32>,
    %get3A_104 = arith.constant 0 : index
    %get3A_105 = arith.constant 0 : index
    %get3A_106 = vector.load %arg1[%get3A_104, %get3A_105] : memref<1x10000xi32, #tpu.memory_space<vmem>>, vector<1x10000xi32>
    %iota3A = tpu.iota {dimensions = array<i32: 0>} : vector<64x10000xi32>
    %eq3A = vector.broadcast %get3A_106 : vector<1x10000xi32> to vector<64x10000xi32>
    %eq3A_107 = arith.cmpi eq, %eq3A, %iota3A : vector<64x10000xi32>
    %convert_element_type3A = arith.extui %eq3A_107 : vector<64x10000xi1> to vector<64x10000xi32>
    %convert_element_type3A_108 = arith.sitofp %convert_element_type3A : vector<64x10000xi32> to vector<64x10000xf32>
    %dot_general3A_109 = arith.constant dense<0.000000e+00> : vector<64x128xf32>
    %dot_general3A_110 = tpu.matmul %convert_element_type3A_108, %max3A_96, %dot_general3A_109 {dimension_numbers = #tpu.dot_dimension_numbers<[1], [0], [0], [1], [0, 0, 1, 1], [], []>, transpose_lhs_hint = false} : vector<64x10000xf32>, vector<10000x128xf32>, vector<64x128xf32> -> vector<64x128xf32>
    %swap3A_111 = arith.constant 0 : index
    %swap3A_112 = arith.constant 0 : index
    %swap3A_113 = vector.load %arg14[%swap3A_111, %swap3A_112] : memref<64x128xf32, #tpu.memory_space<vmem>>, vector<64x128xf32>
    tpu.vector_store %arg14[%swap3A_111, %swap3A_112], %dot_general3A_110 {strides = array<i32>} : memref<64x128xf32, #tpu.memory_space<vmem>>, vector<64x128xf32>,
    return
  }
}

</mosaic_0001>

<sc_bundles>
// kernel: kernel.11.cloned.1.call-start
scs
__scs_entry_jumppad:
0x0: {  	(pc) =	sbr.rel $0x88, $3  }
0x1: {  	(tag) =	ssettag $0x0;
	lr =	simm.s32 $0x1  }
0x2: {  	[smem:$0x3F83] =	sst lr;
	_ =	strace $0xD0000000  }
0x3: {  	_ = 	snop  }
0x4: {  	_ = 	snop  }
0x5: {  	_ = 	snop  }
0x6: {  	_ = 	snop  }
0x7: {  	_ = 	snop  }
__scs_overlays_trampoline_lowered:
0x8: {  	[smem:$0x3F92] =	sst s0  }
0x9: {  	[smem:$0x3F93] =	sst s1  }
0xa: {  	[smem:$0x3F94] =	sst s2  }
0xb: {  	[smem:$0x3F95] =	sst s3  }
0xc: {  	[smem:$0x3F96] =	sst s4  }
0xd: {  	[smem:$0x3F97] =	sst s5  }
0xe: {  	[smem:$0x3F98] =	sst s6  }
0xf: {  	[smem:$0x3F99] =	sst s7  }
0x10: {  	[smem:$0x3F9A] =	sst s8  }
0x11: {  	[smem:$0x3F9B] =	sst s9;
	s0 =	simm.s32 @!p0 $0x0  }
0x12: {  	s1 =	sld [smem:$0x3F81];
	s0 =	simm.s32 @p0 $0x1  }
0x13: {  	[smem:$0x3F9C] =	sst s0;
	s0 =	simm.s32 @!p1 $0x0  }
0x14: {  	s2 =	sld [smem:$0x3F80];
	s0 =	simm.s32 @p1 $0x1  }
0x15: {  	[smem:$0x3F9D] =	sst s0;
	s0 =	simm.s32 @!p2 $0x0  }
0x16: {  	s3 =	sld [smem:$0x3FDB];
	s0 =	simm.s32 @p2 $0x1  }
0x17: {  	s4 =	simm.s32 $0x1BF5;
	[smem:$0x3F9F] =	sst s0  }
0x18: {  	s0 =	sld [smem:$0x3F82];
	_ =	swait.ge [sflag:s4], $0x0  }
0x19: {  	s7 =	sld [smem:$0x3F83]  }
0x1a: {  	s8 =	sadd.s32 $0xFFFFE003, lr  }
0x1b: {  	s9 =	sadd.s32 $0xFFFFFEF7, lr;
	s5 =	simm.s32 $0xFFFFFFFF;
	p2 =	slt.u32 s8, $0xFFFFF086  }
0x1c: {  	p1 =	slt.u32 s9, $0xF7A;
	s5 =	simm.s32 @!p2 $0x0  }
0x1d: {  	s5 =	simm.s32 @p1 $0x1;
	p0 =	seq.s32 s7, s2  }
0x1e: {  	s7 =	smul.u32 @!p0 $0xF7A, s2;
	p2 =	seq.s32 @!p0 s5, $0x0  }
0x1f: {  	s9 =	smul.u32 $0xF7A, s1;
	s8 =	simm.s32 @!p0 $0x1BF5;
	p2 =	por !p2, p0  }
0x20: {  	[sflag:s8] =	ssyncset.s32 @!p0 $0xFFFFF086;
	s6 =	sadd.s32 @!p0 s3, s7;
	s7 =	simm.s32 @!p0 $0x108  }
0x21: {  	s3 =	sadd.s32 s3, s9;
	s6 =	sadd.s32 @!p0 $0x88, s6;
	s7 =	simm.s32 @p2 $0x1082  }
0x22: {  	[simem:s7], [sflag:s8] =	dma.local @!p0 [hbm:s6], $0xF7A  }
0x23: {  	s9 =	sor.u32 $0xD0000000, s2;
	s6 =	simm.s32 $0x108;
	_ =	swait.ge @!p0 [sflag:s8], $0x0  }
0x24: {  	s3 =	sadd.s32 $0x88, s3;
	s6 =	simm.s32 @!p1 $0x1082;
	[sflag:s4] =	ssyncset.s32 $0xFFFFF086  }
0x25: {  	[simem:s6], [sflag:s4] =	dma.local [hbm:s3], $0xF7A  }
0x26: {  	[smem:$0x3F83] =	sst s1;
	(tag) =	ssettag s2;
	_ =	strace s9  }
0x27: {  	s1 =	sld [smem:$0x3F93]  }
0x28: {  	s2 =	sld [smem:$0x3F94]  }
0x29: {  	s4 =	sld [smem:$0x3F96]  }
0x2a: {  	p0 =	seq.s32 s5, $0x0;
	s5 =	sld [smem:$0x3F97]  }
0x2b: {  	s6 =	sld [smem:$0x3F98]  }
0x2c: {  	s7 =	sld [smem:$0x3F99]  }
0x2d: {  	s3 =	simm.s32 $0x108;
	s8 =	sld [smem:$0x3F9A]  }
0x2e: {  	s3 =	simm.s32 @!p0 $0x1082;
	s9 =	sld [smem:$0x3F9B]  }
0x2f: {  	lr =	sadd.s32 s0, s3;
	s0 =	sld [smem:$0x3F92]  }
0x30: {  	s3 =	sld [smem:$0x3F95]  }
0x31: {  	[smem:$0x3F9E] =	sst s10  }
0x32: {  	s10 =	sld [smem:$0x3F9C];
	_ =	sdelay $0x3  }
0x33: {  	p0 =	seq.s32 s10, $0x1;
	s10 =	sld [smem:$0x3F9E];
	_ =	sdelay $0x3  }
0x34: {  	[smem:$0x3F9E] =	sst s10  }
0x35: {  	s10 =	sld [smem:$0x3F9D];
	_ =	sdelay $0x3  }
0x36: {  	p1 =	seq.s32 s10, $0x1;
	s10 =	sld [smem:$0x3F9E];
	_ =	sdelay $0x3  }
0x37: {  	[smem:$0x3F9E] =	sst s10  }
0x38: {  	s10 =	sld [smem:$0x3F9F]  }
0x39: {  	_ = 	snop;
	(pc) =	sbr.ind lr, $3  }
0x3a: {  	_ = 	snop  }
0x3b: {  	_ = 	snop  }
0x3c: {  	p2 =	seq.s32 s10, $0x1;
	s10 =	sld [smem:$0x3F9E]  }
0x3d: {  	_ =	shalt  }
0x3e: {  	_ =	shalt  }
0x3f: {  	_ =	shalt  }
0x40: {  	_ =	shalt  }
0x41: {  	_ =	shalt  }
0x42: {  	_ =	shalt  }
0x43: {  	_ =	shalt  }
0x44: {  	_ =	shalt  }
0x45: {  	_ =	shalt  }
0x46: {  	_ =	shalt  }
0x47: {  	_ =	shalt  }
0x48: {  	_ =	shalt  }
0x49: {  	_ =	shalt  }
0x4a: {  	_ =	shalt  }
0x4b: {  	_ =	shalt  }
0x4c: {  	_ =	shalt  }
0x4d: {  	_ =	shalt  }
0x4e: {  	_ =	shalt  }
0x4f: {  	_ =	shalt  }
0x50: {  	_ =	shalt  }
0x51: {  	_ =	shalt  }
0x52: {  	_ =	shalt  }
0x53: {  	_ =	shalt  }
0x54: {  	_ =	shalt  }
0x55: {  	_ =	shalt  }
0x56: {  	_ =	shalt  }
0x57: {  	_ =	shalt  }
0x58: {  	_ =	shalt  }
0x59: {  	_ =	shalt  }
0x5a: {  	_ =	shalt  }
0x5b: {  	_ =	shalt  }
0x5c: {  	_ =	shalt  }
0x5d: {  	_ =	shalt  }
0x5e: {  	_ =	shalt  }
0x5f: {  	_ =	shalt  }
0x60: {  	_ =	shalt  }
0x61: {  	_ =	shalt  }
0x62: {  	_ =	shalt  }
0x63: {  	_ =	shalt  }
0x64: {  	_ =	shalt  }
0x65: {  	_ =	shalt  }
0x66: {  	_ =	shalt  }
0x67: {  	_ =	shalt  }
0x68: {  	_ =	shalt  }
0x69: {  	_ =	shalt  }
0x6a: {  	_ =	shalt  }
0x6b: {  	_ =	shalt  }
0x6c: {  	_ =	shalt  }
0x6d: {  	_ =	shalt  }
0x6e: {  	_ =	shalt  }
0x6f: {  	_ =	shalt  }
0x70: {  	_ =	shalt  }
0x71: {  	_ =	shalt  }
0x72: {  	_ =	shalt  }
0x73: {  	_ =	shalt  }
0x74: {  	_ =	shalt  }
0x75: {  	_ =	shalt  }
0x76: {  	_ =	shalt  }
0x77: {  	_ =	shalt  }
0x78: {  	_ =	shalt  }
0x79: {  	_ =	shalt  }
0x7a: {  	_ =	shalt  }
0x7b: {  	_ =	shalt  }
0x7c: {  	_ =	shalt  }
0x7d: {  	_ =	shalt  }
0x7e: {  	_ =	shalt  }
0x7f: {  	_ =	shalt  }
0x80: {  	_ =	shalt  }
0x81: {  	_ =	shalt  }
0x82: {  	_ =	shalt  }
0x83: {  	_ =	shalt  }
0x84: {  	_ =	shalt  }
0x85: {  	_ =	shalt  }
0x86: {  	_ =	shalt  }
0x87: {  	_ =	shalt  }
.Lfunc_end0:
.L_simem_size_0:
called_computation.1_lowered:
.L_overlay_start_0:
0x88: {  	s2 =	sld [smem:$0x3FD9]  }
0x89: {  	s3 =	sld [smem:$0x3FFE];
	_ =	sdelay $0x1  }
0x8a: {  	s1 =	srdreg.scid  }
0x8b: {  	s0 =	sand.u32 $0x1, s1  }
0x8c: {  	s14 =	sshll.u32 s0, $0xA;
	s2 =	sadd.s32 s3, s2  }
0x8d: {  	s2 =	sadd.s32 s2, s14  }
0x8e: {  	[smem:$0x3FAA] =	sst s2  }
0x8f: {  	_ = 	snop  }
0x90: {  	s2 =	sld [smem:$0x3FD0];
	_ =	sdelay $0x2  }
0x91: {  	s15 =	simm.s32 $0xA;
	s4 =	simm.s32 $0x10  }
0x92: {  	[smem:s4], [sflag:s15] =	dma.local [hbm:s2], $0x1  }
0x93: {  	_ =	swait.eq [sflag:s15], $0x1  }
0x94: {  	[sflag:s15] =	ssyncset.done $0x0  }
0x95: {  	[sflag:s15] =	ssyncadd.s32 $0xFFFFFFFF  }
0x96: {  	s16 =	sld [smem:$0x11];
	(tm) =	ssettm $0x1  }
0x97: {  	s17 =	sld [smem:$0x3FFB];
	_ =	sdelay $0x3  }
0x98: {  	_ =	strace s17  }
0x99: {  	s3 =	sld [smem:$0x3FFC];
	_ =	sdelay $0x3  }
0x9a: {  	_ =	strace s3  }
0x9b: {  	s3 =	sld [smem:$0x3FFD];
	_ =	sdelay $0x3  }
0x9c: {  	_ =	strace s3  }
0x9d: {  	_ =	strace $0x8FFFFFFF  }
0x9e: {  	s18 =	sld [smem:$0x3FDB];
	_ =	sdelay $0x1  }
0x9f: {  	s19 =	simm.s32 $_scs_section_size  }
0xa0: {  	s5 =	simm.s32 $_size__tile_overlayer_lowered;
	s6 =	simm.s32 $_tile_overlayer_lowered  }
0xa1: {  	s22 =	simm.s32 $0x1BFF;
	s21 =	sshll.u32 s6, $0x1;
	s3 =	sadd.s32 s19, s18  }
0xa2: {  	s7 =	simm.s32 $0x0;
	s20 =	sshll.u32 s5, $0x1;
	s5 =	sadd.s32 s21, s3  }
0xa3: {  	[timem:s7], [sflag:s22] =	dma.local [hbm:s5], s20  }
0xa4: {  	_ =	swait.ge [sflag:s22], s20  }
0xa5: {  	s4 =	ssub.s32 $0x0, s20;
	[sflag:s22] =	ssyncset.done $0x0  }
0xa6: {  	[sflag:s22] =	ssyncadd.s32 s4;
	_ =	sdelay $0x1  }
0xa7: {  	s23 =	simm.s32 $0x1B8B  }
0xa8: {  	_ =	swait.ge [sflag:s23], $0x1  }
0xa9: {  	[sflag:s23] =	ssyncset.done $0x0  }
0xaa: {  	s25 =	simm.s32 $0x1B8E;
	s24 =	sld [smem:$0x3FFE];
	[sflag:s23] =	ssyncadd.s32 $0xFFFFFFFF  }
0xab: {  	s26 =	simm.s32 $execute0_lowered;
	[smem:$0x3FD2] =	sst s25  }
0xac: {  	s5 =	sshll.u32 s26, $0x1;
	_ =	strace $0x80000049;
	[dreg:$0x1] =	wrdreg $0xFFFFFFFF  }
0xad: {  	s28 =	simm.s32 $_size_execute0_lowered;
	s3 =	sadd.s32 s3, s5;
	[dreg:$0x0] =	wrdreg $0x0  }
0xae: {  	s5 =	sshll.u32 s28, $0x1;
	[dreg:$0x2] =	wrdreg s3  }
0xaf: {  	[dreg:$0x3] =	wrdreg s5  }
0xb0: {  	[dreg:$0x4] =	wrdreg $0xC0  }
0xb1: {  	_ =	task [dreg:s7], $0x5FFFF  }
0xb2: {  	[dreg:$0x1] =	wrdreg $0xFFFFFFFF  }
0xb3: {  	[dreg:$0x0] =	wrdreg $0x60  }
0xb4: {  	[dreg:$0x2] =	wrdreg s24  }
0xb5: {  	[dreg:$0x3] =	wrdreg s16  }
0xb6: {  	[dreg:$0x4] =	wrdreg $0x0  }
0xb7: {  	[dreg:$0x5] =	wrdreg $0x9  }
0xb8: {  	_ =	task.clear_ibuf [dreg:s7], $0x6FFFF;
	_ =	strace $0x90000049  }
0xb9: {  	s29 =	simm.s32 $0x9;
	_ =	strace $0x8000004B  }
0xba: {  	_ =	swait.ge [sflag:s29], $0x1  }
0xbb: {  	[sflag:s29] =	ssyncadd.s32 $0xFFFFFFFF  }
0xbc: {  	_ =	strace $0x9000004B  }
0xbd: {  	_ =	sfence  }
0xbe: {  	s30 =	sld [smem:$0x0];
	_ =	sdelay $0x2  }
0xbf: {  	s31 =	sshll.u32 s1, $0xD;
	s1 =	sshrl.u32 s1, $0x2  }
0xc0: {  	s3 =	sand.u32 $0x4000, s31;
	s1 =	sadd.s32 s1, s30  }
0xc1: {  	s0 =	sor.u32 s3, s0;
	s1 =	sshll.u32 s1, $0x11  }
0xc2: {  	s0 =	sor.u32 s1, s0  }
0xc3: {  	s0 =	sadd.s32 $0x8F2B, s0  }
0xc4: {  	[sflag:s0] =	ssyncadd.remote.s32 $0x1  }
0xc5: {  	_ =	sfence.sel $0xFFFF  }
0xc6: {  	[dreg:$0x0] =	wrdreg $0xFFFFFFFF;
	(pc) =	sbr.abs _section_cstart, $3  }
0xc7: {  	[dreg:$0x1] =	wrdreg $0xFFFFFFFF  }
0xc8: {  	_ =	task.clear_ibuf [dreg:s7], $0x2FFFF;
	_ =	strace $0x9FFFFFFF  }
0xc9: {  	(tm) =	ssettm $0x7FFFFFFF  }
tec
execute0_lowered:
.L_overlay_start_1:
0x0: {  	(tag) =	ssettag $0x1  }
0x1: {  	s0 =	rddreg [dreg:$0x0]  }
0x2: {  	s1 =	rddreg [dreg:$0x1];
	s3 =	srdreg.scid  }
0x3: {  	s12 =	stileid.u32;
	s2 =	rddreg [dreg:$0x2]  }
0x4: {  	s7 =	simm.s32 $0x0;
	s16 =	simm.s32 $0x13880;
	s17 =	simm.s32 $0xA  }
0x5: {  	s19 =	simm.s32 $0x40;
	s20 =	simm.s32 $0x17880;
	s28 =	simm.s32 $0x1  }
0x6: {  	s29 =	simm.s32 $0x2;
	s30 =	simm.s32 $0x3;
	s31 =	simm.s32 $0x4  }
0x7: {  	s14 =	simm.s32 $0x8;
	s15 =	simm.s32 $0x0;
	s3 =	sand.u32 $0x1, s3  }
0x8: {  	s4 =	sshll.u32 s12, $0x1;
	s21 =	sshrl.u32 s12, $0x2;
	s22 =	smul.u32 $0x7D000, s12  }
0x9: {  	[smem:$0x7FF] =	sst s7;
	s11 =	smul.u32 $0x1F400, s12;
	p0 =	sgt.u32 s12, $0x9  }
0xa: {  	s6 =	sor.u32 s3, s4;
	s4 =	smul.u32 $0x14000, s21;
	_ =	strace $0x8000004A  }
0xb: {  	s23 =	ssub.s32 $0x2, s3;
	s3 =	smul.u32 $0x138800, s3;
	s5 =	sshll.u32 s6, $0x7  }
0xc: {  	s9 =	smul.u32 $0x6000, s6;
	s10 =	sshrl.u32 s23, $0x1;
	s7 =	sshrl.u32 s22, $0x2  }
0xd: {  	s22 =	simm.s32 $0x19880;
	s5 =	sand.u32 $0x380, s5;
	s13 =	sadd.s32 s7, s2  }
0xe: {  	s3 =	sadd.s32 s11, s3;
	s5 =	sor.u32 s4, s5;
	s4 =	sadd.s32 $0x28200, s0  }
0xf: {  	s24 =	sshrl.u32 s9, $0x3;
	s9 =	sor.u32 $0xC00, s9;
	s5 =	sshrl.u32 s5, $0x3  }
0x10: {  	s8 =	sadd.s32 s5, s0;
	s5 =	sadd.s32 $0x6200, s0;
	s0 =	sadd.s32 $0x4F400, s0  }
0x11: {  	s3 =	sshrl.u32 s3, $0x3;
	s13 =	sshrl.u32 @!p0 s13, $0x3;
	[dreg:$0x4] =	wrdreg s0  }
.Ltmp0:
0x12: {  	s0 =	ssub.s32 s23, s10;
	s25 =	sadd.s32 $0x1E200, s8;
	(pc) =	sbr.rel .LBB2_1-.Ltmp0, $4  }
0x13: {  	s26 =	sadd.s32 s5, s24;
	s10 =	sadd.s32 s1, s3;
	s24 =	simm.s32 $0x1B880  }
0x14: {  	s1 =	simm.s32 $0x5;
	s3 =	simm.s32 $0x7;
	[dreg:$0x5] =	wrdreg s25  }
0x15: {  	[dreg:$0x6] =	wrdreg s26;
	s11 =	smax.u32 s0, $0x1;
	s0 =	sshll.u32 @!p0 s12, $0x6  }
0x16: {  	s26 =	simm.s32 $0x1D880;
	s12 =	sor.u32 @!p0 $0x1C0A, s0;
	s0 =	simm.s32 $0x6  }
.LBB2_4:
0x17: {  	_ =	swait.ge [sflag:s0], $0x2000  }
0x18: {  	[sflag:s0] =	ssyncset.done $0x0  }
0x19: {  	[sflag:s0] =	ssyncadd.s32 $0xFFFFE000  }
0x1a: {  	_ =	swait.ge [sflag:s3], $0x2000  }
0x1b: {  	[sflag:s3] =	ssyncset.done $0x0  }
0x1c: {  	[sflag:s3] =	ssyncadd.s32 $0xFFFFE000  }
0x1d: {  	_ =	swait.ge [sflag:s14], $0x2000  }
0x1e: {  	s15 =	sadd.s32 $0x1, s15;
	[sflag:s14] =	ssyncset.done $0x0  }
0x1f: {  	p1 =	sne.s32 s15, s11;
	[sflag:s14] =	ssyncadd.s32 $0xFFFFE000  }
.Ltmp1:
0x20: {  	s6 =	simm.s32 @!p0 $0xA;
	[bflag:$0x0] =	sbarrier.arrive $0xFFFF;
	(pc) =	sbr.rel @!p1 .LBB2_5-.Ltmp1, $4  }
0x21: {  	[hbm:s10], [sflag:s12] =	dma.local @!p0 [spmem:s13], $0x3E80  }
0x22: {  	_ =	swait.ge @!p0 [sflag:s6], $0x3E80  }
0x23: {  	[sflag:s6] =	ssyncset.done @!p0 $0x0  }
0x24: {  	[sflag:s6] =	ssyncadd.s32 @!p0 $0xFFFFC180  }
.LBB2_1:
0x25: {  	s6 =	rddreg [dreg:$0x4];
	s18 =	simm.s32 @!p0 $0xA  }
0x26: {  	[spmem:s13], [sflag:s12] =	dma.local @!p0 [hbm:s6], $0x3E80  }
0x27: {  	_ =	swait.ge @!p0 [sflag:s18], $0x3E80  }
0x28: {  	s7 =	simm.s32 $0x80;
	[sflag:s18] =	ssyncset.done @!p0 $0x0  }
0x29: {  	s8 =	simm.s32 $0x400;
	s25 =	rddreg [dreg:$0x5];
	[sflag:s18] =	ssyncadd.s32 @!p0 $0xFFFFC180  }
0x2a: {  	[tilespmem:s16], [sflag:$0xA] =	stream.strided.gather [hbm4b:s25+s7], $0x2800, s8, s7, $0x38;
	[tilespmem:$0x1F880] =	vst v63  }
0x2b: {  	_ =	swait.ge [sflag:s17], $0x2800  }
0x2c: {  	s18 =	simm.s32 $0x16080;
	[sflag:s17] =	ssyncset.done $0x0  }
0x2d: {  	s7 =	simm.s32 $0x0;
	s8 =	rddreg [dreg:$0x6];
	[sflag:s17] =	ssyncadd.s32 $0xFFFFD800  }
0x2e: {  	[tilespmem:s18], [sflag:$0xA] =	stream.linear.gather [hbm4b:s8+s7], $0xA00, $0x38;
	[tilespmem:$0x1F880] =	vst v63  }
0x2f: {  	_ =	swait.ge [sflag:s17], $0xA00  }
0x30: {  	[sflag:s17] =	ssyncset.done $0x0  }
0x31: {  	[sflag:s17] =	ssyncadd.s32 $0xFFFFF600  }
0x32: {  	[bflag:$0x0] =	sbarrier.arrive $0xFFFF  }
0x33: {  	[tilespmem:s20], [sflag:$0x1] =	stream.indirect.gather [hbm4b:s4+s19], $0x80, s16, s19, $0xb8;
	[tilespmem:$0x1F880] =	vst v63  }
0x34: {  	s21 =	simm.s32 $0x138C0  }
0x35: {  	[tilespmem:s22], [sflag:$0x2] =	stream.indirect.gather [hbm4b:s4+s19], $0x80, s21, s19, $0xb8;
	[tilespmem:$0x1F880] =	vst v63  }
0x36: {  	s23 =	simm.s32 $0x13900  }
0x37: {  	[tilespmem:s24], [sflag:$0x3] =	stream.indirect.gather [hbm4b:s4+s19], $0x80, s23, s19, $0xb8;
	[tilespmem:$0x1F880] =	vst v63  }
0x38: {  	s25 =	simm.s32 $0x13940;
	s18 =	simm.s32 $0x13A40;
	s21 =	simm.s32 $0x0  }
0x39: {  	[tilespmem:s26], [sflag:$0x4] =	stream.indirect.gather [hbm4b:s4+s19], $0x80, s25, s19, $0xb8;
	[tilespmem:$0x1F880] =	vst v63  }
.LBB2_2:
0x3a: {  	s23 =	smul.u32 $0xCD, s21;
	_ =	sdelay $0x1  }
0x3b: {  	s23 =	sshrl.u32 s23, $0xA  }
0x3c: {  	s25 =	sand.u32 $0x3F, s23  }
0x3d: {  	s6 =	smul.u32 $0x5, s25;
	_ =	sdelay $0x1  }
0x3e: {  	p1 =	sgt.u32 s21, $0x22;
	s6 =	ssub.s32 s21, s6  }
0x3f: {  	p2 =	slt.u32 s21, $0x5;
	s7 =	sand.u32 @!p1 $0xFF, s6  }
0x40: {  	s8 =	sand.u32 @!p2 $0xFF, s6;
	p3 =	sne.s32 @!p1 s7, $0x0  }
0x41: {  	p1 =	por p3, p1;
	p3 =	sne.s32 @!p2 s8, $0x0  }
0x42: {  	s7 =	sand.u32 $0x1, s23;
	p2 =	por p3, p2  }
0x43: {  	s8 =	smul.u32 @!p1 $0xC00, s25;
	s23 =	sxor.u32 @!p1 $0x1, s7;
	s25 =	simm.s32 @!p2 $0x9  }
0x44: {  	s6 =	sand.u32 $0xFF, s6;
	s23 =	smul.u32 @!p1 $0x3000, s23;
	_ =	swait.ge @!p2 [sflag:s25], $0xA00  }
0x45: {  	s7 =	smul.u32 $0x3000, s7;
	s8 =	sadd.s32 @!p1 s8, s9;
	[sflag:s25] =	ssyncset.done @!p2 $0x0  }
0x46: {  	s23 =	sshrl.u32 @!p1 s23, $0x2;
	s8 =	sshrl.u32 @!p1 s8, $0x3;
	[sflag:s25] =	ssyncadd.s32 @!p2 $0xFFFFF600  }
0x47: {  	s23 =	sor.u32 @!p1 $0x16080, s23;
	s8 =	sadd.s32 @!p1 s5, s8;
	s25 =	simm.s32 @!p1 $0x0  }
0x48: {  	[tilespmem:s23], [sflag:$0x9] =	stream.linear.gather @!p1 [hbm4b:s8+s25], $0xA00, $0x38;
	[tilespmem:$0x1F880] =	vst v63  }
0x49: {  	s6 =	sshll.u32 s6, $0x9;
	s7 =	sshrl.u32 s7, $0x2;
	_ =	swait.ge [sflag:s28], $0x2000  }
0x4a: {  	s6 =	sadd.s32 s6, s7;
	[sflag:s28] =	ssyncset.done $0x0  }
0x4b: {  	s6 =	sadd.s32 $0x16080, s6;
	[sflag:s28] =	ssyncadd.s32 $0xFFFFE000  }
0x4c: {  	[spmem:s2] =	stream.indirect.scatter.add.f32 [tilespmem:s20], [sflag:$0x5], $0x80, s6, s19, $0xb8;
	[tilespmem:$0x1F880] =	vst v63  }
0x4d: {  	_ =	swait.ge [sflag:s29], $0x2000  }
0x4e: {  	[sflag:s29] =	ssyncset.done $0x0  }
0x4f: {  	s23 =	sadd.s32 $0x80, s6;
	[sflag:s29] =	ssyncadd.s32 $0xFFFFE000  }
0x50: {  	[spmem:s2] =	stream.indirect.scatter.add.f32 [tilespmem:s22], [sflag:$0x6], $0x80, s23, s19, $0xb8;
	[tilespmem:$0x1F880] =	vst v63  }
0x51: {  	_ =	swait.ge [sflag:s30], $0x2000  }
0x52: {  	[sflag:s30] =	ssyncset.done $0x0  }
0x53: {  	s25 =	sor.u32 $0x100, s6;
	[sflag:s30] =	ssyncadd.s32 $0xFFFFE000  }
0x54: {  	[spmem:s2] =	stream.indirect.scatter.add.f32 [tilespmem:s24], [sflag:$0x7], $0x80, s25, s19, $0xb8;
	[tilespmem:$0x1F880] =	vst v63  }
0x55: {  	_ =	swait.ge [sflag:s31], $0x2000  }
0x56: {  	p1 =	seq.s32 s21, $0x27;
	[sflag:s31] =	ssyncset.done $0x0  }
.Ltmp2:
0x57: {  	s6 =	sadd.s32 $0x180, s6;
	[sflag:s31] =	ssyncadd.s32 $0xFFFFE000;
	(pc) =	sbr.rel @p1 .LBB2_4-.Ltmp2, $4  }
0x58: {  	[spmem:s2] =	stream.indirect.scatter.add.f32 [tilespmem:s26], [sflag:$0x8], $0x80, s6, s19, $0xb8;
	[tilespmem:$0x1F880] =	vst v63  }
0x59: {  	_ =	swait.ge [sflag:s1], $0x2000  }
0x5a: {  	[sflag:s1] =	ssyncset.done $0x0  }
0x5b: {  	[sflag:s1] =	ssyncadd.s32 $0xFFFFE000  }
0x5c: {  	s6 =	sadd.s32 $0xFFFFFF40, s18  }
0x5d: {  	[tilespmem:s20], [sflag:$0x1] =	stream.indirect.gather [hbm4b:s4+s19], $0x80, s6, s19, $0xb8;
	[tilespmem:$0x1F880] =	vst v63  }
0x5e: {  	_ =	swait.ge [sflag:s0], $0x2000  }
0x5f: {  	[sflag:s0] =	ssyncset.done $0x0  }
0x60: {  	s23 =	sadd.s32 $0xFFFFFF80, s18;
	[sflag:s0] =	ssyncadd.s32 $0xFFFFE000  }
0x61: {  	[tilespmem:s22], [sflag:$0x2] =	stream.indirect.gather [hbm4b:s4+s19], $0x80, s23, s19, $0xb8;
	[tilespmem:$0x1F880] =	vst v63  }
0x62: {  	_ =	swait.ge [sflag:s3], $0x2000  }
0x63: {  	[sflag:s3] =	ssyncset.done $0x0  }
0x64: {  	s25 =	sadd.s32 $0xFFFFFFC0, s18;
	[sflag:s3] =	ssyncadd.s32 $0xFFFFE000  }
0x65: {  	[tilespmem:s24], [sflag:$0x3] =	stream.indirect.gather [hbm4b:s4+s19], $0x80, s25, s19, $0xb8;
	[tilespmem:$0x1F880] =	vst v63  }
.Ltmp3:
0x66: {  	_ =	swait.ge [sflag:s14], $0x2000;
	(pc) =	sbr.rel .LBB2_2-.Ltmp3, $4  }
0x67: {  	[sflag:s14] =	ssyncset.done $0x0  }
0x68: {  	[sflag:s14] =	ssyncadd.s32 $0xFFFFE000  }
0x69: {  	[tilespmem:s26], [sflag:$0x4] =	stream.indirect.gather [hbm4b:s4+s19], $0x80, s18, s19, $0xb8;
	[tilespmem:$0x1F880] =	vst v63  }
0x6a: {  	s21 =	sadd.s32 $0x1, s21;
	s18 =	sadd.s32 $0x100, s18  }
.LBB2_5:
0x6b: {  	_ =	sfence.sel $0x180000  }
0x6c: {  	[bflag:$0x0] =	sbarrier.arrive $0xFFFF  }
0x6d: {  	_ =	strace $0x9000004A  }
0x6e: {  	s0 =	stileid.u32;
	[bflag:$0x2] =	sbarrier.arrive $0xFFFF  }
0x6f: {  	p0 =	sne.s32 s0, $0x0;
	s0 =	rddreg [dreg:$0x3]  }
0x70: {  	s0 =	sadd.s32 @!p0 $0x100000, s0  }
0x71: {  	[sflag:s0] =	ssyncadd.tile.s32 @!p0 $0x1;
	_ =	shalt  }
.Lfunc_end2:
_tile_overlayer_lowered:
.L_overlay_start_2:
0x72: {  	(tag) =	ssettag $0x2  }
0x73: {  	s0 =	rddreg [dreg:$0x0];
	s2 =	stileid.u32  }
0x74: {  	s1 =	rddreg [dreg:$0x1];
	p0 =	sne.s32 s2, $0x0  }
0x75: {  	s3 =	rddreg [dreg:$0x2];
	[bflag:$0x3] =	sbarrier.arrive $0xFFFF;
	s2 =	simm.s32 @!p0 $0x1C0A  }
0x76: {  	[timem:s3], [sflag:s2] =	dma.local @!p0 [hbm:s0], s1  }
0x77: {  	s0 =	simm.s32 @!p0 $0xA  }
0x78: {  	_ =	swait.ge @!p0 [sflag:s0], s1  }
0x79: {  	s1 =	ssub.s32 @!p0 $0x0, s1;
	[sflag:s0] =	ssyncset.done @!p0 $0x0  }
0x7a: {  	[sflag:s0] =	ssyncadd.s32 @!p0 s1  }
0x7b: {  	[bflag:$0x3] =	sbarrier.arrive $0xFFFF  }
0x7c: {  	_ =	shalt  }

// kernel: kernel.14.cloned.1.call-start
scs
__scs_entry_jumppad:
0x0: {  	(pc) =	sbr.rel $0x88, $3  }
0x1: {  	(tag) =	ssettag $0x0;
	lr =	simm.s32 $0x1  }
0x2: {  	[smem:$0x3F83] =	sst lr;
	_ =	strace $0xD0000000  }
0x3: {  	_ = 	snop  }
0x4: {  	_ = 	snop  }
0x5: {  	_ = 	snop  }
0x6: {  	_ = 	snop  }
0x7: {  	_ = 	snop  }
__scs_overlays_trampoline_lowered:
0x8: {  	[smem:$0x3F92] =	sst s0  }
0x9: {  	[smem:$0x3F93] =	sst s1  }
0xa: {  	[smem:$0x3F94] =	sst s2  }
0xb: {  	[smem:$0x3F95] =	sst s3  }
0xc: {  	[smem:$0x3F96] =	sst s4  }
0xd: {  	[smem:$0x3F97] =	sst s5  }
0xe: {  	[smem:$0x3F98] =	sst s6  }
0xf: {  	[smem:$0x3F99] =	sst s7  }
0x10: {  	[smem:$0x3F9A] =	sst s8  }
0x11: {  	[smem:$0x3F9B] =	sst s9;
	s0 =	simm.s32 @!p0 $0x0  }
0x12: {  	s1 =	sld [smem:$0x3F81];
	s0 =	simm.s32 @p0 $0x1  }
0x13: {  	[smem:$0x3F9C] =	sst s0;
	s0 =	simm.s32 @!p1 $0x0  }
0x14: {  	s2 =	sld [smem:$0x3F80];
	s0 =	simm.s32 @p1 $0x1  }
0x15: {  	[smem:$0x3F9D] =	sst s0;
	s0 =	simm.s32 @!p2 $0x0  }
0x16: {  	s3 =	sld [smem:$0x3FDB];
	s0 =	simm.s32 @p2 $0x1  }
0x17: {  	s4 =	simm.s32 $0x1BF5;
	[smem:$0x3F9F] =	sst s0  }
0x18: {  	s0 =	sld [smem:$0x3F82];
	_ =	swait.ge [sflag:s4], $0x0  }
0x19: {  	s7 =	sld [smem:$0x3F83]  }
0x1a: {  	s8 =	sadd.s32 $0xFFFFE003, lr  }
0x1b: {  	s9 =	sadd.s32 $0xFFFFFEF7, lr;
	s5 =	simm.s32 $0xFFFFFFFF;
	p2 =	slt.u32 s8, $0xFFFFF086  }
0x1c: {  	p1 =	slt.u32 s9, $0xF7A;
	s5 =	simm.s32 @!p2 $0x0  }
0x1d: {  	s5 =	simm.s32 @p1 $0x1;
	p0 =	seq.s32 s7, s2  }
0x1e: {  	s7 =	smul.u32 @!p0 $0xF7A, s2;
	p2 =	seq.s32 @!p0 s5, $0x0  }
0x1f: {  	s9 =	smul.u32 $0xF7A, s1;
	s8 =	simm.s32 @!p0 $0x1BF5;
	p2 =	por !p2, p0  }
0x20: {  	[sflag:s8] =	ssyncset.s32 @!p0 $0xFFFFF086;
	s6 =	sadd.s32 @!p0 s3, s7;
	s7 =	simm.s32 @!p0 $0x108  }
0x21: {  	s3 =	sadd.s32 s3, s9;
	s6 =	sadd.s32 @!p0 $0x88, s6;
	s7 =	simm.s32 @p2 $0x1082  }
0x22: {  	[simem:s7], [sflag:s8] =	dma.local @!p0 [hbm:s6], $0xF7A  }
0x23: {  	s9 =	sor.u32 $0xD0000000, s2;
	s6 =	simm.s32 $0x108;
	_ =	swait.ge @!p0 [sflag:s8], $0x0  }
0x24: {  	s3 =	sadd.s32 $0x88, s3;
	s6 =	simm.s32 @!p1 $0x1082;
	[sflag:s4] =	ssyncset.s32 $0xFFFFF086  }
0x25: {  	[simem:s6], [sflag:s4] =	dma.local [hbm:s3], $0xF7A  }
0x26: {  	[smem:$0x3F83] =	sst s1;
	(tag) =	ssettag s2;
	_ =	strace s9  }
0x27: {  	s1 =	sld [smem:$0x3F93]  }
0x28: {  	s2 =	sld [smem:$0x3F94]  }
0x29: {  	s4 =	sld [smem:$0x3F96]  }
0x2a: {  	p0 =	seq.s32 s5, $0x0;
	s5 =	sld [smem:$0x3F97]  }
0x2b: {  	s6 =	sld [smem:$0x3F98]  }
0x2c: {  	s7 =	sld [smem:$0x3F99]  }
0x2d: {  	s3 =	simm.s32 $0x108;
	s8 =	sld [smem:$0x3F9A]  }
0x2e: {  	s3 =	simm.s32 @!p0 $0x1082;
	s9 =	sld [smem:$0x3F9B]  }
0x2f: {  	lr =	sadd.s32 s0, s3;
	s0 =	sld [smem:$0x3F92]  }
0x30: {  	s3 =	sld [smem:$0x3F95]  }
0x31: {  	[smem:$0x3F9E] =	sst s10  }
0x32: {  	s10 =	sld [smem:$0x3F9C];
	_ =	sdelay $0x3  }
0x33: {  	p0 =	seq.s32 s10, $0x1;
	s10 =	sld [smem:$0x3F9E];
	_ =	sdelay $0x3  }
0x34: {  	[smem:$0x3F9E] =	sst s10  }
0x35: {  	s10 =	sld [smem:$0x3F9D];
	_ =	sdelay $0x3  }
0x36: {  	p1 =	seq.s32 s10, $0x1;
	s10 =	sld [smem:$0x3F9E];
	_ =	sdelay $0x3  }
0x37: {  	[smem:$0x3F9E] =	sst s10  }
0x38: {  	s10 =	sld [smem:$0x3F9F]  }
0x39: {  	_ = 	snop;
	(pc) =	sbr.ind lr, $3  }
0x3a: {  	_ = 	snop  }
0x3b: {  	_ = 	snop  }
0x3c: {  	p2 =	seq.s32 s10, $0x1;
	s10 =	sld [smem:$0x3F9E]  }
0x3d: {  	_ =	shalt  }
0x3e: {  	_ =	shalt  }
0x3f: {  	_ =	shalt  }
0x40: {  	_ =	shalt  }
0x41: {  	_ =	shalt  }
0x42: {  	_ =	shalt  }
0x43: {  	_ =	shalt  }
0x44: {  	_ =	shalt  }
0x45: {  	_ =	shalt  }
0x46: {  	_ =	shalt  }
0x47: {  	_ =	shalt  }
0x48: {  	_ =	shalt  }
0x49: {  	_ =	shalt  }
0x4a: {  	_ =	shalt  }
0x4b: {  	_ =	shalt  }
0x4c: {  	_ =	shalt  }
0x4d: {  	_ =	shalt  }
0x4e: {  	_ =	shalt  }
0x4f: {  	_ =	shalt  }
0x50: {  	_ =	shalt  }
0x51: {  	_ =	shalt  }
0x52: {  	_ =	shalt  }
0x53: {  	_ =	shalt  }
0x54: {  	_ =	shalt  }
0x55: {  	_ =	shalt  }
0x56: {  	_ =	shalt  }
0x57: {  	_ =	shalt  }
0x58: {  	_ =	shalt  }
0x59: {  	_ =	shalt  }
0x5a: {  	_ =	shalt  }
0x5b: {  	_ =	shalt  }
0x5c: {  	_ =	shalt  }
0x5d: {  	_ =	shalt  }
0x5e: {  	_ =	shalt  }
0x5f: {  	_ =	shalt  }
0x60: {  	_ =	shalt  }
0x61: {  	_ =	shalt  }
0x62: {  	_ =	shalt  }
0x63: {  	_ =	shalt  }
0x64: {  	_ =	shalt  }
0x65: {  	_ =	shalt  }
0x66: {  	_ =	shalt  }
0x67: {  	_ =	shalt  }
0x68: {  	_ =	shalt  }
0x69: {  	_ =	shalt  }
0x6a: {  	_ =	shalt  }
0x6b: {  	_ =	shalt  }
0x6c: {  	_ =	shalt  }
0x6d: {  	_ =	shalt  }
0x6e: {  	_ =	shalt  }
0x6f: {  	_ =	shalt  }
0x70: {  	_ =	shalt  }
0x71: {  	_ =	shalt  }
0x72: {  	_ =	shalt  }
0x73: {  	_ =	shalt  }
0x74: {  	_ =	shalt  }
0x75: {  	_ =	shalt  }
0x76: {  	_ =	shalt  }
0x77: {  	_ =	shalt  }
0x78: {  	_ =	shalt  }
0x79: {  	_ =	shalt  }
0x7a: {  	_ =	shalt  }
0x7b: {  	_ =	shalt  }
0x7c: {  	_ =	shalt  }
0x7d: {  	_ =	shalt  }
0x7e: {  	_ =	shalt  }
0x7f: {  	_ =	shalt  }
0x80: {  	_ =	shalt  }
0x81: {  	_ =	shalt  }
0x82: {  	_ =	shalt  }
0x83: {  	_ =	shalt  }
0x84: {  	_ =	shalt  }
0x85: {  	_ =	shalt  }
0x86: {  	_ =	shalt  }
0x87: {  	_ =	shalt  }
.Lfunc_end0:
.L_simem_size_0:
called_computation.2_lowered:
.L_overlay_start_0:
0x88: {  	s2 =	sld [smem:$0x3FD9]  }
0x89: {  	s3 =	sld [smem:$0x3FFE];
	_ =	sdelay $0x1  }
0x8a: {  	s1 =	srdreg.scid  }
0x8b: {  	s0 =	sand.u32 $0x1, s1  }
0x8c: {  	s14 =	sshll.u32 s0, $0xA;
	s2 =	sadd.s32 s3, s2  }
0x8d: {  	s2 =	sadd.s32 s2, s14  }
0x8e: {  	[smem:$0x3FAA] =	sst s2  }
0x8f: {  	_ = 	snop  }
0x90: {  	s2 =	sld [smem:$0x3FD0];
	_ =	sdelay $0x2  }
0x91: {  	s15 =	simm.s32 $0xA;
	s4 =	simm.s32 $0x10  }
0x92: {  	[smem:s4], [sflag:s15] =	dma.local [hbm:s2], $0x1  }
0x93: {  	_ =	swait.eq [sflag:s15], $0x1  }
0x94: {  	[sflag:s15] =	ssyncset.done $0x0  }
0x95: {  	[sflag:s15] =	ssyncadd.s32 $0xFFFFFFFF  }
0x96: {  	s16 =	sld [smem:$0x11];
	(tm) =	ssettm $0x1  }
0x97: {  	s17 =	sld [smem:$0x3FFB];
	_ =	sdelay $0x3  }
0x98: {  	_ =	strace s17  }
0x99: {  	s3 =	sld [smem:$0x3FFC];
	_ =	sdelay $0x3  }
0x9a: {  	_ =	strace s3  }
0x9b: {  	s3 =	sld [smem:$0x3FFD];
	_ =	sdelay $0x3  }
0x9c: {  	_ =	strace s3  }
0x9d: {  	_ =	strace $0x8FFFFFFF  }
0x9e: {  	s18 =	sld [smem:$0x3FDB];
	_ =	sdelay $0x1  }
0x9f: {  	s19 =	simm.s32 $_scs_section_size  }
0xa0: {  	s5 =	simm.s32 $_size__tile_overlayer_lowered;
	s6 =	simm.s32 $_tile_overlayer_lowered  }
0xa1: {  	s22 =	simm.s32 $0x1BFF;
	s21 =	sshll.u32 s6, $0x1;
	s3 =	sadd.s32 s19, s18  }
0xa2: {  	s7 =	simm.s32 $0x0;
	s20 =	sshll.u32 s5, $0x1;
	s5 =	sadd.s32 s21, s3  }
0xa3: {  	[timem:s7], [sflag:s22] =	dma.local [hbm:s5], s20  }
0xa4: {  	_ =	swait.ge [sflag:s22], s20  }
0xa5: {  	s4 =	ssub.s32 $0x0, s20;
	[sflag:s22] =	ssyncset.done $0x0  }
0xa6: {  	[sflag:s22] =	ssyncadd.s32 s4;
	_ =	sdelay $0x1  }
0xa7: {  	s23 =	simm.s32 $0x1B8B  }
0xa8: {  	_ =	swait.ge [sflag:s23], $0x1  }
0xa9: {  	[sflag:s23] =	ssyncset.done $0x0  }
0xaa: {  	s25 =	simm.s32 $0x1B8E;
	s24 =	sld [smem:$0x3FFE];
	[sflag:s23] =	ssyncadd.s32 $0xFFFFFFFF  }
0xab: {  	s26 =	simm.s32 $execute0_lowered;
	[smem:$0x3FD2] =	sst s25  }
0xac: {  	s5 =	sshll.u32 s26, $0x1;
	_ =	strace $0x8000004C;
	[dreg:$0x1] =	wrdreg $0xFFFFFFFF  }
0xad: {  	s28 =	simm.s32 $_size_execute0_lowered;
	s3 =	sadd.s32 s3, s5;
	[dreg:$0x0] =	wrdreg $0x0  }
0xae: {  	s5 =	sshll.u32 s28, $0x1;
	[dreg:$0x2] =	wrdreg s3  }
0xaf: {  	[dreg:$0x3] =	wrdreg s5  }
0xb0: {  	[dreg:$0x4] =	wrdreg $0xC0  }
0xb1: {  	_ =	task [dreg:s7], $0x5FFFF  }
0xb2: {  	[dreg:$0x1] =	wrdreg $0xFFFFFFFF  }
0xb3: {  	[dreg:$0x0] =	wrdreg $0x60  }
0xb4: {  	[dreg:$0x2] =	wrdreg s24  }
0xb5: {  	[dreg:$0x3] =	wrdreg s16  }
0xb6: {  	[dreg:$0x4] =	wrdreg $0x0  }
0xb7: {  	[dreg:$0x5] =	wrdreg $0x9  }
0xb8: {  	_ =	task.clear_ibuf [dreg:s7], $0x6FFFF;
	_ =	strace $0x9000004C  }
0xb9: {  	s29 =	simm.s32 $0x9;
	_ =	strace $0x8000004E  }
0xba: {  	_ =	swait.ge [sflag:s29], $0x1  }
0xbb: {  	[sflag:s29] =	ssyncadd.s32 $0xFFFFFFFF  }
0xbc: {  	_ =	strace $0x9000004E  }
0xbd: {  	_ =	sfence  }
0xbe: {  	s30 =	sld [smem:$0x0];
	_ =	sdelay $0x2  }
0xbf: {  	s31 =	sshll.u32 s1, $0xD;
	s1 =	sshrl.u32 s1, $0x2  }
0xc0: {  	s3 =	sand.u32 $0x4000, s31;
	s1 =	sadd.s32 s1, s30  }
0xc1: {  	s0 =	sor.u32 s3, s0;
	s1 =	sshll.u32 s1, $0x11  }
0xc2: {  	s0 =	sor.u32 s1, s0  }
0xc3: {  	s0 =	sadd.s32 $0x8F2B, s0  }
0xc4: {  	[sflag:s0] =	ssyncadd.remote.s32 $0x1  }
0xc5: {  	_ =	sfence.sel $0xFFFF  }
0xc6: {  	[dreg:$0x0] =	wrdreg $0xFFFFFFFF;
	(pc) =	sbr.abs _section_cstart, $3  }
0xc7: {  	[dreg:$0x1] =	wrdreg $0xFFFFFFFF  }
0xc8: {  	_ =	task.clear_ibuf [dreg:s7], $0x2FFFF;
	_ =	strace $0x9FFFFFFF  }
0xc9: {  	(tm) =	ssettm $0x7FFFFFFF  }
tec
execute0_lowered:
.L_overlay_start_1:
0x0: {  	(tag) =	ssettag $0x1  }
0x1: {  	s0 =	rddreg [dreg:$0x0]  }
0x2: {  	s1 =	rddreg [dreg:$0x1];
	s3 =	srdreg.scid  }
0x3: {  	s12 =	stileid.u32;
	s2 =	rddreg [dreg:$0x2]  }
0x4: {  	s7 =	simm.s32 $0x0;
	s16 =	simm.s32 $0x13880;
	s17 =	simm.s32 $0xA  }
0x5: {  	s19 =	simm.s32 $0x40;
	s20 =	simm.s32 $0x17880;
	s28 =	simm.s32 $0x1  }
0x6: {  	s29 =	simm.s32 $0x2;
	s30 =	simm.s32 $0x3;
	s31 =	simm.s32 $0x4  }
0x7: {  	s14 =	simm.s32 $0x8;
	s15 =	simm.s32 $0x0;
	s3 =	sand.u32 $0x1, s3  }
0x8: {  	s4 =	sshll.u32 s12, $0x1;
	s21 =	sshrl.u32 s12, $0x2;
	s22 =	smul.u32 $0x7D000, s12  }
0x9: {  	[smem:$0x7FF] =	sst s7;
	s11 =	smul.u32 $0x1F400, s12;
	p0 =	sgt.u32 s12, $0x9  }
0xa: {  	s6 =	sor.u32 s3, s4;
	s4 =	smul.u32 $0x14000, s21;
	_ =	strace $0x8000004D  }
0xb: {  	s23 =	ssub.s32 $0x2, s3;
	s3 =	smul.u32 $0x138800, s3;
	s5 =	sshll.u32 s6, $0x7  }
0xc: {  	s9 =	smul.u32 $0x6000, s6;
	s10 =	sshrl.u32 s23, $0x1;
	s7 =	sshrl.u32 s22, $0x2  }
0xd: {  	s22 =	simm.s32 $0x19880;
	s5 =	sand.u32 $0x380, s5;
	s13 =	sadd.s32 s7, s2  }
0xe: {  	s3 =	sadd.s32 s11, s3;
	s5 =	sor.u32 s4, s5;
	s4 =	sadd.s32 $0x28200, s0  }
0xf: {  	s24 =	sshrl.u32 s9, $0x3;
	s9 =	sor.u32 $0xC00, s9;
	s5 =	sshrl.u32 s5, $0x3  }
0x10: {  	s8 =	sadd.s32 s5, s0;
	s5 =	sadd.s32 $0x6200, s0;
	s0 =	sadd.s32 $0x4F400, s0  }
0x11: {  	s3 =	sshrl.u32 s3, $0x3;
	s13 =	sshrl.u32 @!p0 s13, $0x3;
	[dreg:$0x4] =	wrdreg s0  }
.Ltmp0:
0x12: {  	s0 =	ssub.s32 s23, s10;
	s25 =	sadd.s32 $0x1E200, s8;
	(pc) =	sbr.rel .LBB2_1-.Ltmp0, $4  }
0x13: {  	s26 =	sadd.s32 s5, s24;
	s10 =	sadd.s32 s1, s3;
	s24 =	simm.s32 $0x1B880  }
0x14: {  	s1 =	simm.s32 $0x5;
	s3 =	simm.s32 $0x7;
	[dreg:$0x5] =	wrdreg s25  }
0x15: {  	[dreg:$0x6] =	wrdreg s26;
	s11 =	smax.u32 s0, $0x1;
	s0 =	sshll.u32 @!p0 s12, $0x6  }
0x16: {  	s26 =	simm.s32 $0x1D880;
	s12 =	sor.u32 @!p0 $0x1C0A, s0;
	s0 =	simm.s32 $0x6  }
.LBB2_4:
0x17: {  	_ =	swait.ge [sflag:s0], $0x2000  }
0x18: {  	[sflag:s0] =	ssyncset.done $0x0  }
0x19: {  	[sflag:s0] =	ssyncadd.s32 $0xFFFFE000  }
0x1a: {  	_ =	swait.ge [sflag:s3], $0x2000  }
0x1b: {  	[sflag:s3] =	ssyncset.done $0x0  }
0x1c: {  	[sflag:s3] =	ssyncadd.s32 $0xFFFFE000  }
0x1d: {  	_ =	swait.ge [sflag:s14], $0x2000  }
0x1e: {  	s15 =	sadd.s32 $0x1, s15;
	[sflag:s14] =	ssyncset.done $0x0  }
0x1f: {  	p1 =	sne.s32 s15, s11;
	[sflag:s14] =	ssyncadd.s32 $0xFFFFE000  }
.Ltmp1:
0x20: {  	s6 =	simm.s32 @!p0 $0xA;
	[bflag:$0x0] =	sbarrier.arrive $0xFFFF;
	(pc) =	sbr.rel @!p1 .LBB2_5-.Ltmp1, $4  }
0x21: {  	[hbm:s10], [sflag:s12] =	dma.local @!p0 [spmem:s13], $0x3E80  }
0x22: {  	_ =	swait.ge @!p0 [sflag:s6], $0x3E80  }
0x23: {  	[sflag:s6] =	ssyncset.done @!p0 $0x0  }
0x24: {  	[sflag:s6] =	ssyncadd.s32 @!p0 $0xFFFFC180  }
.LBB2_1:
0x25: {  	s6 =	rddreg [dreg:$0x4];
	s18 =	simm.s32 @!p0 $0xA  }
0x26: {  	[spmem:s13], [sflag:s12] =	dma.local @!p0 [hbm:s6], $0x3E80  }
0x27: {  	_ =	swait.ge @!p0 [sflag:s18], $0x3E80  }
0x28: {  	s7 =	simm.s32 $0x80;
	[sflag:s18] =	ssyncset.done @!p0 $0x0  }
0x29: {  	s8 =	simm.s32 $0x400;
	s25 =	rddreg [dreg:$0x5];
	[sflag:s18] =	ssyncadd.s32 @!p0 $0xFFFFC180  }
0x2a: {  	[tilespmem:s16], [sflag:$0xA] =	stream.strided.gather [hbm4b:s25+s7], $0x2800, s8, s7, $0x38;
	[tilespmem:$0x1F880] =	vst v63  }
0x2b: {  	_ =	swait.ge [sflag:s17], $0x2800  }
0x2c: {  	s18 =	simm.s32 $0x16080;
	[sflag:s17] =	ssyncset.done $0x0  }
0x2d: {  	s7 =	simm.s32 $0x0;
	s8 =	rddreg [dreg:$0x6];
	[sflag:s17] =	ssyncadd.s32 $0xFFFFD800  }
0x2e: {  	[tilespmem:s18], [sflag:$0xA] =	stream.linear.gather [hbm4b:s8+s7], $0xA00, $0x38;
	[tilespmem:$0x1F880] =	vst v63  }
0x2f: {  	_ =	swait.ge [sflag:s17], $0xA00  }
0x30: {  	[sflag:s17] =	ssyncset.done $0x0  }
0x31: {  	[sflag:s17] =	ssyncadd.s32 $0xFFFFF600  }
0x32: {  	[bflag:$0x0] =	sbarrier.arrive $0xFFFF  }
0x33: {  	[tilespmem:s20], [sflag:$0x1] =	stream.indirect.gather [hbm4b:s4+s19], $0x80, s16, s19, $0xb8;
	[tilespmem:$0x1F880] =	vst v63  }
0x34: {  	s21 =	simm.s32 $0x138C0  }
0x35: {  	[tilespmem:s22], [sflag:$0x2] =	stream.indirect.gather [hbm4b:s4+s19], $0x80, s21, s19, $0xb8;
	[tilespmem:$0x1F880] =	vst v63  }
0x36: {  	s23 =	simm.s32 $0x13900  }
0x37: {  	[tilespmem:s24], [sflag:$0x3] =	stream.indirect.gather [hbm4b:s4+s19], $0x80, s23, s19, $0xb8;
	[tilespmem:$0x1F880] =	vst v63  }
0x38: {  	s25 =	simm.s32 $0x13940;
	s18 =	simm.s32 $0x13A40;
	s21 =	simm.s32 $0x0  }
0x39: {  	[tilespmem:s26], [sflag:$0x4] =	stream.indirect.gather [hbm4b:s4+s19], $0x80, s25, s19, $0xb8;
	[tilespmem:$0x1F880] =	vst v63  }
.LBB2_2:
0x3a: {  	s23 =	smul.u32 $0xCD, s21;
	_ =	sdelay $0x1  }
0x3b: {  	s23 =	sshrl.u32 s23, $0xA  }
0x3c: {  	s25 =	sand.u32 $0x3F, s23  }
0x3d: {  	s6 =	smul.u32 $0x5, s25;
	_ =	sdelay $0x1  }
0x3e: {  	p1 =	sgt.u32 s21, $0x22;
	s6 =	ssub.s32 s21, s6  }
0x3f: {  	p2 =	slt.u32 s21, $0x5;
	s7 =	sand.u32 @!p1 $0xFF, s6  }
0x40: {  	s8 =	sand.u32 @!p2 $0xFF, s6;
	p3 =	sne.s32 @!p1 s7, $0x0  }
0x41: {  	p1 =	por p3, p1;
	p3 =	sne.s32 @!p2 s8, $0x0  }
0x42: {  	s7 =	sand.u32 $0x1, s23;
	p2 =	por p3, p2  }
0x43: {  	s8 =	smul.u32 @!p1 $0xC00, s25;
	s23 =	sxor.u32 @!p1 $0x1, s7;
	s25 =	simm.s32 @!p2 $0x9  }
0x44: {  	s6 =	sand.u32 $0xFF, s6;
	s23 =	smul.u32 @!p1 $0x3000, s23;
	_ =	swait.ge @!p2 [sflag:s25], $0xA00  }
0x45: {  	s7 =	smul.u32 $0x3000, s7;
	s8 =	sadd.s32 @!p1 s8, s9;
	[sflag:s25] =	ssyncset.done @!p2 $0x0  }
0x46: {  	s23 =	sshrl.u32 @!p1 s23, $0x2;
	s8 =	sshrl.u32 @!p1 s8, $0x3;
	[sflag:s25] =	ssyncadd.s32 @!p2 $0xFFFFF600  }
0x47: {  	s23 =	sor.u32 @!p1 $0x16080, s23;
	s8 =	sadd.s32 @!p1 s5, s8;
	s25 =	simm.s32 @!p1 $0x0  }
0x48: {  	[tilespmem:s23], [sflag:$0x9] =	stream.linear.gather @!p1 [hbm4b:s8+s25], $0xA00, $0x38;
	[tilespmem:$0x1F880] =	vst v63  }
0x49: {  	s6 =	sshll.u32 s6, $0x9;
	s7 =	sshrl.u32 s7, $0x2;
	_ =	swait.ge [sflag:s28], $0x2000  }
0x4a: {  	s6 =	sadd.s32 s6, s7;
	[sflag:s28] =	ssyncset.done $0x0  }
0x4b: {  	s6 =	sadd.s32 $0x16080, s6;
	[sflag:s28] =	ssyncadd.s32 $0xFFFFE000  }
0x4c: {  	[spmem:s2] =	stream.indirect.scatter.add.f32 [tilespmem:s20], [sflag:$0x5], $0x80, s6, s19, $0xb8;
	[tilespmem:$0x1F880] =	vst v63  }
0x4d: {  	_ =	swait.ge [sflag:s29], $0x2000  }
0x4e: {  	[sflag:s29] =	ssyncset.done $0x0  }
0x4f: {  	s23 =	sadd.s32 $0x80, s6;
	[sflag:s29] =	ssyncadd.s32 $0xFFFFE000  }
0x50: {  	[spmem:s2] =	stream.indirect.scatter.add.f32 [tilespmem:s22], [sflag:$0x6], $0x80, s23, s19, $0xb8;
	[tilespmem:$0x1F880] =	vst v63  }
0x51: {  	_ =	swait.ge [sflag:s30], $0x2000  }
0x52: {  	[sflag:s30] =	ssyncset.done $0x0  }
0x53: {  	s25 =	sor.u32 $0x100, s6;
	[sflag:s30] =	ssyncadd.s32 $0xFFFFE000  }
0x54: {  	[spmem:s2] =	stream.indirect.scatter.add.f32 [tilespmem:s24], [sflag:$0x7], $0x80, s25, s19, $0xb8;
	[tilespmem:$0x1F880] =	vst v63  }
0x55: {  	_ =	swait.ge [sflag:s31], $0x2000  }
0x56: {  	p1 =	seq.s32 s21, $0x27;
	[sflag:s31] =	ssyncset.done $0x0  }
.Ltmp2:
0x57: {  	s6 =	sadd.s32 $0x180, s6;
	[sflag:s31] =	ssyncadd.s32 $0xFFFFE000;
	(pc) =	sbr.rel @p1 .LBB2_4-.Ltmp2, $4  }
0x58: {  	[spmem:s2] =	stream.indirect.scatter.add.f32 [tilespmem:s26], [sflag:$0x8], $0x80, s6, s19, $0xb8;
	[tilespmem:$0x1F880] =	vst v63  }
0x59: {  	_ =	swait.ge [sflag:s1], $0x2000  }
0x5a: {  	[sflag:s1] =	ssyncset.done $0x0  }
0x5b: {  	[sflag:s1] =	ssyncadd.s32 $0xFFFFE000  }
0x5c: {  	s6 =	sadd.s32 $0xFFFFFF40, s18  }
0x5d: {  	[tilespmem:s20], [sflag:$0x1] =	stream.indirect.gather [hbm4b:s4+s19], $0x80, s6, s19, $0xb8;
	[tilespmem:$0x1F880] =	vst v63  }
0x5e: {  	_ =	swait.ge [sflag:s0], $0x2000  }
0x5f: {  	[sflag:s0] =	ssyncset.done $0x0  }
0x60: {  	s23 =	sadd.s32 $0xFFFFFF80, s18;
	[sflag:s0] =	ssyncadd.s32 $0xFFFFE000  }
0x61: {  	[tilespmem:s22], [sflag:$0x2] =	stream.indirect.gather [hbm4b:s4+s19], $0x80, s23, s19, $0xb8;
	[tilespmem:$0x1F880] =	vst v63  }
0x62: {  	_ =	swait.ge [sflag:s3], $0x2000  }
0x63: {  	[sflag:s3] =	ssyncset.done $0x0  }
0x64: {  	s25 =	sadd.s32 $0xFFFFFFC0, s18;
	[sflag:s3] =	ssyncadd.s32 $0xFFFFE000  }
0x65: {  	[tilespmem:s24], [sflag:$0x3] =	stream.indirect.gather [hbm4b:s4+s19], $0x80, s25, s19, $0xb8;
	[tilespmem:$0x1F880] =	vst v63  }
.Ltmp3:
0x66: {  	_ =	swait.ge [sflag:s14], $0x2000;
	(pc) =	sbr.rel .LBB2_2-.Ltmp3, $4  }
0x67: {  	[sflag:s14] =	ssyncset.done $0x0  }
0x68: {  	[sflag:s14] =	ssyncadd.s32 $0xFFFFE000  }
0x69: {  	[tilespmem:s26], [sflag:$0x4] =	stream.indirect.gather [hbm4b:s4+s19], $0x80, s18, s19, $0xb8;
	[tilespmem:$0x1F880] =	vst v63  }
0x6a: {  	s21 =	sadd.s32 $0x1, s21;
	s18 =	sadd.s32 $0x100, s18  }
.LBB2_5:
0x6b: {  	_ =	sfence.sel $0x180000  }
0x6c: {  	[bflag:$0x0] =	sbarrier.arrive $0xFFFF  }
0x6d: {  	_ =	strace $0x9000004D  }
0x6e: {  	s0 =	stileid.u32;
	[bflag:$0x2] =	sbarrier.arrive $0xFFFF  }
0x6f: {  	p0 =	sne.s32 s0, $0x0;
	s0 =	rddreg [dreg:$0x3]  }
0x70: {  	s0 =	sadd.s32 @!p0 $0x100000, s0  }
0x71: {  	[sflag:s0] =	ssyncadd.tile.s32 @!p0 $0x1;
	_ =	shalt  }
.Lfunc_end2:
_tile_overlayer_lowered:
.L_overlay_start_2:
0x72: {  	(tag) =	ssettag $0x2  }
0x73: {  	s0 =	rddreg [dreg:$0x0];
	s2 =	stileid.u32  }
0x74: {  	s1 =	rddreg [dreg:$0x1];
	p0 =	sne.s32 s2, $0x0  }
0x75: {  	s3 =	rddreg [dreg:$0x2];
	[bflag:$0x3] =	sbarrier.arrive $0xFFFF;
	s2 =	simm.s32 @!p0 $0x1C0A  }
0x76: {  	[timem:s3], [sflag:s2] =	dma.local @!p0 [hbm:s0], s1  }
0x77: {  	s0 =	simm.s32 @!p0 $0xA  }
0x78: {  	_ =	swait.ge @!p0 [sflag:s0], s1  }
0x79: {  	s1 =	ssub.s32 @!p0 $0x0, s1;
	[sflag:s0] =	ssyncset.done @!p0 $0x0  }
0x7a: {  	[sflag:s0] =	ssyncadd.s32 @!p0 s1  }
0x7b: {  	[bflag:$0x3] =	sbarrier.arrive $0xFFFF  }
0x7c: {  	_ =	shalt  }

// kernel: kernel.8.cloned.1.call-start
scs
__scs_entry_jumppad:
0x0: {  	(pc) =	sbr.rel $0x88, $3  }
0x1: {  	(tag) =	ssettag $0x0;
	lr =	simm.s32 $0x1  }
0x2: {  	[smem:$0x3F83] =	sst lr;
	_ =	strace $0xD0000000  }
0x3: {  	_ = 	snop  }
0x4: {  	_ = 	snop  }
0x5: {  	_ = 	snop  }
0x6: {  	_ = 	snop  }
0x7: {  	_ = 	snop  }
__scs_overlays_trampoline_lowered:
0x8: {  	[smem:$0x3F92] =	sst s0  }
0x9: {  	[smem:$0x3F93] =	sst s1  }
0xa: {  	[smem:$0x3F94] =	sst s2  }
0xb: {  	[smem:$0x3F95] =	sst s3  }
0xc: {  	[smem:$0x3F96] =	sst s4  }
0xd: {  	[smem:$0x3F97] =	sst s5  }
0xe: {  	[smem:$0x3F98] =	sst s6  }
0xf: {  	[smem:$0x3F99] =	sst s7  }
0x10: {  	[smem:$0x3F9A] =	sst s8  }
0x11: {  	[smem:$0x3F9B] =	sst s9;
	s0 =	simm.s32 @!p0 $0x0  }
0x12: {  	s1 =	sld [smem:$0x3F81];
	s0 =	simm.s32 @p0 $0x1  }
0x13: {  	[smem:$0x3F9C] =	sst s0;
	s0 =	simm.s32 @!p1 $0x0  }
0x14: {  	s2 =	sld [smem:$0x3F80];
	s0 =	simm.s32 @p1 $0x1  }
0x15: {  	[smem:$0x3F9D] =	sst s0;
	s0 =	simm.s32 @!p2 $0x0  }
0x16: {  	s3 =	sld [smem:$0x3FDB];
	s0 =	simm.s32 @p2 $0x1  }
0x17: {  	s4 =	simm.s32 $0x1BF5;
	[smem:$0x3F9F] =	sst s0  }
0x18: {  	s0 =	sld [smem:$0x3F82];
	_ =	swait.ge [sflag:s4], $0x0  }
0x19: {  	s7 =	sld [smem:$0x3F83]  }
0x1a: {  	s8 =	sadd.s32 $0xFFFFE003, lr  }
0x1b: {  	s9 =	sadd.s32 $0xFFFFFEF7, lr;
	s5 =	simm.s32 $0xFFFFFFFF;
	p2 =	slt.u32 s8, $0xFFFFF086  }
0x1c: {  	p1 =	slt.u32 s9, $0xF7A;
	s5 =	simm.s32 @!p2 $0x0  }
0x1d: {  	s5 =	simm.s32 @p1 $0x1;
	p0 =	seq.s32 s7, s2  }
0x1e: {  	s7 =	smul.u32 @!p0 $0xF7A, s2;
	p2 =	seq.s32 @!p0 s5, $0x0  }
0x1f: {  	s9 =	smul.u32 $0xF7A, s1;
	s8 =	simm.s32 @!p0 $0x1BF5;
	p2 =	por !p2, p0  }
0x20: {  	[sflag:s8] =	ssyncset.s32 @!p0 $0xFFFFF086;
	s6 =	sadd.s32 @!p0 s3, s7;
	s7 =	simm.s32 @!p0 $0x108  }
0x21: {  	s3 =	sadd.s32 s3, s9;
	s6 =	sadd.s32 @!p0 $0x88, s6;
	s7 =	simm.s32 @p2 $0x1082  }
0x22: {  	[simem:s7], [sflag:s8] =	dma.local @!p0 [hbm:s6], $0xF7A  }
0x23: {  	s9 =	sor.u32 $0xD0000000, s2;
	s6 =	simm.s32 $0x108;
	_ =	swait.ge @!p0 [sflag:s8], $0x0  }
0x24: {  	s3 =	sadd.s32 $0x88, s3;
	s6 =	simm.s32 @!p1 $0x1082;
	[sflag:s4] =	ssyncset.s32 $0xFFFFF086  }
0x25: {  	[simem:s6], [sflag:s4] =	dma.local [hbm:s3], $0xF7A  }
0x26: {  	[smem:$0x3F83] =	sst s1;
	(tag) =	ssettag s2;
	_ =	strace s9  }
0x27: {  	s1 =	sld [smem:$0x3F93]  }
0x28: {  	s2 =	sld [smem:$0x3F94]  }
0x29: {  	s4 =	sld [smem:$0x3F96]  }
0x2a: {  	p0 =	seq.s32 s5, $0x0;
	s5 =	sld [smem:$0x3F97]  }
0x2b: {  	s6 =	sld [smem:$0x3F98]  }
0x2c: {  	s7 =	sld [smem:$0x3F99]  }
0x2d: {  	s3 =	simm.s32 $0x108;
	s8 =	sld [smem:$0x3F9A]  }
0x2e: {  	s3 =	simm.s32 @!p0 $0x1082;
	s9 =	sld [smem:$0x3F9B]  }
0x2f: {  	lr =	sadd.s32 s0, s3;
	s0 =	sld [smem:$0x3F92]  }
0x30: {  	s3 =	sld [smem:$0x3F95]  }
0x31: {  	[smem:$0x3F9E] =	sst s10  }
0x32: {  	s10 =	sld [smem:$0x3F9C];
	_ =	sdelay $0x3  }
0x33: {  	p0 =	seq.s32 s10, $0x1;
	s10 =	sld [smem:$0x3F9E];
	_ =	sdelay $0x3  }
0x34: {  	[smem:$0x3F9E] =	sst s10  }
0x35: {  	s10 =	sld [smem:$0x3F9D];
	_ =	sdelay $0x3  }
0x36: {  	p1 =	seq.s32 s10, $0x1;
	s10 =	sld [smem:$0x3F9E];
	_ =	sdelay $0x3  }
0x37: {  	[smem:$0x3F9E] =	sst s10  }
0x38: {  	s10 =	sld [smem:$0x3F9F]  }
0x39: {  	_ = 	snop;
	(pc) =	sbr.ind lr, $3  }
0x3a: {  	_ = 	snop  }
0x3b: {  	_ = 	snop  }
0x3c: {  	p2 =	seq.s32 s10, $0x1;
	s10 =	sld [smem:$0x3F9E]  }
0x3d: {  	_ =	shalt  }
0x3e: {  	_ =	shalt  }
0x3f: {  	_ =	shalt  }
0x40: {  	_ =	shalt  }
0x41: {  	_ =	shalt  }
0x42: {  	_ =	shalt  }
0x43: {  	_ =	shalt  }
0x44: {  	_ =	shalt  }
0x45: {  	_ =	shalt  }
0x46: {  	_ =	shalt  }
0x47: {  	_ =	shalt  }
0x48: {  	_ =	shalt  }
0x49: {  	_ =	shalt  }
0x4a: {  	_ =	shalt  }
0x4b: {  	_ =	shalt  }
0x4c: {  	_ =	shalt  }
0x4d: {  	_ =	shalt  }
0x4e: {  	_ =	shalt  }
0x4f: {  	_ =	shalt  }
0x50: {  	_ =	shalt  }
0x51: {  	_ =	shalt  }
0x52: {  	_ =	shalt  }
0x53: {  	_ =	shalt  }
0x54: {  	_ =	shalt  }
0x55: {  	_ =	shalt  }
0x56: {  	_ =	shalt  }
0x57: {  	_ =	shalt  }
0x58: {  	_ =	shalt  }
0x59: {  	_ =	shalt  }
0x5a: {  	_ =	shalt  }
0x5b: {  	_ =	shalt  }
0x5c: {  	_ =	shalt  }
0x5d: {  	_ =	shalt  }
0x5e: {  	_ =	shalt  }
0x5f: {  	_ =	shalt  }
0x60: {  	_ =	shalt  }
0x61: {  	_ =	shalt  }
0x62: {  	_ =	shalt  }
0x63: {  	_ =	shalt  }
0x64: {  	_ =	shalt  }
0x65: {  	_ =	shalt  }
0x66: {  	_ =	shalt  }
0x67: {  	_ =	shalt  }
0x68: {  	_ =	shalt  }
0x69: {  	_ =	shalt  }
0x6a: {  	_ =	shalt  }
0x6b: {  	_ =	shalt  }
0x6c: {  	_ =	shalt  }
0x6d: {  	_ =	shalt  }
0x6e: {  	_ =	shalt  }
0x6f: {  	_ =	shalt  }
0x70: {  	_ =	shalt  }
0x71: {  	_ =	shalt  }
0x72: {  	_ =	shalt  }
0x73: {  	_ =	shalt  }
0x74: {  	_ =	shalt  }
0x75: {  	_ =	shalt  }
0x76: {  	_ =	shalt  }
0x77: {  	_ =	shalt  }
0x78: {  	_ =	shalt  }
0x79: {  	_ =	shalt  }
0x7a: {  	_ =	shalt  }
0x7b: {  	_ =	shalt  }
0x7c: {  	_ =	shalt  }
0x7d: {  	_ =	shalt  }
0x7e: {  	_ =	shalt  }
0x7f: {  	_ =	shalt  }
0x80: {  	_ =	shalt  }
0x81: {  	_ =	shalt  }
0x82: {  	_ =	shalt  }
0x83: {  	_ =	shalt  }
0x84: {  	_ =	shalt  }
0x85: {  	_ =	shalt  }
0x86: {  	_ =	shalt  }
0x87: {  	_ =	shalt  }
.Lfunc_end0:
.L_simem_size_0:
called_computation_lowered:
.L_overlay_start_0:
0x88: {  	s2 =	sld [smem:$0x3FD9]  }
0x89: {  	s3 =	sld [smem:$0x3FFE];
	_ =	sdelay $0x1  }
0x8a: {  	s1 =	srdreg.scid  }
0x8b: {  	s0 =	sand.u32 $0x1, s1  }
0x8c: {  	s14 =	sshll.u32 s0, $0xA;
	s2 =	sadd.s32 s3, s2  }
0x8d: {  	s2 =	sadd.s32 s2, s14  }
0x8e: {  	[smem:$0x3FAA] =	sst s2  }
0x8f: {  	_ = 	snop  }
0x90: {  	s2 =	sld [smem:$0x3FD0];
	_ =	sdelay $0x2  }
0x91: {  	s15 =	simm.s32 $0xA;
	s4 =	simm.s32 $0x10  }
0x92: {  	[smem:s4], [sflag:s15] =	dma.local [hbm:s2], $0x1  }
0x93: {  	_ =	swait.eq [sflag:s15], $0x1  }
0x94: {  	[sflag:s15] =	ssyncset.done $0x0  }
0x95: {  	[sflag:s15] =	ssyncadd.s32 $0xFFFFFFFF  }
0x96: {  	s16 =	sld [smem:$0x11];
	(tm) =	ssettm $0x1  }
0x97: {  	s17 =	sld [smem:$0x3FFB];
	_ =	sdelay $0x3  }
0x98: {  	_ =	strace s17  }
0x99: {  	s3 =	sld [smem:$0x3FFC];
	_ =	sdelay $0x3  }
0x9a: {  	_ =	strace s3  }
0x9b: {  	s3 =	sld [smem:$0x3FFD];
	_ =	sdelay $0x3  }
0x9c: {  	_ =	strace s3  }
0x9d: {  	_ =	strace $0x8FFFFFFF  }
0x9e: {  	s18 =	sld [smem:$0x3FDB];
	_ =	sdelay $0x1  }
0x9f: {  	s19 =	simm.s32 $_scs_section_size  }
0xa0: {  	s5 =	simm.s32 $_size__tile_overlayer_lowered;
	s6 =	simm.s32 $_tile_overlayer_lowered  }
0xa1: {  	s22 =	simm.s32 $0x1BFF;
	s21 =	sshll.u32 s6, $0x1;
	s3 =	sadd.s32 s19, s18  }
0xa2: {  	s7 =	simm.s32 $0x0;
	s20 =	sshll.u32 s5, $0x1;
	s5 =	sadd.s32 s21, s3  }
0xa3: {  	[timem:s7], [sflag:s22] =	dma.local [hbm:s5], s20  }
0xa4: {  	_ =	swait.ge [sflag:s22], s20  }
0xa5: {  	s4 =	ssub.s32 $0x0, s20;
	[sflag:s22] =	ssyncset.done $0x0  }
0xa6: {  	[sflag:s22] =	ssyncadd.s32 s4;
	_ =	sdelay $0x1  }
0xa7: {  	s23 =	simm.s32 $0x1B8B  }
0xa8: {  	_ =	swait.ge [sflag:s23], $0x1  }
0xa9: {  	[sflag:s23] =	ssyncset.done $0x0  }
0xaa: {  	s25 =	simm.s32 $0x1B8E;
	s24 =	sld [smem:$0x3FFE];
	[sflag:s23] =	ssyncadd.s32 $0xFFFFFFFF  }
0xab: {  	s26 =	simm.s32 $execute0_lowered;
	[smem:$0x3FD2] =	sst s25  }
0xac: {  	s5 =	sshll.u32 s26, $0x1;
	_ =	strace $0x80000046;
	[dreg:$0x1] =	wrdreg $0xFFFFFFFF  }
0xad: {  	s28 =	simm.s32 $_size_execute0_lowered;
	s3 =	sadd.s32 s3, s5;
	[dreg:$0x0] =	wrdreg $0x0  }
0xae: {  	s5 =	sshll.u32 s28, $0x1;
	[dreg:$0x2] =	wrdreg s3  }
0xaf: {  	[dreg:$0x3] =	wrdreg s5  }
0xb0: {  	[dreg:$0x4] =	wrdreg $0xC0  }
0xb1: {  	_ =	task [dreg:s7], $0x5FFFF  }
0xb2: {  	[dreg:$0x1] =	wrdreg $0xFFFFFFFF  }
0xb3: {  	[dreg:$0x0] =	wrdreg $0x60  }
0xb4: {  	[dreg:$0x2] =	wrdreg s24  }
0xb5: {  	[dreg:$0x3] =	wrdreg s16  }
0xb6: {  	[dreg:$0x4] =	wrdreg $0x0  }
0xb7: {  	[dreg:$0x5] =	wrdreg $0x9  }
0xb8: {  	_ =	task.clear_ibuf [dreg:s7], $0x6FFFF;
	_ =	strace $0x90000046  }
0xb9: {  	s29 =	simm.s32 $0x9;
	_ =	strace $0x80000048  }
0xba: {  	_ =	swait.ge [sflag:s29], $0x1  }
0xbb: {  	[sflag:s29] =	ssyncadd.s32 $0xFFFFFFFF  }
0xbc: {  	_ =	strace $0x90000048  }
0xbd: {  	_ =	sfence  }
0xbe: {  	s30 =	sld [smem:$0x0];
	_ =	sdelay $0x2  }
0xbf: {  	s31 =	sshll.u32 s1, $0xD;
	s1 =	sshrl.u32 s1, $0x2  }
0xc0: {  	s3 =	sand.u32 $0x4000, s31;
	s1 =	sadd.s32 s1, s30  }
0xc1: {  	s0 =	sor.u32 s3, s0;
	s1 =	sshll.u32 s1, $0x11  }
0xc2: {  	s0 =	sor.u32 s1, s0  }
0xc3: {  	s0 =	sadd.s32 $0x8F2B, s0  }
0xc4: {  	[sflag:s0] =	ssyncadd.remote.s32 $0x1  }
0xc5: {  	_ =	sfence.sel $0xFFFF  }
0xc6: {  	[dreg:$0x0] =	wrdreg $0xFFFFFFFF;
	(pc) =	sbr.abs _section_cstart, $3  }
0xc7: {  	[dreg:$0x1] =	wrdreg $0xFFFFFFFF  }
0xc8: {  	_ =	task.clear_ibuf [dreg:s7], $0x2FFFF;
	_ =	strace $0x9FFFFFFF  }
0xc9: {  	(tm) =	ssettm $0x7FFFFFFF  }
tec
execute0_lowered:
.L_overlay_start_1:
0x0: {  	(tag) =	ssettag $0x1  }
0x1: {  	s0 =	rddreg [dreg:$0x0]  }
0x2: {  	s1 =	rddreg [dreg:$0x1];
	s3 =	srdreg.scid  }
0x3: {  	s12 =	stileid.u32;
	s2 =	rddreg [dreg:$0x2]  }
0x4: {  	s7 =	simm.s32 $0x0;
	s16 =	simm.s32 $0x13880;
	s17 =	simm.s32 $0xA  }
0x5: {  	s19 =	simm.s32 $0x40;
	s20 =	simm.s32 $0x17880;
	s28 =	simm.s32 $0x1  }
0x6: {  	s29 =	simm.s32 $0x2;
	s30 =	simm.s32 $0x3;
	s31 =	simm.s32 $0x4  }
0x7: {  	s14 =	simm.s32 $0x8;
	s15 =	simm.s32 $0x0;
	s3 =	sand.u32 $0x1, s3  }
0x8: {  	s4 =	sshll.u32 s12, $0x1;
	s21 =	sshrl.u32 s12, $0x2;
	s22 =	smul.u32 $0x7D000, s12  }
0x9: {  	[smem:$0x7FF] =	sst s7;
	s11 =	smul.u32 $0x1F400, s12;
	p0 =	sgt.u32 s12, $0x9  }
0xa: {  	s6 =	sor.u32 s3, s4;
	s4 =	smul.u32 $0x14000, s21;
	_ =	strace $0x80000047  }
0xb: {  	s23 =	ssub.s32 $0x2, s3;
	s3 =	smul.u32 $0x138800, s3;
	s5 =	sshll.u32 s6, $0x7  }
0xc: {  	s9 =	smul.u32 $0x6000, s6;
	s10 =	sshrl.u32 s23, $0x1;
	s7 =	sshrl.u32 s22, $0x2  }
0xd: {  	s22 =	simm.s32 $0x19880;
	s5 =	sand.u32 $0x380, s5;
	s13 =	sadd.s32 s7, s2  }
0xe: {  	s3 =	sadd.s32 s11, s3;
	s5 =	sor.u32 s4, s5;
	s4 =	sadd.s32 $0x28200, s0  }
0xf: {  	s24 =	sshrl.u32 s9, $0x3;
	s9 =	sor.u32 $0xC00, s9;
	s5 =	sshrl.u32 s5, $0x3  }
0x10: {  	s8 =	sadd.s32 s5, s0;
	s5 =	sadd.s32 $0x6200, s0;
	s0 =	sadd.s32 $0x4F400, s0  }
0x11: {  	s3 =	sshrl.u32 s3, $0x3;
	s13 =	sshrl.u32 @!p0 s13, $0x3;
	[dreg:$0x4] =	wrdreg s0  }
.Ltmp0:
0x12: {  	s0 =	ssub.s32 s23, s10;
	s25 =	sadd.s32 $0x1E200, s8;
	(pc) =	sbr.rel .LBB2_1-.Ltmp0, $4  }
0x13: {  	s26 =	sadd.s32 s5, s24;
	s10 =	sadd.s32 s1, s3;
	s24 =	simm.s32 $0x1B880  }
0x14: {  	s1 =	simm.s32 $0x5;
	s3 =	simm.s32 $0x7;
	[dreg:$0x5] =	wrdreg s25  }
0x15: {  	[dreg:$0x6] =	wrdreg s26;
	s11 =	smax.u32 s0, $0x1;
	s0 =	sshll.u32 @!p0 s12, $0x6  }
0x16: {  	s26 =	simm.s32 $0x1D880;
	s12 =	sor.u32 @!p0 $0x1C0A, s0;
	s0 =	simm.s32 $0x6  }
.LBB2_4:
0x17: {  	_ =	swait.ge [sflag:s0], $0x2000  }
0x18: {  	[sflag:s0] =	ssyncset.done $0x0  }
0x19: {  	[sflag:s0] =	ssyncadd.s32 $0xFFFFE000  }
0x1a: {  	_ =	swait.ge [sflag:s3], $0x2000  }
0x1b: {  	[sflag:s3] =	ssyncset.done $0x0  }
0x1c: {  	[sflag:s3] =	ssyncadd.s32 $0xFFFFE000  }
0x1d: {  	_ =	swait.ge [sflag:s14], $0x2000  }
0x1e: {  	s15 =	sadd.s32 $0x1, s15;
	[sflag:s14] =	ssyncset.done $0x0  }
0x1f: {  	p1 =	sne.s32 s15, s11;
	[sflag:s14] =	ssyncadd.s32 $0xFFFFE000  }
.Ltmp1:
0x20: {  	s6 =	simm.s32 @!p0 $0xA;
	[bflag:$0x0] =	sbarrier.arrive $0xFFFF;
	(pc) =	sbr.rel @!p1 .LBB2_5-.Ltmp1, $4  }
0x21: {  	[hbm:s10], [sflag:s12] =	dma.local @!p0 [spmem:s13], $0x3E80  }
0x22: {  	_ =	swait.ge @!p0 [sflag:s6], $0x3E80  }
0x23: {  	[sflag:s6] =	ssyncset.done @!p0 $0x0  }
0x24: {  	[sflag:s6] =	ssyncadd.s32 @!p0 $0xFFFFC180  }
.LBB2_1:
0x25: {  	s6 =	rddreg [dreg:$0x4];
	s18 =	simm.s32 @!p0 $0xA  }
0x26: {  	[spmem:s13], [sflag:s12] =	dma.local @!p0 [hbm:s6], $0x3E80  }
0x27: {  	_ =	swait.ge @!p0 [sflag:s18], $0x3E80  }
0x28: {  	s7 =	simm.s32 $0x80;
	[sflag:s18] =	ssyncset.done @!p0 $0x0  }
0x29: {  	s8 =	simm.s32 $0x400;
	s25 =	rddreg [dreg:$0x5];
	[sflag:s18] =	ssyncadd.s32 @!p0 $0xFFFFC180  }
0x2a: {  	[tilespmem:s16], [sflag:$0xA] =	stream.strided.gather [hbm4b:s25+s7], $0x2800, s8, s7, $0x38;
	[tilespmem:$0x1F880] =	vst v63  }
0x2b: {  	_ =	swait.ge [sflag:s17], $0x2800  }
0x2c: {  	s18 =	simm.s32 $0x16080;
	[sflag:s17] =	ssyncset.done $0x0  }
0x2d: {  	s7 =	simm.s32 $0x0;
	s8 =	rddreg [dreg:$0x6];
	[sflag:s17] =	ssyncadd.s32 $0xFFFFD800  }
0x2e: {  	[tilespmem:s18], [sflag:$0xA] =	stream.linear.gather [hbm4b:s8+s7], $0xA00, $0x38;
	[tilespmem:$0x1F880] =	vst v63  }
0x2f: {  	_ =	swait.ge [sflag:s17], $0xA00  }
0x30: {  	[sflag:s17] =	ssyncset.done $0x0  }
0x31: {  	[sflag:s17] =	ssyncadd.s32 $0xFFFFF600  }
0x32: {  	[bflag:$0x0] =	sbarrier.arrive $0xFFFF  }
0x33: {  	[tilespmem:s20], [sflag:$0x1] =	stream.indirect.gather [hbm4b:s4+s19], $0x80, s16, s19, $0xb8;
	[tilespmem:$0x1F880] =	vst v63  }
0x34: {  	s21 =	simm.s32 $0x138C0  }
0x35: {  	[tilespmem:s22], [sflag:$0x2] =	stream.indirect.gather [hbm4b:s4+s19], $0x80, s21, s19, $0xb8;
	[tilespmem:$0x1F880] =	vst v63  }
0x36: {  	s23 =	simm.s32 $0x13900  }
0x37: {  	[tilespmem:s24], [sflag:$0x3] =	stream.indirect.gather [hbm4b:s4+s19], $0x80, s23, s19, $0xb8;
	[tilespmem:$0x1F880] =	vst v63  }
0x38: {  	s25 =	simm.s32 $0x13940;
	s18 =	simm.s32 $0x13A40;
	s21 =	simm.s32 $0x0  }
0x39: {  	[tilespmem:s26], [sflag:$0x4] =	stream.indirect.gather [hbm4b:s4+s19], $0x80, s25, s19, $0xb8;
	[tilespmem:$0x1F880] =	vst v63  }
.LBB2_2:
0x3a: {  	s23 =	smul.u32 $0xCD, s21;
	_ =	sdelay $0x1  }
0x3b: {  	s23 =	sshrl.u32 s23, $0xA  }
0x3c: {  	s25 =	sand.u32 $0x3F, s23  }
0x3d: {  	s6 =	smul.u32 $0x5, s25;
	_ =	sdelay $0x1  }
0x3e: {  	p1 =	sgt.u32 s21, $0x22;
	s6 =	ssub.s32 s21, s6  }
0x3f: {  	p2 =	slt.u32 s21, $0x5;
	s7 =	sand.u32 @!p1 $0xFF, s6  }
0x40: {  	s8 =	sand.u32 @!p2 $0xFF, s6;
	p3 =	sne.s32 @!p1 s7, $0x0  }
0x41: {  	p1 =	por p3, p1;
	p3 =	sne.s32 @!p2 s8, $0x0  }
0x42: {  	s7 =	sand.u32 $0x1, s23;
	p2 =	por p3, p2  }
0x43: {  	s8 =	smul.u32 @!p1 $0xC00, s25;
	s23 =	sxor.u32 @!p1 $0x1, s7;
	s25 =	simm.s32 @!p2 $0x9  }
0x44: {  	s6 =	sand.u32 $0xFF, s6;
	s23 =	smul.u32 @!p1 $0x3000, s23;
	_ =	swait.ge @!p2 [sflag:s25], $0xA00  }
0x45: {  	s7 =	smul.u32 $0x3000, s7;
	s8 =	sadd.s32 @!p1 s8, s9;
	[sflag:s25] =	ssyncset.done @!p2 $0x0  }
0x46: {  	s23 =	sshrl.u32 @!p1 s23, $0x2;
	s8 =	sshrl.u32 @!p1 s8, $0x3;
	[sflag:s25] =	ssyncadd.s32 @!p2 $0xFFFFF600  }
0x47: {  	s23 =	sor.u32 @!p1 $0x16080, s23;
	s8 =	sadd.s32 @!p1 s5, s8;
	s25 =	simm.s32 @!p1 $0x0  }
0x48: {  	[tilespmem:s23], [sflag:$0x9] =	stream.linear.gather @!p1 [hbm4b:s8+s25], $0xA00, $0x38;
	[tilespmem:$0x1F880] =	vst v63  }
0x49: {  	s6 =	sshll.u32 s6, $0x9;
	s7 =	sshrl.u32 s7, $0x2;
	_ =	swait.ge [sflag:s28], $0x2000  }
0x4a: {  	s6 =	sadd.s32 s6, s7;
	[sflag:s28] =	ssyncset.done $0x0  }
0x4b: {  	s6 =	sadd.s32 $0x16080, s6;
	[sflag:s28] =	ssyncadd.s32 $0xFFFFE000  }
0x4c: {  	[spmem:s2] =	stream.indirect.scatter.add.f32 [tilespmem:s20], [sflag:$0x5], $0x80, s6, s19, $0xb8;
	[tilespmem:$0x1F880] =	vst v63  }
0x4d: {  	_ =	swait.ge [sflag:s29], $0x2000  }
0x4e: {  	[sflag:s29] =	ssyncset.done $0x0  }
0x4f: {  	s23 =	sadd.s32 $0x80, s6;
	[sflag:s29] =	ssyncadd.s32 $0xFFFFE000  }
0x50: {  	[spmem:s2] =	stream.indirect.scatter.add.f32 [tilespmem:s22], [sflag:$0x6], $0x80, s23, s19, $0xb8;
	[tilespmem:$0x1F880] =	vst v63  }
0x51: {  	_ =	swait.ge [sflag:s30], $0x2000  }
0x52: {  	[sflag:s30] =	ssyncset.done $0x0  }
0x53: {  	s25 =	sor.u32 $0x100, s6;
	[sflag:s30] =	ssyncadd.s32 $0xFFFFE000  }
0x54: {  	[spmem:s2] =	stream.indirect.scatter.add.f32 [tilespmem:s24], [sflag:$0x7], $0x80, s25, s19, $0xb8;
	[tilespmem:$0x1F880] =	vst v63  }
0x55: {  	_ =	swait.ge [sflag:s31], $0x2000  }
0x56: {  	p1 =	seq.s32 s21, $0x27;
	[sflag:s31] =	ssyncset.done $0x0  }
.Ltmp2:
0x57: {  	s6 =	sadd.s32 $0x180, s6;
	[sflag:s31] =	ssyncadd.s32 $0xFFFFE000;
	(pc) =	sbr.rel @p1 .LBB2_4-.Ltmp2, $4  }
0x58: {  	[spmem:s2] =	stream.indirect.scatter.add.f32 [tilespmem:s26], [sflag:$0x8], $0x80, s6, s19, $0xb8;
	[tilespmem:$0x1F880] =	vst v63  }
0x59: {  	_ =	swait.ge [sflag:s1], $0x2000  }
0x5a: {  	[sflag:s1] =	ssyncset.done $0x0  }
0x5b: {  	[sflag:s1] =	ssyncadd.s32 $0xFFFFE000  }
0x5c: {  	s6 =	sadd.s32 $0xFFFFFF40, s18  }
0x5d: {  	[tilespmem:s20], [sflag:$0x1] =	stream.indirect.gather [hbm4b:s4+s19], $0x80, s6, s19, $0xb8;
	[tilespmem:$0x1F880] =	vst v63  }
0x5e: {  	_ =	swait.ge [sflag:s0], $0x2000  }
0x5f: {  	[sflag:s0] =	ssyncset.done $0x0  }
0x60: {  	s23 =	sadd.s32 $0xFFFFFF80, s18;
	[sflag:s0] =	ssyncadd.s32 $0xFFFFE000  }
0x61: {  	[tilespmem:s22], [sflag:$0x2] =	stream.indirect.gather [hbm4b:s4+s19], $0x80, s23, s19, $0xb8;
	[tilespmem:$0x1F880] =	vst v63  }
0x62: {  	_ =	swait.ge [sflag:s3], $0x2000  }
0x63: {  	[sflag:s3] =	ssyncset.done $0x0  }
0x64: {  	s25 =	sadd.s32 $0xFFFFFFC0, s18;
	[sflag:s3] =	ssyncadd.s32 $0xFFFFE000  }
0x65: {  	[tilespmem:s24], [sflag:$0x3] =	stream.indirect.gather [hbm4b:s4+s19], $0x80, s25, s19, $0xb8;
	[tilespmem:$0x1F880] =	vst v63  }
.Ltmp3:
0x66: {  	_ =	swait.ge [sflag:s14], $0x2000;
	(pc) =	sbr.rel .LBB2_2-.Ltmp3, $4  }
0x67: {  	[sflag:s14] =	ssyncset.done $0x0  }
0x68: {  	[sflag:s14] =	ssyncadd.s32 $0xFFFFE000  }
0x69: {  	[tilespmem:s26], [sflag:$0x4] =	stream.indirect.gather [hbm4b:s4+s19], $0x80, s18, s19, $0xb8;
	[tilespmem:$0x1F880] =	vst v63  }
0x6a: {  	s21 =	sadd.s32 $0x1, s21;
	s18 =	sadd.s32 $0x100, s18  }
.LBB2_5:
0x6b: {  	_ =	sfence.sel $0x180000  }
0x6c: {  	[bflag:$0x0] =	sbarrier.arrive $0xFFFF  }
0x6d: {  	_ =	strace $0x90000047  }
0x6e: {  	s0 =	stileid.u32;
	[bflag:$0x2] =	sbarrier.arrive $0xFFFF  }
0x6f: {  	p0 =	sne.s32 s0, $0x0;
	s0 =	rddreg [dreg:$0x3]  }
0x70: {  	s0 =	sadd.s32 @!p0 $0x100000, s0  }
0x71: {  	[sflag:s0] =	ssyncadd.tile.s32 @!p0 $0x1;
	_ =	shalt  }
.Lfunc_end2:
_tile_overlayer_lowered:
.L_overlay_start_2:
0x72: {  	(tag) =	ssettag $0x2  }
0x73: {  	s0 =	rddreg [dreg:$0x0];
	s2 =	stileid.u32  }
0x74: {  	s1 =	rddreg [dreg:$0x1];
	p0 =	sne.s32 s2, $0x0  }
0x75: {  	s3 =	rddreg [dreg:$0x2];
	[bflag:$0x3] =	sbarrier.arrive $0xFFFF;
	s2 =	simm.s32 @!p0 $0x1C0A  }
0x76: {  	[timem:s3], [sflag:s2] =	dma.local @!p0 [hbm:s0], s1  }
0x77: {  	s0 =	simm.s32 @!p0 $0xA  }
0x78: {  	_ =	swait.ge @!p0 [sflag:s0], s1  }
0x79: {  	s1 =	ssub.s32 @!p0 $0x0, s1;
	[sflag:s0] =	ssyncset.done @!p0 $0x0  }
0x7a: {  	[sflag:s0] =	ssyncadd.s32 @!p0 s1  }
0x7b: {  	[bflag:$0x3] =	sbarrier.arrive $0xFFFF  }
0x7c: {  	_ =	shalt  }

</sc_bundles>
